<compile_context>
chip_gen: v7x
topology: tpu7x:2x2x1
jax: 0.10.2.dev20260603
libtpu: 0.0.44.dev20260713+nightly
codegen_flags: <defaults>
</compile_context>

<pallas_src>
import jax
import jax.numpy as jnp
from jax import lax
from jax.experimental import pallas as pl
from jax.experimental.pallas import tpu as pltpu
from jax.experimental.pallas import tpu_sc as plsc

N_NODES = 10000
N_EDGES = 160000
D = 256
DH = 128
NC, NS = 2, 16
EDGES_PER_TILE = N_EDGES // NS
CHUNK = 40
NCHUNK = EDGES_PER_TILE // CHUNK
N_PAD = 10112
ROWS_PER_TILE = N_PAD // NS
NBUF = 4


def _agg_body(xs_hbm, srco_hbm, dst_hbm, ea_hbm, zero_hbm, agg_hbm,
              accum, idx_v, dst_v, xr_v, ea_v, sem_idx, sem_data, sem_sc):
    c = lax.axis_index("c")
    s = lax.axis_index("s")

    r0 = s * ROWS_PER_TILE
    pltpu.sync_copy(zero_hbm, accum.at[pl.ds(r0, ROWS_PER_TILE)])
    plsc.subcore_barrier()

    ebase = s * EDGES_PER_TILE

    def issue_loads(j, b):
        e0 = ebase + j * CHUNK
        pltpu.async_copy(srco_hbm.at[pl.ds(c * N_EDGES + e0, CHUNK)],
                         idx_v[b], sem_idx[b])
        pltpu.async_copy(dst_hbm.at[pl.ds(e0, CHUNK)], dst_v[b], sem_idx[b])
        pltpu.async_copy(ea_hbm.at[pl.ds(e0, CHUNK), pl.ds(c * DH, DH)],
                         ea_v[b], sem_data[b])

    def wait_idx(b):
        pltpu.make_async_copy(srco_hbm.at[pl.ds(0, CHUNK)], idx_v[b],
                              sem_idx[b]).wait()
        pltpu.make_async_copy(dst_hbm.at[pl.ds(0, CHUNK)], dst_v[b],
                              sem_idx[b]).wait()

    def issue_gather(b):
        pltpu.async_copy(xs_hbm.at[idx_v[b]], xr_v[b], sem_data[b])

    def wait_data(b):
        pltpu.make_async_copy(ea_hbm.at[pl.ds(0, CHUNK), pl.ds(0, DH)],
                              ea_v[b], sem_data[b]).wait()
        pltpu.make_async_copy(xs_hbm.at[idx_v[b]], xr_v[b],
                              sem_data[b]).wait()

    def compute(b):
        xr, ea = xr_v[b], ea_v[b]

        def row_body(r, rcarry):
            for cc in range(DH // 16):
                v = xr[r, pl.ds(cc * 16, 16)] + ea[r, pl.ds(cc * 16, 16)]
                xr[r, pl.ds(cc * 16, 16)] = jnp.maximum(v, 0.0)
            return rcarry

        lax.fori_loop(0, CHUNK, row_body, 0)

    def issue_scatter(b):
        pltpu.async_copy(xr_v[b], accum.at[dst_v[b]], sem_sc[b], add=True)

    def wait_scatter(b):
        pltpu.make_async_copy(xr_v[b], accum.at[dst_v[b]], sem_sc[b]).wait()

    for b in range(3):
        issue_loads(b, b)
    wait_idx(0)
    issue_gather(0)

    for j in range(NBUF):
        b = j % NBUF
        bg = (b + 1) % NBUF
        wait_idx(bg)
        issue_gather(bg)
        wait_data(b)
        compute(b)
        issue_scatter(b)
        if j >= 1:
            wait_scatter((b + NBUF - 1) % NBUF)
        issue_loads(j + 3, (b + 3) % NBUF)

    NBODY = (NCHUNK - NBUF - 1) // NBUF

    def body(i, carry):
        j0 = NBUF + i * NBUF
        for u in range(NBUF):
            j = j0 + u
            b = u
            bg = (b + 1) % NBUF
            wait_idx(bg)
            issue_gather(bg)
            wait_data(b)
            compute(b)
            issue_scatter(b)
            wait_scatter((b + NBUF - 1) % NBUF)
            pl.when(j <= NCHUNK - NBUF)(
                lambda jn=j + 3, bn=(b + 3) % NBUF: issue_loads(jn, bn))
        return carry

    lax.fori_loop(0, NBODY, body, 0)

    for j in range(NBUF + NBODY * NBUF, NCHUNK):
        b = j % NBUF
        if j < NCHUNK - 1:
            bg = (b + 1) % NBUF
            wait_idx(bg)
            issue_gather(bg)
        wait_data(b)
        compute(b)
        issue_scatter(b)
        wait_scatter((b + NBUF - 1) % NBUF)
        if j + 3 <= NCHUNK - 1:
            issue_loads(j + 3, (b + 3) % NBUF)
    wait_scatter((NCHUNK - 1) % NBUF)

    plsc.subcore_barrier()

    pltpu.sync_copy(accum.at[pl.ds(r0, ROWS_PER_TILE)],
                    agg_hbm.at[c, pl.ds(r0, ROWS_PER_TILE)])


def _sc_agg(xs, srco, dst, ea, zeros):
    mesh = plsc.VectorSubcoreMesh(core_axis_name="c", subcore_axis_name="s")
    return pl.kernel(
        _agg_body,
        out_type=jax.ShapeDtypeStruct((NC, N_PAD, DH), jnp.float32),
        mesh=mesh,
        scratch_types=[
            pltpu.VMEM_SHARED((N_PAD, DH), jnp.float32),
            [pltpu.VMEM((CHUNK,), jnp.int32) for _ in range(NBUF)],
            [pltpu.VMEM((CHUNK,), jnp.int32) for _ in range(NBUF)],
            [pltpu.VMEM((CHUNK, DH), jnp.float32) for _ in range(NBUF)],
            [pltpu.VMEM((CHUNK, DH), jnp.float32) for _ in range(NBUF)],
            [pltpu.SemaphoreType.DMA for _ in range(NBUF)],
            [pltpu.SemaphoreType.DMA for _ in range(NBUF)],
            [pltpu.SemaphoreType.DMA for _ in range(NBUF)],
        ],
    )(xs, srco, dst, ea, zeros)


ROW_BLK = 2528


def _mlp_body(eps_ref, x_ref, a0_ref, a1_ref, w1_ref, b1_ref, w2_ref, b2_ref,
              out_ref):
    h = x_ref[...] * (1.0 + eps_ref[0]) + jnp.concatenate(
        [a0_ref[0], a1_ref[0]], axis=1)
    h1 = lax.dot_general(h.astype(jnp.bfloat16),
                         w1_ref[...].astype(jnp.bfloat16),
                         (((1,), (1,)), ((), ())),
                         preferred_element_type=jnp.float32)
    h1 = jnp.maximum(h1 + b1_ref[...], 0.0)
    out_ref[...] = lax.dot_general(h1.astype(jnp.bfloat16),
                                   w2_ref[...].astype(jnp.bfloat16),
                                   (((1,), (1,)), ((), ())),
                                   preferred_element_type=jnp.float32) + b2_ref[...]


def _mlp(x, agg, W1, b1, W2, b2, eps):
    grid = (N_PAD // ROW_BLK,)
    return pl.pallas_call(
        _mlp_body,
        grid=grid,
        in_specs=[
            pl.BlockSpec(memory_space=pltpu.SMEM),
            pl.BlockSpec((ROW_BLK, D), lambda i: (i, 0)),
            pl.BlockSpec((1, ROW_BLK, DH), lambda i: (0, i, 0)),
            pl.BlockSpec((1, ROW_BLK, DH), lambda i: (1, i, 0)),
            pl.BlockSpec((D, D), lambda i: (0, 0)),
            pl.BlockSpec((1, D), lambda i: (0, 0)),
            pl.BlockSpec((D, D), lambda i: (0, 0)),
            pl.BlockSpec((1, D), lambda i: (0, 0)),
        ],
        out_specs=pl.BlockSpec((ROW_BLK, D), lambda i: (i, 0)),
        out_shape=jax.ShapeDtypeStruct((N_NODES, D), jnp.float32),
    )(eps, x, agg, agg, W1, b1, W2, b2)


def kernel(x, edge_index, edge_attr, W1, b1, W2, b2, eps):
    src = edge_index[0].astype(jnp.int32)
    dst = edge_index[1].astype(jnp.int32)
    xs = jnp.concatenate([x[:, :DH], x[:, DH:]], axis=0)
    srco = jnp.concatenate([src, src + N_NODES])
    zeros = jnp.zeros((ROWS_PER_TILE, DH), jnp.float32)
    agg = _sc_agg(xs, srco, dst, edge_attr, zeros)
    eps_s = jnp.reshape(eps, (1,)).astype(jnp.float32)
    return _mlp(x, agg, W1, jnp.reshape(b1, (1, D)), W2,
                jnp.reshape(b2, (1, D)), eps_s)

# --- scband reference (transcript-rebuilt; emitter-appended) ---
"""Pipeline reference for scband-gineconv-3693671875303 (READ-ONLY COPY).

The authoritative reference and input builder live on the scoring server;
editing this copy changes nothing except your own understanding.
"""

import jax, jax.numpy as jnp
import numpy as np

N_NODES = 10000
N_EDGES = 160000
D = 256


def setup_inputs(seed: int = 0) -> dict:
    key = jax.random.key(seed)
    k1, k2, k3, k4, k5, k6, k7 = jax.random.split(key, 7)
    x = jax.random.normal(k1, (N_NODES, D), dtype=jnp.float32)
    edge_index = jax.random.randint(k2, (2, N_EDGES), 0, N_NODES, dtype=jnp.int64)
    edge_attr = jax.random.normal(k3, (N_EDGES, D), dtype=jnp.float32)
    # MLP params (2-layer: Linear(D,D) -> ReLU -> Linear(D,D)), kaiming-ish init
    s1 = 1.0 / np.sqrt(D)
    W1 = jax.random.uniform(k4, (D, D), dtype=jnp.float32, minval=-s1, maxval=s1)
    b1 = jax.random.uniform(k5, (D,), dtype=jnp.float32, minval=-s1, maxval=s1)
    W2 = jax.random.uniform(k6, (D, D), dtype=jnp.float32, minval=-s1, maxval=s1)
    b2 = jax.random.uniform(k7, (D,), dtype=jnp.float32, minval=-s1, maxval=s1)
    eps = jnp.zeros((), dtype=jnp.float32)  # train_eps=True, initialized to 0
    return {"x": x, "edge_index": edge_index, "edge_attr": edge_attr,
            "W1": W1, "b1": b1, "W2": W2, "b2": b2, "eps": eps}


def reference(x, edge_index, edge_attr, W1, b1, W2, b2, eps):
    src = edge_index[0]
    dst = edge_index[1]
    # GINEConv message: ReLU(x_j + edge_attr)
    msg = jax.nn.relu(jnp.take(x, src, axis=0) + edge_attr)
    # sum aggregation at destination nodes
    agg = jax.ops.segment_sum(msg, dst, num_segments=N_NODES)
    h = (1.0 + eps) * x + agg
    # MLP: Linear -> ReLU -> Linear
    h1 = jax.nn.relu(h @ W1.T + b1)
    out = h1 @ W2.T + b2
    return out

if __name__ == "__main__":
    import jax
    _d = setup_inputs()
    print(jax.jit(kernel)(*tuple(_d.values())))

</pallas_src>

<mosaic_0001>
#map = affine_map<(d0, d1) -> (0, 0)>
#map1 = affine_map<(d0, d1) -> (0)>
#map2 = affine_map<(d0, d1) -> (0, 0, 0)>
module attributes {stable_mosaic.version = 14 : i64} {
  func.func @_agg_body(%arg0: i32, %arg1: i32, %arg2: memref<20000x128xf32, #tpu.memory_space<hbm>>, %arg3: memref<320000xi32, #tpu.memory_space<hbm>>, %arg4: memref<160000xi32, #tpu.memory_space<hbm>>, %arg5: memref<160000x256xf32, #tpu.memory_space<hbm>>, %arg6: memref<632x128xf32, #tpu.memory_space<hbm>>, %arg7: memref<2x10112x128xf32, #tpu.memory_space<hbm>>, %arg8: memref<10112x128xf32, #tpu.memory_space<vmem_shared>>, %arg9: memref<40xi32, #tpu.memory_space<vmem>>, %arg10: memref<40xi32, #tpu.memory_space<vmem>>, %arg11: memref<40xi32, #tpu.memory_space<vmem>>, %arg12: memref<40xi32, #tpu.memory_space<vmem>>, %arg13: memref<40xi32, #tpu.memory_space<vmem>>, %arg14: memref<40xi32, #tpu.memory_space<vmem>>, %arg15: memref<40xi32, #tpu.memory_space<vmem>>, %arg16: memref<40xi32, #tpu.memory_space<vmem>>, %arg17: memref<40x128xf32, #tpu.memory_space<vmem>>, %arg18: memref<40x128xf32, #tpu.memory_space<vmem>>, %arg19: memref<40x128xf32, #tpu.memory_space<vmem>>, %arg20: memref<40x128xf32, #tpu.memory_space<vmem>>, %arg21: memref<40x128xf32, #tpu.memory_space<vmem>>, %arg22: memref<40x128xf32, #tpu.memory_space<vmem>>, %arg23: memref<40x128xf32, #tpu.memory_space<vmem>>, %arg24: memref<40x128xf32, #tpu.memory_space<vmem>>, %arg25: memref<!tpu.dma_semaphore, #tpu.memory_space<semaphore_mem>>, %arg26: memref<!tpu.dma_semaphore, #tpu.memory_space<semaphore_mem>>, %arg27: memref<!tpu.dma_semaphore, #tpu.memory_space<semaphore_mem>>, %arg28: memref<!tpu.dma_semaphore, #tpu.memory_space<semaphore_mem>>, %arg29: memref<!tpu.dma_semaphore, #tpu.memory_space<semaphore_mem>>, %arg30: memref<!tpu.dma_semaphore, #tpu.memory_space<semaphore_mem>>, %arg31: memref<!tpu.dma_semaphore, #tpu.memory_space<semaphore_mem>>, %arg32: memref<!tpu.dma_semaphore, #tpu.memory_space<semaphore_mem>>, %arg33: memref<!tpu.dma_semaphore, #tpu.memory_space<semaphore_mem>>, %arg34: memref<!tpu.dma_semaphore, #tpu.memory_space<semaphore_mem>>, %arg35: memref<!tpu.dma_semaphore, #tpu.memory_space<semaphore_mem>>, %arg36: memref<!tpu.dma_semaphore, #tpu.memory_space<semaphore_mem>>) attributes {dimension_semantics = [#tpu.dimension_semantics<core_parallel>, #tpu.dimension_semantics<subcore_parallel>], iteration_bounds = array<i64: 2, 16>, scalar_prefetch = 0 : i64, scratch_operands = 29 : i64, tpu.core_type = #tpu.core_type<sc_vector_subcore>, window_params = [{transform_indices = #map}, {transform_indices = #map1}, {transform_indices = #map1}, {transform_indices = #map}, {transform_indices = #map}, {transform_indices = #map2}]} {
    %mul3A = arith.constant 632 : i32
    %mul3A_0 = arith.muli %arg1, %mul3A : i32
    "tpu.region"() ({
      %run_scoped3A = tpu.sem_alloc : memref<!tpu.dma_semaphore, #tpu.memory_space<semaphore_mem>>
      %dma_start3A_289 = arith.constant 0 : i32
      %dma_start3A_290 = tpu.memref_slice %arg8[%mul3A_0, %dma_start3A_289] : memref<10112x128xf32, #tpu.memory_space<vmem_shared>> -> memref<632x128xf32, #tpu.memory_space<vmem_shared>>
      tpu.enqueue_dma source(%arg6 : memref<632x128xf32, #tpu.memory_space<hbm>>) target(%dma_start3A_290 : memref<632x128xf32, #tpu.memory_space<vmem_shared>>) target_semaphore(%run_scoped3A : memref<!tpu.dma_semaphore, #tpu.memory_space<semaphore_mem>>)
      %dma_wait3A_291 = arith.constant 0 : i32
      %dma_wait3A_292 = tpu.memref_slice %arg8[%mul3A_0, %dma_wait3A_291] : memref<10112x128xf32, #tpu.memory_space<vmem_shared>> -> memref<632x128xf32, #tpu.memory_space<vmem_shared>>
      tpu.wait_dma2 semaphore(%run_scoped3A : memref<!tpu.dma_semaphore, #tpu.memory_space<semaphore_mem>>) src(%arg6 : memref<632x128xf32, #tpu.memory_space<hbm>>) dst(%dma_wait3A_292 : memref<632x128xf32, #tpu.memory_space<vmem_shared>>)
      tpu.yield
    }) : () -> ()
    %barrier3A = arith.constant 0 : index
    tpu.barrier barrier_id(%barrier3A)
    %mul3A_1 = arith.constant 10000 : i32
    %mul3A_2 = arith.muli %arg1, %mul3A_1 : i32
    %add3A = arith.constant 0 : i32
    %add3A_3 = arith.addi %mul3A_2, %add3A : i32
    %mul3A_4 = arith.constant 160000 : i32
    %mul3A_5 = arith.muli %arg0, %mul3A_4 : i32
    %add3A_6 = arith.addi %mul3A_5, %add3A_3 : i32
    %dma_start3A = tpu.memref_slice %arg3[%add3A_6] : memref<320000xi32, #tpu.memory_space<hbm>> -> memref<40xi32, #tpu.memory_space<hbm>>
    %dma_start3A_7 = tpu.memref_slice %arg3[%add3A_6] : memref<320000xi32, #tpu.memory_space<hbm>> -> memref<40xi32, #tpu.memory_space<hbm>>
    tpu.enqueue_dma source(%dma_start3A_7 : memref<40xi32, #tpu.memory_space<hbm>>) target(%arg9 : memref<40xi32, #tpu.memory_space<vmem>>) target_semaphore(%arg25 : memref<!tpu.dma_semaphore, #tpu.memory_space<semaphore_mem>>)
    %dma_start3A_8 = tpu.memref_slice %arg4[%add3A_3] : memref<160000xi32, #tpu.memory_space<hbm>> -> memref<40xi32, #tpu.memory_space<hbm>>
    %dma_start3A_9 = tpu.memref_slice %arg4[%add3A_3] : memref<160000xi32, #tpu.memory_space<hbm>> -> memref<40xi32, #tpu.memory_space<hbm>>
    tpu.enqueue_dma source(%dma_start3A_9 : memref<40xi32, #tpu.memory_space<hbm>>) target(%arg13 : memref<40xi32, #tpu.memory_space<vmem>>) target_semaphore(%arg25 : memref<!tpu.dma_semaphore, #tpu.memory_space<semaphore_mem>>)
    %mul3A_10 = arith.constant 128 : i32
    %mul3A_11 = arith.muli %arg0, %mul3A_10 : i32
    %dma_start3A_12 = tpu.memref_slice %arg5[%add3A_3, %mul3A_11] : memref<160000x256xf32, #tpu.memory_space<hbm>> -> memref<40x128xf32, #tpu.memory_space<hbm>>
    %dma_start3A_13 = tpu.memref_slice %arg5[%add3A_3, %mul3A_11] : memref<160000x256xf32, #tpu.memory_space<hbm>> -> memref<40x128xf32, #tpu.memory_space<hbm>>
    tpu.enqueue_dma source(%dma_start3A_13 : memref<40x128xf32, #tpu.memory_space<hbm>>) target(%arg21 : memref<40x128xf32, #tpu.memory_space<vmem>>) target_semaphore(%arg29 : memref<!tpu.dma_semaphore, #tpu.memory_space<semaphore_mem>>)
    %add3A_14 = arith.constant 40 : i32
    %add3A_15 = arith.addi %mul3A_2, %add3A_14 : i32
    %mul3A_16 = arith.constant 160000 : i32
    %mul3A_17 = arith.muli %arg0, %mul3A_16 : i32
    %add3A_18 = arith.addi %mul3A_17, %add3A_15 : i32
    %dma_start3A_19 = tpu.memref_slice %arg3[%add3A_18] : memref<320000xi32, #tpu.memory_space<hbm>> -> memref<40xi32, #tpu.memory_space<hbm>>
    %dma_start3A_20 = tpu.memref_slice %arg3[%add3A_18] : memref<320000xi32, #tpu.memory_space<hbm>> -> memref<40xi32, #tpu.memory_space<hbm>>
    tpu.enqueue_dma source(%dma_start3A_20 : memref<40xi32, #tpu.memory_space<hbm>>) target(%arg10 : memref<40xi32, #tpu.memory_space<vmem>>) target_semaphore(%arg26 : memref<!tpu.dma_semaphore, #tpu.memory_space<semaphore_mem>>)
    %dma_start3A_21 = tpu.memref_slice %arg4[%add3A_15] : memref<160000xi32, #tpu.memory_space<hbm>> -> memref<40xi32, #tpu.memory_space<hbm>>
    %dma_start3A_22 = tpu.memref_slice %arg4[%add3A_15] : memref<160000xi32, #tpu.memory_space<hbm>> -> memref<40xi32, #tpu.memory_space<hbm>>
    tpu.enqueue_dma source(%dma_start3A_22 : memref<40xi32, #tpu.memory_space<hbm>>) target(%arg14 : memref<40xi32, #tpu.memory_space<vmem>>) target_semaphore(%arg26 : memref<!tpu.dma_semaphore, #tpu.memory_space<semaphore_mem>>)
    %mul3A_23 = arith.constant 128 : i32
    %mul3A_24 = arith.muli %arg0, %mul3A_23 : i32
    %dma_start3A_25 = tpu.memref_slice %arg5[%add3A_15, %mul3A_24] : memref<160000x256xf32, #tpu.memory_space<hbm>> -> memref<40x128xf32, #tpu.memory_space<hbm>>
    %dma_start3A_26 = tpu.memref_slice %arg5[%add3A_15, %mul3A_24] : memref<160000x256xf32, #tpu.memory_space<hbm>> -> memref<40x128xf32, #tpu.memory_space<hbm>>
    tpu.enqueue_dma source(%dma_start3A_26 : memref<40x128xf32, #tpu.memory_space<hbm>>) target(%arg22 : memref<40x128xf32, #tpu.memory_space<vmem>>) target_semaphore(%arg30 : memref<!tpu.dma_semaphore, #tpu.memory_space<semaphore_mem>>)
    %add3A_27 = arith.constant 80 : i32
    %add3A_28 = arith.addi %mul3A_2, %add3A_27 : i32
    %mul3A_29 = arith.constant 160000 : i32
    %mul3A_30 = arith.muli %arg0, %mul3A_29 : i32
    %add3A_31 = arith.addi %mul3A_30, %add3A_28 : i32
    %dma_start3A_32 = tpu.memref_slice %arg3[%add3A_31] : memref<320000xi32, #tpu.memory_space<hbm>> -> memref<40xi32, #tpu.memory_space<hbm>>
    %dma_start3A_33 = tpu.memref_slice %arg3[%add3A_31] : memref<320000xi32, #tpu.memory_space<hbm>> -> memref<40xi32, #tpu.memory_space<hbm>>
    tpu.enqueue_dma source(%dma_start3A_33 : memref<40xi32, #tpu.memory_space<hbm>>) target(%arg11 : memref<40xi32, #tpu.memory_space<vmem>>) target_semaphore(%arg27 : memref<!tpu.dma_semaphore, #tpu.memory_space<semaphore_mem>>)
    %dma_start3A_34 = tpu.memref_slice %arg4[%add3A_28] : memref<160000xi32, #tpu.memory_space<hbm>> -> memref<40xi32, #tpu.memory_space<hbm>>
    %dma_start3A_35 = tpu.memref_slice %arg4[%add3A_28] : memref<160000xi32, #tpu.memory_space<hbm>> -> memref<40xi32, #tpu.memory_space<hbm>>
    tpu.enqueue_dma source(%dma_start3A_35 : memref<40xi32, #tpu.memory_space<hbm>>) target(%arg15 : memref<40xi32, #tpu.memory_space<vmem>>) target_semaphore(%arg27 : memref<!tpu.dma_semaphore, #tpu.memory_space<semaphore_mem>>)
    %mul3A_36 = arith.constant 128 : i32
    %mul3A_37 = arith.muli %arg0, %mul3A_36 : i32
    %dma_start3A_38 = tpu.memref_slice %arg5[%add3A_28, %mul3A_37] : memref<160000x256xf32, #tpu.memory_space<hbm>> -> memref<40x128xf32, #tpu.memory_space<hbm>>
    %dma_start3A_39 = tpu.memref_slice %arg5[%add3A_28, %mul3A_37] : memref<160000x256xf32, #tpu.memory_space<hbm>> -> memref<40x128xf32, #tpu.memory_space<hbm>>
    tpu.enqueue_dma source(%dma_start3A_39 : memref<40x128xf32, #tpu.memory_space<hbm>>) target(%arg23 : memref<40x128xf32, #tpu.memory_space<vmem>>) target_semaphore(%arg31 : memref<!tpu.dma_semaphore, #tpu.memory_space<semaphore_mem>>)
    %dma_wait3A = arith.constant 0 : i32
    %dma_wait3A_40 = tpu.memref_slice %arg3[%dma_wait3A] : memref<320000xi32, #tpu.memory_space<hbm>> -> memref<40xi32, #tpu.memory_space<hbm>>
    %dma_wait3A_41 = arith.constant 0 : i32
    %dma_wait3A_42 = tpu.memref_slice %arg3[%dma_wait3A_41] : memref<320000xi32, #tpu.memory_space<hbm>> -> memref<40xi32, #tpu.memory_space<hbm>>
    tpu.wait_dma2 semaphore(%arg25 : memref<!tpu.dma_semaphore, #tpu.memory_space<semaphore_mem>>) src(%dma_wait3A_42 : memref<40xi32, #tpu.memory_space<hbm>>) dst(%arg9 : memref<40xi32, #tpu.memory_space<vmem>>)
    %dma_wait3A_43 = arith.constant 0 : i32
    %dma_wait3A_44 = tpu.memref_slice %arg4[%dma_wait3A_43] : memref<160000xi32, #tpu.memory_space<hbm>> -> memref<40xi32, #tpu.memory_space<hbm>>
    %dma_wait3A_45 = arith.constant 0 : i32
    %dma_wait3A_46 = tpu.memref_slice %arg4[%dma_wait3A_45] : memref<160000xi32, #tpu.memory_space<hbm>> -> memref<40xi32, #tpu.memory_space<hbm>>
    tpu.wait_dma2 semaphore(%arg25 : memref<!tpu.dma_semaphore, #tpu.memory_space<semaphore_mem>>) src(%dma_wait3A_46 : memref<40xi32, #tpu.memory_space<hbm>>) dst(%arg13 : memref<40xi32, #tpu.memory_space<vmem>>)
    %dma_start3A_47 = arith.constant 0 : i32
    %dma_start3A_48 = arith.constant 0 : i32
    %dma_start3A_49 = tpu.memref_slice %arg2[%dma_start3A_47, %dma_start3A_48] : memref<20000x128xf32, #tpu.memory_space<hbm>> -> memref<20000x128xf32, #tpu.memory_space<hbm>>
    tpu.enqueue_indirect_dma source(%dma_start3A_49 : memref<20000x128xf32, #tpu.memory_space<hbm>>) target(%arg17 : memref<40x128xf32, #tpu.memory_space<vmem>>) offsets(%arg9 : memref<40xi32, #tpu.memory_space<vmem>>) semaphore(%arg29 : memref<!tpu.dma_semaphore, #tpu.memory_space<semaphore_mem>>)
    %dma_wait3A_50 = arith.constant 0 : i32
    %dma_wait3A_51 = tpu.memref_slice %arg3[%dma_wait3A_50] : memref<320000xi32, #tpu.memory_space<hbm>> -> memref<40xi32, #tpu.memory_space<hbm>>
    %dma_wait3A_52 = arith.constant 0 : i32
    %dma_wait3A_53 = tpu.memref_slice %arg3[%dma_wait3A_52] : memref<320000xi32, #tpu.memory_space<hbm>> -> memref<40xi32, #tpu.memory_space<hbm>>
    tpu.wait_dma2 semaphore(%arg26 : memref<!tpu.dma_semaphore, #tpu.memory_space<semaphore_mem>>) src(%dma_wait3A_53 : memref<40xi32, #tpu.memory_space<hbm>>) dst(%arg10 : memref<40xi32, #tpu.memory_space<vmem>>)
    %dma_wait3A_54 = arith.constant 0 : i32
    %dma_wait3A_55 = tpu.memref_slice %arg4[%dma_wait3A_54] : memref<160000xi32, #tpu.memory_space<hbm>> -> memref<40xi32, #tpu.memory_space<hbm>>
    %dma_wait3A_56 = arith.constant 0 : i32
    %dma_wait3A_57 = tpu.memref_slice %arg4[%dma_wait3A_56] : memref<160000xi32, #tpu.memory_space<hbm>> -> memref<40xi32, #tpu.memory_space<hbm>>
    tpu.wait_dma2 semaphore(%arg26 : memref<!tpu.dma_semaphore, #tpu.memory_space<semaphore_mem>>) src(%dma_wait3A_57 : memref<40xi32, #tpu.memory_space<hbm>>) dst(%arg14 : memref<40xi32, #tpu.memory_space<vmem>>)
    %dma_start3A_58 = arith.constant 0 : i32
    %dma_start3A_59 = arith.constant 0 : i32
    %dma_start3A_60 = tpu.memref_slice %arg2[%dma_start3A_58, %dma_start3A_59] : memref<20000x128xf32, #tpu.memory_space<hbm>> -> memref<20000x128xf32, #tpu.memory_space<hbm>>
    tpu.enqueue_indirect_dma source(%dma_start3A_60 : memref<20000x128xf32, #tpu.memory_space<hbm>>) target(%arg18 : memref<40x128xf32, #tpu.memory_space<vmem>>) offsets(%arg10 : memref<40xi32, #tpu.memory_space<vmem>>) semaphore(%arg30 : memref<!tpu.dma_semaphore, #tpu.memory_space<semaphore_mem>>)
    %dma_wait3A_61 = arith.constant 0 : i32
    %dma_wait3A_62 = arith.constant 0 : i32
    %dma_wait3A_63 = tpu.memref_slice %arg5[%dma_wait3A_61, %dma_wait3A_62] : memref<160000x256xf32, #tpu.memory_space<hbm>> -> memref<40x128xf32, #tpu.memory_space<hbm>>
    %dma_wait3A_64 = arith.constant 0 : i32
    %dma_wait3A_65 = arith.constant 0 : i32
    %dma_wait3A_66 = tpu.memref_slice %arg5[%dma_wait3A_64, %dma_wait3A_65] : memref<160000x256xf32, #tpu.memory_space<hbm>> -> memref<40x128xf32, #tpu.memory_space<hbm>>
    tpu.wait_dma2 semaphore(%arg29 : memref<!tpu.dma_semaphore, #tpu.memory_space<semaphore_mem>>) src(%dma_wait3A_66 : memref<40x128xf32, #tpu.memory_space<hbm>>) dst(%arg21 : memref<40x128xf32, #tpu.memory_space<vmem>>)
    %dma_wait3A_67 = arith.constant 0 : i32
    %dma_wait3A_68 = arith.constant 0 : i32
    %dma_wait3A_69 = tpu.memref_slice %arg2[%dma_wait3A_67, %dma_wait3A_68] : memref<20000x128xf32, #tpu.memory_space<hbm>> -> memref<20000x128xf32, #tpu.memory_space<hbm>>
    tpu.wait_indirect_dma semaphore(%arg29 : memref<!tpu.dma_semaphore, #tpu.memory_space<semaphore_mem>>) src(%dma_wait3A_69 : memref<20000x128xf32, #tpu.memory_space<hbm>>) dst(%arg17 : memref<40x128xf32, #tpu.memory_space<vmem>>)
    %scan3A = arith.constant 0 : i32
    %scan3A_70 = arith.constant 0 : i32
    %scan3A_71 = arith.constant 40 : i32
    %scan3A_72 = arith.addi %scan3A_70, %scan3A_71 : i32
    %scan3A_73 = arith.constant 1 : i32
    scf.for %scan3A_289 = %scan3A_70 to %scan3A_72 step %scan3A_73  : i32 {
      %get3A = arith.index_cast %scan3A_289 : i32 to index
      %get3A_290 = arith.constant 0 : index
      %get3A_291 = tpu.vector_load %arg17[%get3A, %get3A_290] {strides = array<i32>} : memref<40x128xf32, #tpu.memory_space<vmem>>, vector<1x16xf32>,
      %get3A_292 = vector.shape_cast %get3A_291 : vector<1x16xf32> to vector<16xf32>
      %get3A_293 = arith.index_cast %scan3A_289 : i32 to index
      %get3A_294 = arith.constant 0 : index
      %get3A_295 = tpu.vector_load %arg21[%get3A_293, %get3A_294] {strides = array<i32>} : memref<40x128xf32, #tpu.memory_space<vmem>>, vector<1x16xf32>,
      %get3A_296 = vector.shape_cast %get3A_295 : vector<1x16xf32> to vector<16xf32>
      %add3A_297 = arith.addf %get3A_292, %get3A_296 : vector<16xf32>
      %max3A = arith.constant 0.000000e+00 : f32
      %max3A_298 = vector.broadcast %max3A : f32 to vector<16xf32>
      %max3A_299 = arith.maximumf %add3A_297, %max3A_298 : vector<16xf32>
      %swap3A = arith.index_cast %scan3A_289 : i32 to index
      %swap3A_300 = arith.constant 0 : index
      %swap3A_301 = tpu.vector_load %arg17[%swap3A, %swap3A_300] {strides = array<i32>} : memref<40x128xf32, #tpu.memory_space<vmem>>, vector<1x16xf32>,
      %swap3A_302 = vector.shape_cast %swap3A_301 : vector<1x16xf32> to vector<16xf32>
      %swap3A_303 = vector.shape_cast %max3A_299 : vector<16xf32> to vector<1x16xf32>
      tpu.vector_store %arg17[%swap3A, %swap3A_300], %swap3A_303 {strides = array<i32>} : memref<40x128xf32, #tpu.memory_space<vmem>>, vector<1x16xf32>,
      %get3A_304 = arith.index_cast %scan3A_289 : i32 to index
      %get3A_305 = arith.constant 16 : index
      %get3A_306 = tpu.vector_load %arg17[%get3A_304, %get3A_305] {strides = array<i32>} : memref<40x128xf32, #tpu.memory_space<vmem>>, vector<1x16xf32>,
      %get3A_307 = vector.shape_cast %get3A_306 : vector<1x16xf32> to vector<16xf32>
      %get3A_308 = arith.index_cast %scan3A_289 : i32 to index
      %get3A_309 = arith.constant 16 : index
      %get3A_310 = tpu.vector_load %arg21[%get3A_308, %get3A_309] {strides = array<i32>} : memref<40x128xf32, #tpu.memory_space<vmem>>, vector<1x16xf32>,
      %get3A_311 = vector.shape_cast %get3A_310 : vector<1x16xf32> to vector<16xf32>
      %add3A_312 = arith.addf %get3A_307, %get3A_311 : vector<16xf32>
      %max3A_313 = arith.constant 0.000000e+00 : f32
      %max3A_314 = vector.broadcast %max3A_313 : f32 to vector<16xf32>
      %max3A_315 = arith.maximumf %add3A_312, %max3A_314 : vector<16xf32>
      %swap3A_316 = arith.index_cast %scan3A_289 : i32 to index
      %swap3A_317 = arith.constant 16 : index
      %swap3A_318 = tpu.vector_load %arg17[%swap3A_316, %swap3A_317] {strides = array<i32>} : memref<40x128xf32, #tpu.memory_space<vmem>>, vector<1x16xf32>,
      %swap3A_319 = vector.shape_cast %swap3A_318 : vector<1x16xf32> to vector<16xf32>
      %swap3A_320 = vector.shape_cast %max3A_315 : vector<16xf32> to vector<1x16xf32>
      tpu.vector_store %arg17[%swap3A_316, %swap3A_317], %swap3A_320 {strides = array<i32>} : memref<40x128xf32, #tpu.memory_space<vmem>>, vector<1x16xf32>,
      %get3A_321 = arith.index_cast %scan3A_289 : i32 to index
      %get3A_322 = arith.constant 32 : index
      %get3A_323 = tpu.vector_load %arg17[%get3A_321, %get3A_322] {strides = array<i32>} : memref<40x128xf32, #tpu.memory_space<vmem>>, vector<1x16xf32>,
      %get3A_324 = vector.shape_cast %get3A_323 : vector<1x16xf32> to vector<16xf32>
      %get3A_325 = arith.index_cast %scan3A_289 : i32 to index
      %get3A_326 = arith.constant 32 : index
      %get3A_327 = tpu.vector_load %arg21[%get3A_325, %get3A_326] {strides = array<i32>} : memref<40x128xf32, #tpu.memory_space<vmem>>, vector<1x16xf32>,
      %get3A_328 = vector.shape_cast %get3A_327 : vector<1x16xf32> to vector<16xf32>
      %add3A_329 = arith.addf %get3A_324, %get3A_328 : vector<16xf32>
      %max3A_330 = arith.constant 0.000000e+00 : f32
      %max3A_331 = vector.broadcast %max3A_330 : f32 to vector<16xf32>
      %max3A_332 = arith.maximumf %add3A_329, %max3A_331 : vector<16xf32>
      %swap3A_333 = arith.index_cast %scan3A_289 : i32 to index
      %swap3A_334 = arith.constant 32 : index
      %swap3A_335 = tpu.vector_load %arg17[%swap3A_333, %swap3A_334] {strides = array<i32>} : memref<40x128xf32, #tpu.memory_space<vmem>>, vector<1x16xf32>,
      %swap3A_336 = vector.shape_cast %swap3A_335 : vector<1x16xf32> to vector<16xf32>
      %swap3A_337 = vector.shape_cast %max3A_332 : vector<16xf32> to vector<1x16xf32>
      tpu.vector_store %arg17[%swap3A_333, %swap3A_334], %swap3A_337 {strides = array<i32>} : memref<40x128xf32, #tpu.memory_space<vmem>>, vector<1x16xf32>,
      %get3A_338 = arith.index_cast %scan3A_289 : i32 to index
      %get3A_339 = arith.constant 48 : index
      %get3A_340 = tpu.vector_load %arg17[%get3A_338, %get3A_339] {strides = array<i32>} : memref<40x128xf32, #tpu.memory_space<vmem>>, vector<1x16xf32>,
      %get3A_341 = vector.shape_cast %get3A_340 : vector<1x16xf32> to vector<16xf32>
      %get3A_342 = arith.index_cast %scan3A_289 : i32 to index
      %get3A_343 = arith.constant 48 : index
      %get3A_344 = tpu.vector_load %arg21[%get3A_342, %get3A_343] {strides = array<i32>} : memref<40x128xf32, #tpu.memory_space<vmem>>, vector<1x16xf32>,
      %get3A_345 = vector.shape_cast %get3A_344 : vector<1x16xf32> to vector<16xf32>
      %add3A_346 = arith.addf %get3A_341, %get3A_345 : vector<16xf32>
      %max3A_347 = arith.constant 0.000000e+00 : f32
      %max3A_348 = vector.broadcast %max3A_347 : f32 to vector<16xf32>
      %max3A_349 = arith.maximumf %add3A_346, %max3A_348 : vector<16xf32>
      %swap3A_350 = arith.index_cast %scan3A_289 : i32 to index
      %swap3A_351 = arith.constant 48 : index
      %swap3A_352 = tpu.vector_load %arg17[%swap3A_350, %swap3A_351] {strides = array<i32>} : memref<40x128xf32, #tpu.memory_space<vmem>>, vector<1x16xf32>,
      %swap3A_353 = vector.shape_cast %swap3A_352 : vector<1x16xf32> to vector<16xf32>
      %swap3A_354 = vector.shape_cast %max3A_349 : vector<16xf32> to vector<1x16xf32>
      tpu.vector_store %arg17[%swap3A_350, %swap3A_351], %swap3A_354 {strides = array<i32>} : memref<40x128xf32, #tpu.memory_space<vmem>>, vector<1x16xf32>,
      %get3A_355 = arith.index_cast %scan3A_289 : i32 to index
      %get3A_356 = arith.constant 64 : index
      %get3A_357 = tpu.vector_load %arg17[%get3A_355, %get3A_356] {strides = array<i32>} : memref<40x128xf32, #tpu.memory_space<vmem>>, vector<1x16xf32>,
      %get3A_358 = vector.shape_cast %get3A_357 : vector<1x16xf32> to vector<16xf32>
      %get3A_359 = arith.index_cast %scan3A_289 : i32 to index
      %get3A_360 = arith.constant 64 : index
      %get3A_361 = tpu.vector_load %arg21[%get3A_359, %get3A_360] {strides = array<i32>} : memref<40x128xf32, #tpu.memory_space<vmem>>, vector<1x16xf32>,
      %get3A_362 = vector.shape_cast %get3A_361 : vector<1x16xf32> to vector<16xf32>
      %add3A_363 = arith.addf %get3A_358, %get3A_362 : vector<16xf32>
      %max3A_364 = arith.constant 0.000000e+00 : f32
      %max3A_365 = vector.broadcast %max3A_364 : f32 to vector<16xf32>
      %max3A_366 = arith.maximumf %add3A_363, %max3A_365 : vector<16xf32>
      %swap3A_367 = arith.index_cast %scan3A_289 : i32 to index
      %swap3A_368 = arith.constant 64 : index
      %swap3A_369 = tpu.vector_load %arg17[%swap3A_367, %swap3A_368] {strides = array<i32>} : memref<40x128xf32, #tpu.memory_space<vmem>>, vector<1x16xf32>,
      %swap3A_370 = vector.shape_cast %swap3A_369 : vector<1x16xf32> to vector<16xf32>
      %swap3A_371 = vector.shape_cast %max3A_366 : vector<16xf32> to vector<1x16xf32>
      tpu.vector_store %arg17[%swap3A_367, %swap3A_368], %swap3A_371 {strides = array<i32>} : memref<40x128xf32, #tpu.memory_space<vmem>>, vector<1x16xf32>,
      %get3A_372 = arith.index_cast %scan3A_289 : i32 to index
      %get3A_373 = arith.constant 80 : index
      %get3A_374 = tpu.vector_load %arg17[%get3A_372, %get3A_373] {strides = array<i32>} : memref<40x128xf32, #tpu.memory_space<vmem>>, vector<1x16xf32>,
      %get3A_375 = vector.shape_cast %get3A_374 : vector<1x16xf32> to vector<16xf32>
      %get3A_376 = arith.index_cast %scan3A_289 : i32 to index
      %get3A_377 = arith.constant 80 : index
      %get3A_378 = tpu.vector_load %arg21[%get3A_376, %get3A_377] {strides = array<i32>} : memref<40x128xf32, #tpu.memory_space<vmem>>, vector<1x16xf32>,
      %get3A_379 = vector.shape_cast %get3A_378 : vector<1x16xf32> to vector<16xf32>
      %add3A_380 = arith.addf %get3A_375, %get3A_379 : vector<16xf32>
      %max3A_381 = arith.constant 0.000000e+00 : f32
      %max3A_382 = vector.broadcast %max3A_381 : f32 to vector<16xf32>
      %max3A_383 = arith.maximumf %add3A_380, %max3A_382 : vector<16xf32>
      %swap3A_384 = arith.index_cast %scan3A_289 : i32 to index
      %swap3A_385 = arith.constant 80 : index
      %swap3A_386 = tpu.vector_load %arg17[%swap3A_384, %swap3A_385] {strides = array<i32>} : memref<40x128xf32, #tpu.memory_space<vmem>>, vector<1x16xf32>,
      %swap3A_387 = vector.shape_cast %swap3A_386 : vector<1x16xf32> to vector<16xf32>
      %swap3A_388 = vector.shape_cast %max3A_383 : vector<16xf32> to vector<1x16xf32>
      tpu.vector_store %arg17[%swap3A_384, %swap3A_385], %swap3A_388 {strides = array<i32>} : memref<40x128xf32, #tpu.memory_space<vmem>>, vector<1x16xf32>,
      %get3A_389 = arith.index_cast %scan3A_289 : i32 to index
      %get3A_390 = arith.constant 96 : index
      %get3A_391 = tpu.vector_load %arg17[%get3A_389, %get3A_390] {strides = array<i32>} : memref<40x128xf32, #tpu.memory_space<vmem>>, vector<1x16xf32>,
      %get3A_392 = vector.shape_cast %get3A_391 : vector<1x16xf32> to vector<16xf32>
      %get3A_393 = arith.index_cast %scan3A_289 : i32 to index
      %get3A_394 = arith.constant 96 : index
      %get3A_395 = tpu.vector_load %arg21[%get3A_393, %get3A_394] {strides = array<i32>} : memref<40x128xf32, #tpu.memory_space<vmem>>, vector<1x16xf32>,
      %get3A_396 = vector.shape_cast %get3A_395 : vector<1x16xf32> to vector<16xf32>
      %add3A_397 = arith.addf %get3A_392, %get3A_396 : vector<16xf32>
      %max3A_398 = arith.constant 0.000000e+00 : f32
      %max3A_399 = vector.broadcast %max3A_398 : f32 to vector<16xf32>
      %max3A_400 = arith.maximumf %add3A_397, %max3A_399 : vector<16xf32>
      %swap3A_401 = arith.index_cast %scan3A_289 : i32 to index
      %swap3A_402 = arith.constant 96 : index
      %swap3A_403 = tpu.vector_load %arg17[%swap3A_401, %swap3A_402] {strides = array<i32>} : memref<40x128xf32, #tpu.memory_space<vmem>>, vector<1x16xf32>,
      %swap3A_404 = vector.shape_cast %swap3A_403 : vector<1x16xf32> to vector<16xf32>
      %swap3A_405 = vector.shape_cast %max3A_400 : vector<16xf32> to vector<1x16xf32>
      tpu.vector_store %arg17[%swap3A_401, %swap3A_402], %swap3A_405 {strides = array<i32>} : memref<40x128xf32, #tpu.memory_space<vmem>>, vector<1x16xf32>,
      %get3A_406 = arith.index_cast %scan3A_289 : i32 to index
      %get3A_407 = arith.constant 112 : index
      %get3A_408 = tpu.vector_load %arg17[%get3A_406, %get3A_407] {strides = array<i32>} : memref<40x128xf32, #tpu.memory_space<vmem>>, vector<1x16xf32>,
      %get3A_409 = vector.shape_cast %get3A_408 : vector<1x16xf32> to vector<16xf32>
      %get3A_410 = arith.index_cast %scan3A_289 : i32 to index
      %get3A_411 = arith.constant 112 : index
      %get3A_412 = tpu.vector_load %arg21[%get3A_410, %get3A_411] {strides = array<i32>} : memref<40x128xf32, #tpu.memory_space<vmem>>, vector<1x16xf32>,
      %get3A_413 = vector.shape_cast %get3A_412 : vector<1x16xf32> to vector<16xf32>
      %add3A_414 = arith.addf %get3A_409, %get3A_413 : vector<16xf32>
      %max3A_415 = arith.constant 0.000000e+00 : f32
      %max3A_416 = vector.broadcast %max3A_415 : f32 to vector<16xf32>
      %max3A_417 = arith.maximumf %add3A_414, %max3A_416 : vector<16xf32>
      %swap3A_418 = arith.index_cast %scan3A_289 : i32 to index
      %swap3A_419 = arith.constant 112 : index
      %swap3A_420 = tpu.vector_load %arg17[%swap3A_418, %swap3A_419] {strides = array<i32>} : memref<40x128xf32, #tpu.memory_space<vmem>>, vector<1x16xf32>,
      %swap3A_421 = vector.shape_cast %swap3A_420 : vector<1x16xf32> to vector<16xf32>
      %swap3A_422 = vector.shape_cast %max3A_417 : vector<16xf32> to vector<1x16xf32>
      tpu.vector_store %arg17[%swap3A_418, %swap3A_419], %swap3A_422 {strides = array<i32>} : memref<40x128xf32, #tpu.memory_space<vmem>>, vector<1x16xf32>,
    }
    %scan3A_74 = arith.constant 40 : i32
    %dma_start3A_75 = arith.constant 0 : i32
    %dma_start3A_76 = arith.constant 0 : i32
    %dma_start3A_77 = tpu.memref_slice %arg8[%dma_start3A_75, %dma_start3A_76] : memref<10112x128xf32, #tpu.memory_space<vmem_shared>> -> memref<10112x128xf32, #tpu.memory_space<vmem_shared>>
    tpu.enqueue_indirect_dma source(%arg17 : memref<40x128xf32, #tpu.memory_space<vmem>>) target(%dma_start3A_77 : memref<10112x128xf32, #tpu.memory_space<vmem_shared>>) offsets(%arg13 : memref<40xi32, #tpu.memory_space<vmem>>) semaphore(%arg33 : memref<!tpu.dma_semaphore, #tpu.memory_space<semaphore_mem>>) {add = true}
    %add3A_78 = arith.constant 120 : i32
    %add3A_79 = arith.addi %mul3A_2, %add3A_78 : i32
    %mul3A_80 = arith.constant 160000 : i32
    %mul3A_81 = arith.muli %arg0, %mul3A_80 : i32
    %add3A_82 = arith.addi %mul3A_81, %add3A_79 : i32
    %dma_start3A_83 = tpu.memref_slice %arg3[%add3A_82] : memref<320000xi32, #tpu.memory_space<hbm>> -> memref<40xi32, #tpu.memory_space<hbm>>
    %dma_start3A_84 = tpu.memref_slice %arg3[%add3A_82] : memref<320000xi32, #tpu.memory_space<hbm>> -> memref<40xi32, #tpu.memory_space<hbm>>
    tpu.enqueue_dma source(%dma_start3A_84 : memref<40xi32, #tpu.memory_space<hbm>>) target(%arg12 : memref<40xi32, #tpu.memory_space<vmem>>) target_semaphore(%arg28 : memref<!tpu.dma_semaphore, #tpu.memory_space<semaphore_mem>>)
    %dma_start3A_85 = tpu.memref_slice %arg4[%add3A_79] : memref<160000xi32, #tpu.memory_space<hbm>> -> memref<40xi32, #tpu.memory_space<hbm>>
    %dma_start3A_86 = tpu.memref_slice %arg4[%add3A_79] : memref<160000xi32, #tpu.memory_space<hbm>> -> memref<40xi32, #tpu.memory_space<hbm>>
    tpu.enqueue_dma source(%dma_start3A_86 : memref<40xi32, #tpu.memory_space<hbm>>) target(%arg16 : memref<40xi32, #tpu.memory_space<vmem>>) target_semaphore(%arg28 : memref<!tpu.dma_semaphore, #tpu.memory_space<semaphore_mem>>)
    %mul3A_87 = arith.constant 128 : i32
    %mul3A_88 = arith.muli %arg0, %mul3A_87 : i32
    %dma_start3A_89 = tpu.memref_slice %arg5[%add3A_79, %mul3A_88] : memref<160000x256xf32, #tpu.memory_space<hbm>> -> memref<40x128xf32, #tpu.memory_space<hbm>>
    %dma_start3A_90 = tpu.memref_slice %arg5[%add3A_79, %mul3A_88] : memref<160000x256xf32, #tpu.memory_space<hbm>> -> memref<40x128xf32, #tpu.memory_space<hbm>>
    tpu.enqueue_dma source(%dma_start3A_90 : memref<40x128xf32, #tpu.memory_space<hbm>>) target(%arg24 : memref<40x128xf32, #tpu.memory_space<vmem>>) target_semaphore(%arg32 : memref<!tpu.dma_semaphore, #tpu.memory_space<semaphore_mem>>)
    %dma_wait3A_91 = arith.constant 0 : i32
    %dma_wait3A_92 = tpu.memref_slice %arg3[%dma_wait3A_91] : memref<320000xi32, #tpu.memory_space<hbm>> -> memref<40xi32, #tpu.memory_space<hbm>>
    %dma_wait3A_93 = arith.constant 0 : i32
    %dma_wait3A_94 = tpu.memref_slice %arg3[%dma_wait3A_93] : memref<320000xi32, #tpu.memory_space<hbm>> -> memref<40xi32, #tpu.memory_space<hbm>>
    tpu.wait_dma2 semaphore(%arg27 : memref<!tpu.dma_semaphore, #tpu.memory_space<semaphore_mem>>) src(%dma_wait3A_94 : memref<40xi32, #tpu.memory_space<hbm>>) dst(%arg11 : memref<40xi32, #tpu.memory_space<vmem>>)
    %dma_wait3A_95 = arith.constant 0 : i32
    %dma_wait3A_96 = tpu.memref_slice %arg4[%dma_wait3A_95] : memref<160000xi32, #tpu.memory_space<hbm>> -> memref<40xi32, #tpu.memory_space<hbm>>
    %dma_wait3A_97 = arith.constant 0 : i32
    %dma_wait3A_98 = tpu.memref_slice %arg4[%dma_wait3A_97] : memref<160000xi32, #tpu.memory_space<hbm>> -> memref<40xi32, #tpu.memory_space<hbm>>
    tpu.wait_dma2 semaphore(%arg27 : memref<!tpu.dma_semaphore, #tpu.memory_space<semaphore_mem>>) src(%dma_wait3A_98 : memref<40xi32, #tpu.memory_space<hbm>>) dst(%arg15 : memref<40xi32, #tpu.memory_space<vmem>>)
    %dma_start3A_99 = arith.constant 0 : i32
    %dma_start3A_100 = arith.constant 0 : i32
    %dma_start3A_101 = tpu.memref_slice %arg2[%dma_start3A_99, %dma_start3A_100] : memref<20000x128xf32, #tpu.memory_space<hbm>> -> memref<20000x128xf32, #tpu.memory_space<hbm>>
    tpu.enqueue_indirect_dma source(%dma_start3A_101 : memref<20000x128xf32, #tpu.memory_space<hbm>>) target(%arg19 : memref<40x128xf32, #tpu.memory_space<vmem>>) offsets(%arg11 : memref<40xi32, #tpu.memory_space<vmem>>) semaphore(%arg31 : memref<!tpu.dma_semaphore, #tpu.memory_space<semaphore_mem>>)
    %dma_wait3A_102 = arith.constant 0 : i32
    %dma_wait3A_103 = arith.constant 0 : i32
    %dma_wait3A_104 = tpu.memref_slice %arg5[%dma_wait3A_102, %dma_wait3A_103] : memref<160000x256xf32, #tpu.memory_space<hbm>> -> memref<40x128xf32, #tpu.memory_space<hbm>>
    %dma_wait3A_105 = arith.constant 0 : i32
    %dma_wait3A_106 = arith.constant 0 : i32
    %dma_wait3A_107 = tpu.memref_slice %arg5[%dma_wait3A_105, %dma_wait3A_106] : memref<160000x256xf32, #tpu.memory_space<hbm>> -> memref<40x128xf32, #tpu.memory_space<hbm>>
    tpu.wait_dma2 semaphore(%arg30 : memref<!tpu.dma_semaphore, #tpu.memory_space<semaphore_mem>>) src(%dma_wait3A_107 : memref<40x128xf32, #tpu.memory_space<hbm>>) dst(%arg22 : memref<40x128xf32, #tpu.memory_space<vmem>>)
    %dma_wait3A_108 = arith.constant 0 : i32
    %dma_wait3A_109 = arith.constant 0 : i32
    %dma_wait3A_110 = tpu.memref_slice %arg2[%dma_wait3A_108, %dma_wait3A_109] : memref<20000x128xf32, #tpu.memory_space<hbm>> -> memref<20000x128xf32, #tpu.memory_space<hbm>>
    tpu.wait_indirect_dma semaphore(%arg30 : memref<!tpu.dma_semaphore, #tpu.memory_space<semaphore_mem>>) src(%dma_wait3A_110 : memref<20000x128xf32, #tpu.memory_space<hbm>>) dst(%arg18 : memref<40x128xf32, #tpu.memory_space<vmem>>)
    %scan3A_111 = arith.constant 0 : i32
    %scan3A_112 = arith.constant 0 : i32
    %scan3A_113 = arith.constant 40 : i32
    %scan3A_114 = arith.addi %scan3A_112, %scan3A_113 : i32
    %scan3A_115 = arith.constant 1 : i32
    scf.for %scan3A_289 = %scan3A_112 to %scan3A_114 step %scan3A_115  : i32 {
      %get3A = arith.index_cast %scan3A_289 : i32 to index
      %get3A_290 = arith.constant 0 : index
      %get3A_291 = tpu.vector_load %arg18[%get3A, %get3A_290] {strides = array<i32>} : memref<40x128xf32, #tpu.memory_space<vmem>>, vector<1x16xf32>,
      %get3A_292 = vector.shape_cast %get3A_291 : vector<1x16xf32> to vector<16xf32>
      %get3A_293 = arith.index_cast %scan3A_289 : i32 to index
      %get3A_294 = arith.constant 0 : index
      %get3A_295 = tpu.vector_load %arg22[%get3A_293, %get3A_294] {strides = array<i32>} : memref<40x128xf32, #tpu.memory_space<vmem>>, vector<1x16xf32>,
      %get3A_296 = vector.shape_cast %get3A_295 : vector<1x16xf32> to vector<16xf32>
      %add3A_297 = arith.addf %get3A_292, %get3A_296 : vector<16xf32>
      %max3A = arith.constant 0.000000e+00 : f32
      %max3A_298 = vector.broadcast %max3A : f32 to vector<16xf32>
      %max3A_299 = arith.maximumf %add3A_297, %max3A_298 : vector<16xf32>
      %swap3A = arith.index_cast %scan3A_289 : i32 to index
      %swap3A_300 = arith.constant 0 : index
      %swap3A_301 = tpu.vector_load %arg18[%swap3A, %swap3A_300] {strides = array<i32>} : memref<40x128xf32, #tpu.memory_space<vmem>>, vector<1x16xf32>,
      %swap3A_302 = vector.shape_cast %swap3A_301 : vector<1x16xf32> to vector<16xf32>
      %swap3A_303 = vector.shape_cast %max3A_299 : vector<16xf32> to vector<1x16xf32>
      tpu.vector_store %arg18[%swap3A, %swap3A_300], %swap3A_303 {strides = array<i32>} : memref<40x128xf32, #tpu.memory_space<vmem>>, vector<1x16xf32>,
      %get3A_304 = arith.index_cast %scan3A_289 : i32 to index
      %get3A_305 = arith.constant 16 : index
      %get3A_306 = tpu.vector_load %arg18[%get3A_304, %get3A_305] {strides = array<i32>} : memref<40x128xf32, #tpu.memory_space<vmem>>, vector<1x16xf32>,
      %get3A_307 = vector.shape_cast %get3A_306 : vector<1x16xf32> to vector<16xf32>
      %get3A_308 = arith.index_cast %scan3A_289 : i32 to index
      %get3A_309 = arith.constant 16 : index
      %get3A_310 = tpu.vector_load %arg22[%get3A_308, %get3A_309] {strides = array<i32>} : memref<40x128xf32, #tpu.memory_space<vmem>>, vector<1x16xf32>,
      %get3A_311 = vector.shape_cast %get3A_310 : vector<1x16xf32> to vector<16xf32>
      %add3A_312 = arith.addf %get3A_307, %get3A_311 : vector<16xf32>
      %max3A_313 = arith.constant 0.000000e+00 : f32
      %max3A_314 = vector.broadcast %max3A_313 : f32 to vector<16xf32>
      %max3A_315 = arith.maximumf %add3A_312, %max3A_314 : vector<16xf32>
      %swap3A_316 = arith.index_cast %scan3A_289 : i32 to index
      %swap3A_317 = arith.constant 16 : index
      %swap3A_318 = tpu.vector_load %arg18[%swap3A_316, %swap3A_317] {strides = array<i32>} : memref<40x128xf32, #tpu.memory_space<vmem>>, vector<1x16xf32>,
      %swap3A_319 = vector.shape_cast %swap3A_318 : vector<1x16xf32> to vector<16xf32>
      %swap3A_320 = vector.shape_cast %max3A_315 : vector<16xf32> to vector<1x16xf32>
      tpu.vector_store %arg18[%swap3A_316, %swap3A_317], %swap3A_320 {strides = array<i32>} : memref<40x128xf32, #tpu.memory_space<vmem>>, vector<1x16xf32>,
      %get3A_321 = arith.index_cast %scan3A_289 : i32 to index
      %get3A_322 = arith.constant 32 : index
      %get3A_323 = tpu.vector_load %arg18[%get3A_321, %get3A_322] {strides = array<i32>} : memref<40x128xf32, #tpu.memory_space<vmem>>, vector<1x16xf32>,
      %get3A_324 = vector.shape_cast %get3A_323 : vector<1x16xf32> to vector<16xf32>
      %get3A_325 = arith.index_cast %scan3A_289 : i32 to index
      %get3A_326 = arith.constant 32 : index
      %get3A_327 = tpu.vector_load %arg22[%get3A_325, %get3A_326] {strides = array<i32>} : memref<40x128xf32, #tpu.memory_space<vmem>>, vector<1x16xf32>,
      %get3A_328 = vector.shape_cast %get3A_327 : vector<1x16xf32> to vector<16xf32>
      %add3A_329 = arith.addf %get3A_324, %get3A_328 : vector<16xf32>
      %max3A_330 = arith.constant 0.000000e+00 : f32
      %max3A_331 = vector.broadcast %max3A_330 : f32 to vector<16xf32>
      %max3A_332 = arith.maximumf %add3A_329, %max3A_331 : vector<16xf32>
      %swap3A_333 = arith.index_cast %scan3A_289 : i32 to index
      %swap3A_334 = arith.constant 32 : index
      %swap3A_335 = tpu.vector_load %arg18[%swap3A_333, %swap3A_334] {strides = array<i32>} : memref<40x128xf32, #tpu.memory_space<vmem>>, vector<1x16xf32>,
      %swap3A_336 = vector.shape_cast %swap3A_335 : vector<1x16xf32> to vector<16xf32>
      %swap3A_337 = vector.shape_cast %max3A_332 : vector<16xf32> to vector<1x16xf32>
      tpu.vector_store %arg18[%swap3A_333, %swap3A_334], %swap3A_337 {strides = array<i32>} : memref<40x128xf32, #tpu.memory_space<vmem>>, vector<1x16xf32>,
      %get3A_338 = arith.index_cast %scan3A_289 : i32 to index
      %get3A_339 = arith.constant 48 : index
      %get3A_340 = tpu.vector_load %arg18[%get3A_338, %get3A_339] {strides = array<i32>} : memref<40x128xf32, #tpu.memory_space<vmem>>, vector<1x16xf32>,
      %get3A_341 = vector.shape_cast %get3A_340 : vector<1x16xf32> to vector<16xf32>
      %get3A_342 = arith.index_cast %scan3A_289 : i32 to index
      %get3A_343 = arith.constant 48 : index
      %get3A_344 = tpu.vector_load %arg22[%get3A_342, %get3A_343] {strides = array<i32>} : memref<40x128xf32, #tpu.memory_space<vmem>>, vector<1x16xf32>,
      %get3A_345 = vector.shape_cast %get3A_344 : vector<1x16xf32> to vector<16xf32>
      %add3A_346 = arith.addf %get3A_341, %get3A_345 : vector<16xf32>
      %max3A_347 = arith.constant 0.000000e+00 : f32
      %max3A_348 = vector.broadcast %max3A_347 : f32 to vector<16xf32>
      %max3A_349 = arith.maximumf %add3A_346, %max3A_348 : vector<16xf32>
      %swap3A_350 = arith.index_cast %scan3A_289 : i32 to index
      %swap3A_351 = arith.constant 48 : index
      %swap3A_352 = tpu.vector_load %arg18[%swap3A_350, %swap3A_351] {strides = array<i32>} : memref<40x128xf32, #tpu.memory_space<vmem>>, vector<1x16xf32>,
      %swap3A_353 = vector.shape_cast %swap3A_352 : vector<1x16xf32> to vector<16xf32>
      %swap3A_354 = vector.shape_cast %max3A_349 : vector<16xf32> to vector<1x16xf32>
      tpu.vector_store %arg18[%swap3A_350, %swap3A_351], %swap3A_354 {strides = array<i32>} : memref<40x128xf32, #tpu.memory_space<vmem>>, vector<1x16xf32>,
      %get3A_355 = arith.index_cast %scan3A_289 : i32 to index
      %get3A_356 = arith.constant 64 : index
      %get3A_357 = tpu.vector_load %arg18[%get3A_355, %get3A_356] {strides = array<i32>} : memref<40x128xf32, #tpu.memory_space<vmem>>, vector<1x16xf32>,
      %get3A_358 = vector.shape_cast %get3A_357 : vector<1x16xf32> to vector<16xf32>
      %get3A_359 = arith.index_cast %scan3A_289 : i32 to index
      %get3A_360 = arith.constant 64 : index
      %get3A_361 = tpu.vector_load %arg22[%get3A_359, %get3A_360] {strides = array<i32>} : memref<40x128xf32, #tpu.memory_space<vmem>>, vector<1x16xf32>,
      %get3A_362 = vector.shape_cast %get3A_361 : vector<1x16xf32> to vector<16xf32>
      %add3A_363 = arith.addf %get3A_358, %get3A_362 : vector<16xf32>
      %max3A_364 = arith.constant 0.000000e+00 : f32
      %max3A_365 = vector.broadcast %max3A_364 : f32 to vector<16xf32>
      %max3A_366 = arith.maximumf %add3A_363, %max3A_365 : vector<16xf32>
      %swap3A_367 = arith.index_cast %scan3A_289 : i32 to index
      %swap3A_368 = arith.constant 64 : index
      %swap3A_369 = tpu.vector_load %arg18[%swap3A_367, %swap3A_368] {strides = array<i32>} : memref<40x128xf32, #tpu.memory_space<vmem>>, vector<1x16xf32>,
      %swap3A_370 = vector.shape_cast %swap3A_369 : vector<1x16xf32> to vector<16xf32>
      %swap3A_371 = vector.shape_cast %max3A_366 : vector<16xf32> to vector<1x16xf32>
      tpu.vector_store %arg18[%swap3A_367, %swap3A_368], %swap3A_371 {strides = array<i32>} : memref<40x128xf32, #tpu.memory_space<vmem>>, vector<1x16xf32>,
      %get3A_372 = arith.index_cast %scan3A_289 : i32 to index
      %get3A_373 = arith.constant 80 : index
      %get3A_374 = tpu.vector_load %arg18[%get3A_372, %get3A_373] {strides = array<i32>} : memref<40x128xf32, #tpu.memory_space<vmem>>, vector<1x16xf32>,
      %get3A_375 = vector.shape_cast %get3A_374 : vector<1x16xf32> to vector<16xf32>
      %get3A_376 = arith.index_cast %scan3A_289 : i32 to index
      %get3A_377 = arith.constant 80 : index
      %get3A_378 = tpu.vector_load %arg22[%get3A_376, %get3A_377] {strides = array<i32>} : memref<40x128xf32, #tpu.memory_space<vmem>>, vector<1x16xf32>,
      %get3A_379 = vector.shape_cast %get3A_378 : vector<1x16xf32> to vector<16xf32>
      %add3A_380 = arith.addf %get3A_375, %get3A_379 : vector<16xf32>
      %max3A_381 = arith.constant 0.000000e+00 : f32
      %max3A_382 = vector.broadcast %max3A_381 : f32 to vector<16xf32>
      %max3A_383 = arith.maximumf %add3A_380, %max3A_382 : vector<16xf32>
      %swap3A_384 = arith.index_cast %scan3A_289 : i32 to index
      %swap3A_385 = arith.constant 80 : index
      %swap3A_386 = tpu.vector_load %arg18[%swap3A_384, %swap3A_385] {strides = array<i32>} : memref<40x128xf32, #tpu.memory_space<vmem>>, vector<1x16xf32>,
      %swap3A_387 = vector.shape_cast %swap3A_386 : vector<1x16xf32> to vector<16xf32>
      %swap3A_388 = vector.shape_cast %max3A_383 : vector<16xf32> to vector<1x16xf32>
      tpu.vector_store %arg18[%swap3A_384, %swap3A_385], %swap3A_388 {strides = array<i32>} : memref<40x128xf32, #tpu.memory_space<vmem>>, vector<1x16xf32>,
      %get3A_389 = arith.index_cast %scan3A_289 : i32 to index
      %get3A_390 = arith.constant 96 : index
      %get3A_391 = tpu.vector_load %arg18[%get3A_389, %get3A_390] {strides = array<i32>} : memref<40x128xf32, #tpu.memory_space<vmem>>, vector<1x16xf32>,
      %get3A_392 = vector.shape_cast %get3A_391 : vector<1x16xf32> to vector<16xf32>
      %get3A_393 = arith.index_cast %scan3A_289 : i32 to index
      %get3A_394 = arith.constant 96 : index
      %get3A_395 = tpu.vector_load %arg22[%get3A_393, %get3A_394] {strides = array<i32>} : memref<40x128xf32, #tpu.memory_space<vmem>>, vector<1x16xf32>,
      %get3A_396 = vector.shape_cast %get3A_395 : vector<1x16xf32> to vector<16xf32>
      %add3A_397 = arith.addf %get3A_392, %get3A_396 : vector<16xf32>
      %max3A_398 = arith.constant 0.000000e+00 : f32
      %max3A_399 = vector.broadcast %max3A_398 : f32 to vector<16xf32>
      %max3A_400 = arith.maximumf %add3A_397, %max3A_399 : vector<16xf32>
      %swap3A_401 = arith.index_cast %scan3A_289 : i32 to index
      %swap3A_402 = arith.constant 96 : index
      %swap3A_403 = tpu.vector_load %arg18[%swap3A_401, %swap3A_402] {strides = array<i32>} : memref<40x128xf32, #tpu.memory_space<vmem>>, vector<1x16xf32>,
      %swap3A_404 = vector.shape_cast %swap3A_403 : vector<1x16xf32> to vector<16xf32>
      %swap3A_405 = vector.shape_cast %max3A_400 : vector<16xf32> to vector<1x16xf32>
      tpu.vector_store %arg18[%swap3A_401, %swap3A_402], %swap3A_405 {strides = array<i32>} : memref<40x128xf32, #tpu.memory_space<vmem>>, vector<1x16xf32>,
      %get3A_406 = arith.index_cast %scan3A_289 : i32 to index
      %get3A_407 = arith.constant 112 : index
      %get3A_408 = tpu.vector_load %arg18[%get3A_406, %get3A_407] {strides = array<i32>} : memref<40x128xf32, #tpu.memory_space<vmem>>, vector<1x16xf32>,
      %get3A_409 = vector.shape_cast %get3A_408 : vector<1x16xf32> to vector<16xf32>
      %get3A_410 = arith.index_cast %scan3A_289 : i32 to index
      %get3A_411 = arith.constant 112 : index
      %get3A_412 = tpu.vector_load %arg22[%get3A_410, %get3A_411] {strides = array<i32>} : memref<40x128xf32, #tpu.memory_space<vmem>>, vector<1x16xf32>,
      %get3A_413 = vector.shape_cast %get3A_412 : vector<1x16xf32> to vector<16xf32>
      %add3A_414 = arith.addf %get3A_409, %get3A_413 : vector<16xf32>
      %max3A_415 = arith.constant 0.000000e+00 : f32
      %max3A_416 = vector.broadcast %max3A_415 : f32 to vector<16xf32>
      %max3A_417 = arith.maximumf %add3A_414, %max3A_416 : vector<16xf32>
      %swap3A_418 = arith.index_cast %scan3A_289 : i32 to index
      %swap3A_419 = arith.constant 112 : index
      %swap3A_420 = tpu.vector_load %arg18[%swap3A_418, %swap3A_419] {strides = array<i32>} : memref<40x128xf32, #tpu.memory_space<vmem>>, vector<1x16xf32>,
      %swap3A_421 = vector.shape_cast %swap3A_420 : vector<1x16xf32> to vector<16xf32>
      %swap3A_422 = vector.shape_cast %max3A_417 : vector<16xf32> to vector<1x16xf32>
      tpu.vector_store %arg18[%swap3A_418, %swap3A_419], %swap3A_422 {strides = array<i32>} : memref<40x128xf32, #tpu.memory_space<vmem>>, vector<1x16xf32>,
    }
    %scan3A_116 = arith.constant 40 : i32
    %dma_start3A_117 = arith.constant 0 : i32
    %dma_start3A_118 = arith.constant 0 : i32
    %dma_start3A_119 = tpu.memref_slice %arg8[%dma_start3A_117, %dma_start3A_118] : memref<10112x128xf32, #tpu.memory_space<vmem_shared>> -> memref<10112x128xf32, #tpu.memory_space<vmem_shared>>
    tpu.enqueue_indirect_dma source(%arg18 : memref<40x128xf32, #tpu.memory_space<vmem>>) target(%dma_start3A_119 : memref<10112x128xf32, #tpu.memory_space<vmem_shared>>) offsets(%arg14 : memref<40xi32, #tpu.memory_space<vmem>>) semaphore(%arg34 : memref<!tpu.dma_semaphore, #tpu.memory_space<semaphore_mem>>) {add = true}
    %dma_wait3A_120 = arith.constant 0 : i32
    %dma_wait3A_121 = arith.constant 0 : i32
    %dma_wait3A_122 = tpu.memref_slice %arg8[%dma_wait3A_120, %dma_wait3A_121] : memref<10112x128xf32, #tpu.memory_space<vmem_shared>> -> memref<10112x128xf32, #tpu.memory_space<vmem_shared>>
    tpu.wait_indirect_dma semaphore(%arg33 : memref<!tpu.dma_semaphore, #tpu.memory_space<semaphore_mem>>) src(%arg17 : memref<40x128xf32, #tpu.memory_space<vmem>>) dst(%dma_wait3A_122 : memref<10112x128xf32, #tpu.memory_space<vmem_shared>>)
    %add3A_123 = arith.constant 160 : i32
    %add3A_124 = arith.addi %mul3A_2, %add3A_123 : i32
    %mul3A_125 = arith.constant 160000 : i32
    %mul3A_126 = arith.muli %arg0, %mul3A_125 : i32
    %add3A_127 = arith.addi %mul3A_126, %add3A_124 : i32
    %dma_start3A_128 = tpu.memref_slice %arg3[%add3A_127] : memref<320000xi32, #tpu.memory_space<hbm>> -> memref<40xi32, #tpu.memory_space<hbm>>
    %dma_start3A_129 = tpu.memref_slice %arg3[%add3A_127] : memref<320000xi32, #tpu.memory_space<hbm>> -> memref<40xi32, #tpu.memory_space<hbm>>
    tpu.enqueue_dma source(%dma_start3A_129 : memref<40xi32, #tpu.memory_space<hbm>>) target(%arg9 : memref<40xi32, #tpu.memory_space<vmem>>) target_semaphore(%arg25 : memref<!tpu.dma_semaphore, #tpu.memory_space<semaphore_mem>>)
    %dma_start3A_130 = tpu.memref_slice %arg4[%add3A_124] : memref<160000xi32, #tpu.memory_space<hbm>> -> memref<40xi32, #tpu.memory_space<hbm>>
    %dma_start3A_131 = tpu.memref_slice %arg4[%add3A_124] : memref<160000xi32, #tpu.memory_space<hbm>> -> memref<40xi32, #tpu.memory_space<hbm>>
    tpu.enqueue_dma source(%dma_start3A_131 : memref<40xi32, #tpu.memory_space<hbm>>) target(%arg13 : memref<40xi32, #tpu.memory_space<vmem>>) target_semaphore(%arg25 : memref<!tpu.dma_semaphore, #tpu.memory_space<semaphore_mem>>)
    %mul3A_132 = arith.constant 128 : i32
    %mul3A_133 = arith.muli %arg0, %mul3A_132 : i32
    %dma_start3A_134 = tpu.memref_slice %arg5[%add3A_124, %mul3A_133] : memref<160000x256xf32, #tpu.memory_space<hbm>> -> memref<40x128xf32, #tpu.memory_space<hbm>>
    %dma_start3A_135 = tpu.memref_slice %arg5[%add3A_124, %mul3A_133] : memref<160000x256xf32, #tpu.memory_space<hbm>> -> memref<40x128xf32, #tpu.memory_space<hbm>>
    tpu.enqueue_dma source(%dma_start3A_135 : memref<40x128xf32, #tpu.memory_space<hbm>>) target(%arg21 : memref<40x128xf32, #tpu.memory_space<vmem>>) target_semaphore(%arg29 : memref<!tpu.dma_semaphore, #tpu.memory_space<semaphore_mem>>)
    %dma_wait3A_136 = arith.constant 0 : i32
    %dma_wait3A_137 = tpu.memref_slice %arg3[%dma_wait3A_136] : memref<320000xi32, #tpu.memory_space<hbm>> -> memref<40xi32, #tpu.memory_space<hbm>>
    %dma_wait3A_138 = arith.constant 0 : i32
    %dma_wait3A_139 = tpu.memref_slice %arg3[%dma_wait3A_138] : memref<320000xi32, #tpu.memory_space<hbm>> -> memref<40xi32, #tpu.memory_space<hbm>>
    tpu.wait_dma2 semaphore(%arg28 : memref<!tpu.dma_semaphore, #tpu.memory_space<semaphore_mem>>) src(%dma_wait3A_139 : memref<40xi32, #tpu.memory_space<hbm>>) dst(%arg12 : memref<40xi32, #tpu.memory_space<vmem>>)
    %dma_wait3A_140 = arith.constant 0 : i32
    %dma_wait3A_141 = tpu.memref_slice %arg4[%dma_wait3A_140] : memref<160000xi32, #tpu.memory_space<hbm>> -> memref<40xi32, #tpu.memory_space<hbm>>
    %dma_wait3A_142 = arith.constant 0 : i32
    %dma_wait3A_143 = tpu.memref_slice %arg4[%dma_wait3A_142] : memref<160000xi32, #tpu.memory_space<hbm>> -> memref<40xi32, #tpu.memory_space<hbm>>
    tpu.wait_dma2 semaphore(%arg28 : memref<!tpu.dma_semaphore, #tpu.memory_space<semaphore_mem>>) src(%dma_wait3A_143 : memref<40xi32, #tpu.memory_space<hbm>>) dst(%arg16 : memref<40xi32, #tpu.memory_space<vmem>>)
    %dma_start3A_144 = arith.constant 0 : i32
    %dma_start3A_145 = arith.constant 0 : i32
    %dma_start3A_146 = tpu.memref_slice %arg2[%dma_start3A_144, %dma_start3A_145] : memref<20000x128xf32, #tpu.memory_space<hbm>> -> memref<20000x128xf32, #tpu.memory_space<hbm>>
    tpu.enqueue_indirect_dma source(%dma_start3A_146 : memref<20000x128xf32, #tpu.memory_space<hbm>>) target(%arg20 : memref<40x128xf32, #tpu.memory_space<vmem>>) offsets(%arg12 : memref<40xi32, #tpu.memory_space<vmem>>) semaphore(%arg32 : memref<!tpu.dma_semaphore, #tpu.memory_space<semaphore_mem>>)
    %dma_wait3A_147 = arith.constant 0 : i32
    %dma_wait3A_148 = arith.constant 0 : i32
    %dma_wait3A_149 = tpu.memref_slice %arg5[%dma_wait3A_147, %dma_wait3A_148] : memref<160000x256xf32, #tpu.memory_space<hbm>> -> memref<40x128xf32, #tpu.memory_space<hbm>>
    %dma_wait3A_150 = arith.constant 0 : i32
    %dma_wait3A_151 = arith.constant 0 : i32
    %dma_wait3A_152 = tpu.memref_slice %arg5[%dma_wait3A_150, %dma_wait3A_151] : memref<160000x256xf32, #tpu.memory_space<hbm>> -> memref<40x128xf32, #tpu.memory_space<hbm>>
    tpu.wait_dma2 semaphore(%arg31 : memref<!tpu.dma_semaphore, #tpu.memory_space<semaphore_mem>>) src(%dma_wait3A_152 : memref<40x128xf32, #tpu.memory_space<hbm>>) dst(%arg23 : memref<40x128xf32, #tpu.memory_space<vmem>>)
    %dma_wait3A_153 = arith.constant 0 : i32
    %dma_wait3A_154 = arith.constant 0 : i32
    %dma_wait3A_155 = tpu.memref_slice %arg2[%dma_wait3A_153, %dma_wait3A_154] : memref<20000x128xf32, #tpu.memory_space<hbm>> -> memref<20000x128xf32, #tpu.memory_space<hbm>>
    tpu.wait_indirect_dma semaphore(%arg31 : memref<!tpu.dma_semaphore, #tpu.memory_space<semaphore_mem>>) src(%dma_wait3A_155 : memref<20000x128xf32, #tpu.memory_space<hbm>>) dst(%arg19 : memref<40x128xf32, #tpu.memory_space<vmem>>)
    %scan3A_156 = arith.constant 0 : i32
    %scan3A_157 = arith.constant 0 : i32
    %scan3A_158 = arith.constant 40 : i32
    %scan3A_159 = arith.addi %scan3A_157, %scan3A_158 : i32
    %scan3A_160 = arith.constant 1 : i32
    scf.for %scan3A_289 = %scan3A_157 to %scan3A_159 step %scan3A_160  : i32 {
      %get3A = arith.index_cast %scan3A_289 : i32 to index
      %get3A_290 = arith.constant 0 : index
      %get3A_291 = tpu.vector_load %arg19[%get3A, %get3A_290] {strides = array<i32>} : memref<40x128xf32, #tpu.memory_space<vmem>>, vector<1x16xf32>,
      %get3A_292 = vector.shape_cast %get3A_291 : vector<1x16xf32> to vector<16xf32>
      %get3A_293 = arith.index_cast %scan3A_289 : i32 to index
      %get3A_294 = arith.constant 0 : index
      %get3A_295 = tpu.vector_load %arg23[%get3A_293, %get3A_294] {strides = array<i32>} : memref<40x128xf32, #tpu.memory_space<vmem>>, vector<1x16xf32>,
      %get3A_296 = vector.shape_cast %get3A_295 : vector<1x16xf32> to vector<16xf32>
      %add3A_297 = arith.addf %get3A_292, %get3A_296 : vector<16xf32>
      %max3A = arith.constant 0.000000e+00 : f32
      %max3A_298 = vector.broadcast %max3A : f32 to vector<16xf32>
      %max3A_299 = arith.maximumf %add3A_297, %max3A_298 : vector<16xf32>
      %swap3A = arith.index_cast %scan3A_289 : i32 to index
      %swap3A_300 = arith.constant 0 : index
      %swap3A_301 = tpu.vector_load %arg19[%swap3A, %swap3A_300] {strides = array<i32>} : memref<40x128xf32, #tpu.memory_space<vmem>>, vector<1x16xf32>,
      %swap3A_302 = vector.shape_cast %swap3A_301 : vector<1x16xf32> to vector<16xf32>
      %swap3A_303 = vector.shape_cast %max3A_299 : vector<16xf32> to vector<1x16xf32>
      tpu.vector_store %arg19[%swap3A, %swap3A_300], %swap3A_303 {strides = array<i32>} : memref<40x128xf32, #tpu.memory_space<vmem>>, vector<1x16xf32>,
      %get3A_304 = arith.index_cast %scan3A_289 : i32 to index
      %get3A_305 = arith.constant 16 : index
      %get3A_306 = tpu.vector_load %arg19[%get3A_304, %get3A_305] {strides = array<i32>} : memref<40x128xf32, #tpu.memory_space<vmem>>, vector<1x16xf32>,
      %get3A_307 = vector.shape_cast %get3A_306 : vector<1x16xf32> to vector<16xf32>
      %get3A_308 = arith.index_cast %scan3A_289 : i32 to index
      %get3A_309 = arith.constant 16 : index
      %get3A_310 = tpu.vector_load %arg23[%get3A_308, %get3A_309] {strides = array<i32>} : memref<40x128xf32, #tpu.memory_space<vmem>>, vector<1x16xf32>,
      %get3A_311 = vector.shape_cast %get3A_310 : vector<1x16xf32> to vector<16xf32>
      %add3A_312 = arith.addf %get3A_307, %get3A_311 : vector<16xf32>
      %max3A_313 = arith.constant 0.000000e+00 : f32
      %max3A_314 = vector.broadcast %max3A_313 : f32 to vector<16xf32>
      %max3A_315 = arith.maximumf %add3A_312, %max3A_314 : vector<16xf32>
      %swap3A_316 = arith.index_cast %scan3A_289 : i32 to index
      %swap3A_317 = arith.constant 16 : index
      %swap3A_318 = tpu.vector_load %arg19[%swap3A_316, %swap3A_317] {strides = array<i32>} : memref<40x128xf32, #tpu.memory_space<vmem>>, vector<1x16xf32>,
      %swap3A_319 = vector.shape_cast %swap3A_318 : vector<1x16xf32> to vector<16xf32>
      %swap3A_320 = vector.shape_cast %max3A_315 : vector<16xf32> to vector<1x16xf32>
      tpu.vector_store %arg19[%swap3A_316, %swap3A_317], %swap3A_320 {strides = array<i32>} : memref<40x128xf32, #tpu.memory_space<vmem>>, vector<1x16xf32>,
      %get3A_321 = arith.index_cast %scan3A_289 : i32 to index
      %get3A_322 = arith.constant 32 : index
      %get3A_323 = tpu.vector_load %arg19[%get3A_321, %get3A_322] {strides = array<i32>} : memref<40x128xf32, #tpu.memory_space<vmem>>, vector<1x16xf32>,
      %get3A_324 = vector.shape_cast %get3A_323 : vector<1x16xf32> to vector<16xf32>
      %get3A_325 = arith.index_cast %scan3A_289 : i32 to index
      %get3A_326 = arith.constant 32 : index
      %get3A_327 = tpu.vector_load %arg23[%get3A_325, %get3A_326] {strides = array<i32>} : memref<40x128xf32, #tpu.memory_space<vmem>>, vector<1x16xf32>,
      %get3A_328 = vector.shape_cast %get3A_327 : vector<1x16xf32> to vector<16xf32>
      %add3A_329 = arith.addf %get3A_324, %get3A_328 : vector<16xf32>
      %max3A_330 = arith.constant 0.000000e+00 : f32
      %max3A_331 = vector.broadcast %max3A_330 : f32 to vector<16xf32>
      %max3A_332 = arith.maximumf %add3A_329, %max3A_331 : vector<16xf32>
      %swap3A_333 = arith.index_cast %scan3A_289 : i32 to index
      %swap3A_334 = arith.constant 32 : index
      %swap3A_335 = tpu.vector_load %arg19[%swap3A_333, %swap3A_334] {strides = array<i32>} : memref<40x128xf32, #tpu.memory_space<vmem>>, vector<1x16xf32>,
      %swap3A_336 = vector.shape_cast %swap3A_335 : vector<1x16xf32> to vector<16xf32>
      %swap3A_337 = vector.shape_cast %max3A_332 : vector<16xf32> to vector<1x16xf32>
      tpu.vector_store %arg19[%swap3A_333, %swap3A_334], %swap3A_337 {strides = array<i32>} : memref<40x128xf32, #tpu.memory_space<vmem>>, vector<1x16xf32>,
      %get3A_338 = arith.index_cast %scan3A_289 : i32 to index
      %get3A_339 = arith.constant 48 : index
      %get3A_340 = tpu.vector_load %arg19[%get3A_338, %get3A_339] {strides = array<i32>} : memref<40x128xf32, #tpu.memory_space<vmem>>, vector<1x16xf32>,
      %get3A_341 = vector.shape_cast %get3A_340 : vector<1x16xf32> to vector<16xf32>
      %get3A_342 = arith.index_cast %scan3A_289 : i32 to index
      %get3A_343 = arith.constant 48 : index
      %get3A_344 = tpu.vector_load %arg23[%get3A_342, %get3A_343] {strides = array<i32>} : memref<40x128xf32, #tpu.memory_space<vmem>>, vector<1x16xf32>,
      %get3A_345 = vector.shape_cast %get3A_344 : vector<1x16xf32> to vector<16xf32>
      %add3A_346 = arith.addf %get3A_341, %get3A_345 : vector<16xf32>
      %max3A_347 = arith.constant 0.000000e+00 : f32
      %max3A_348 = vector.broadcast %max3A_347 : f32 to vector<16xf32>
      %max3A_349 = arith.maximumf %add3A_346, %max3A_348 : vector<16xf32>
      %swap3A_350 = arith.index_cast %scan3A_289 : i32 to index
      %swap3A_351 = arith.constant 48 : index
      %swap3A_352 = tpu.vector_load %arg19[%swap3A_350, %swap3A_351] {strides = array<i32>} : memref<40x128xf32, #tpu.memory_space<vmem>>, vector<1x16xf32>,
      %swap3A_353 = vector.shape_cast %swap3A_352 : vector<1x16xf32> to vector<16xf32>
      %swap3A_354 = vector.shape_cast %max3A_349 : vector<16xf32> to vector<1x16xf32>
      tpu.vector_store %arg19[%swap3A_350, %swap3A_351], %swap3A_354 {strides = array<i32>} : memref<40x128xf32, #tpu.memory_space<vmem>>, vector<1x16xf32>,
      %get3A_355 = arith.index_cast %scan3A_289 : i32 to index
      %get3A_356 = arith.constant 64 : index
      %get3A_357 = tpu.vector_load %arg19[%get3A_355, %get3A_356] {strides = array<i32>} : memref<40x128xf32, #tpu.memory_space<vmem>>, vector<1x16xf32>,
      %get3A_358 = vector.shape_cast %get3A_357 : vector<1x16xf32> to vector<16xf32>
      %get3A_359 = arith.index_cast %scan3A_289 : i32 to index
      %get3A_360 = arith.constant 64 : index
      %get3A_361 = tpu.vector_load %arg23[%get3A_359, %get3A_360] {strides = array<i32>} : memref<40x128xf32, #tpu.memory_space<vmem>>, vector<1x16xf32>,
      %get3A_362 = vector.shape_cast %get3A_361 : vector<1x16xf32> to vector<16xf32>
      %add3A_363 = arith.addf %get3A_358, %get3A_362 : vector<16xf32>
      %max3A_364 = arith.constant 0.000000e+00 : f32
      %max3A_365 = vector.broadcast %max3A_364 : f32 to vector<16xf32>
      %max3A_366 = arith.maximumf %add3A_363, %max3A_365 : vector<16xf32>
      %swap3A_367 = arith.index_cast %scan3A_289 : i32 to index
      %swap3A_368 = arith.constant 64 : index
      %swap3A_369 = tpu.vector_load %arg19[%swap3A_367, %swap3A_368] {strides = array<i32>} : memref<40x128xf32, #tpu.memory_space<vmem>>, vector<1x16xf32>,
      %swap3A_370 = vector.shape_cast %swap3A_369 : vector<1x16xf32> to vector<16xf32>
      %swap3A_371 = vector.shape_cast %max3A_366 : vector<16xf32> to vector<1x16xf32>
      tpu.vector_store %arg19[%swap3A_367, %swap3A_368], %swap3A_371 {strides = array<i32>} : memref<40x128xf32, #tpu.memory_space<vmem>>, vector<1x16xf32>,
      %get3A_372 = arith.index_cast %scan3A_289 : i32 to index
      %get3A_373 = arith.constant 80 : index
      %get3A_374 = tpu.vector_load %arg19[%get3A_372, %get3A_373] {strides = array<i32>} : memref<40x128xf32, #tpu.memory_space<vmem>>, vector<1x16xf32>,
      %get3A_375 = vector.shape_cast %get3A_374 : vector<1x16xf32> to vector<16xf32>
      %get3A_376 = arith.index_cast %scan3A_289 : i32 to index
      %get3A_377 = arith.constant 80 : index
      %get3A_378 = tpu.vector_load %arg23[%get3A_376, %get3A_377] {strides = array<i32>} : memref<40x128xf32, #tpu.memory_space<vmem>>, vector<1x16xf32>,
      %get3A_379 = vector.shape_cast %get3A_378 : vector<1x16xf32> to vector<16xf32>
      %add3A_380 = arith.addf %get3A_375, %get3A_379 : vector<16xf32>
      %max3A_381 = arith.constant 0.000000e+00 : f32
      %max3A_382 = vector.broadcast %max3A_381 : f32 to vector<16xf32>
      %max3A_383 = arith.maximumf %add3A_380, %max3A_382 : vector<16xf32>
      %swap3A_384 = arith.index_cast %scan3A_289 : i32 to index
      %swap3A_385 = arith.constant 80 : index
      %swap3A_386 = tpu.vector_load %arg19[%swap3A_384, %swap3A_385] {strides = array<i32>} : memref<40x128xf32, #tpu.memory_space<vmem>>, vector<1x16xf32>,
      %swap3A_387 = vector.shape_cast %swap3A_386 : vector<1x16xf32> to vector<16xf32>
      %swap3A_388 = vector.shape_cast %max3A_383 : vector<16xf32> to vector<1x16xf32>
      tpu.vector_store %arg19[%swap3A_384, %swap3A_385], %swap3A_388 {strides = array<i32>} : memref<40x128xf32, #tpu.memory_space<vmem>>, vector<1x16xf32>,
      %get3A_389 = arith.index_cast %scan3A_289 : i32 to index
      %get3A_390 = arith.constant 96 : index
      %get3A_391 = tpu.vector_load %arg19[%get3A_389, %get3A_390] {strides = array<i32>} : memref<40x128xf32, #tpu.memory_space<vmem>>, vector<1x16xf32>,
      %get3A_392 = vector.shape_cast %get3A_391 : vector<1x16xf32> to vector<16xf32>
      %get3A_393 = arith.index_cast %scan3A_289 : i32 to index
      %get3A_394 = arith.constant 96 : index
      %get3A_395 = tpu.vector_load %arg23[%get3A_393, %get3A_394] {strides = array<i32>} : memref<40x128xf32, #tpu.memory_space<vmem>>, vector<1x16xf32>,
      %get3A_396 = vector.shape_cast %get3A_395 : vector<1x16xf32> to vector<16xf32>
      %add3A_397 = arith.addf %get3A_392, %get3A_396 : vector<16xf32>
      %max3A_398 = arith.constant 0.000000e+00 : f32
      %max3A_399 = vector.broadcast %max3A_398 : f32 to vector<16xf32>
      %max3A_400 = arith.maximumf %add3A_397, %max3A_399 : vector<16xf32>
      %swap3A_401 = arith.index_cast %scan3A_289 : i32 to index
      %swap3A_402 = arith.constant 96 : index
      %swap3A_403 = tpu.vector_load %arg19[%swap3A_401, %swap3A_402] {strides = array<i32>} : memref<40x128xf32, #tpu.memory_space<vmem>>, vector<1x16xf32>,
      %swap3A_404 = vector.shape_cast %swap3A_403 : vector<1x16xf32> to vector<16xf32>
      %swap3A_405 = vector.shape_cast %max3A_400 : vector<16xf32> to vector<1x16xf32>
      tpu.vector_store %arg19[%swap3A_401, %swap3A_402], %swap3A_405 {strides = array<i32>} : memref<40x128xf32, #tpu.memory_space<vmem>>, vector<1x16xf32>,
      %get3A_406 = arith.index_cast %scan3A_289 : i32 to index
      %get3A_407 = arith.constant 112 : index
      %get3A_408 = tpu.vector_load %arg19[%get3A_406, %get3A_407] {strides = array<i32>} : memref<40x128xf32, #tpu.memory_space<vmem>>, vector<1x16xf32>,
      %get3A_409 = vector.shape_cast %get3A_408 : vector<1x16xf32> to vector<16xf32>
      %get3A_410 = arith.index_cast %scan3A_289 : i32 to index
      %get3A_411 = arith.constant 112 : index
      %get3A_412 = tpu.vector_load %arg23[%get3A_410, %get3A_411] {strides = array<i32>} : memref<40x128xf32, #tpu.memory_space<vmem>>, vector<1x16xf32>,
      %get3A_413 = vector.shape_cast %get3A_412 : vector<1x16xf32> to vector<16xf32>
      %add3A_414 = arith.addf %get3A_409, %get3A_413 : vector<16xf32>
      %max3A_415 = arith.constant 0.000000e+00 : f32
      %max3A_416 = vector.broadcast %max3A_415 : f32 to vector<16xf32>
      %max3A_417 = arith.maximumf %add3A_414, %max3A_416 : vector<16xf32>
      %swap3A_418 = arith.index_cast %scan3A_289 : i32 to index
      %swap3A_419 = arith.constant 112 : index
      %swap3A_420 = tpu.vector_load %arg19[%swap3A_418, %swap3A_419] {strides = array<i32>} : memref<40x128xf32, #tpu.memory_space<vmem>>, vector<1x16xf32>,
      %swap3A_421 = vector.shape_cast %swap3A_420 : vector<1x16xf32> to vector<16xf32>
      %swap3A_422 = vector.shape_cast %max3A_417 : vector<16xf32> to vector<1x16xf32>
      tpu.vector_store %arg19[%swap3A_418, %swap3A_419], %swap3A_422 {strides = array<i32>} : memref<40x128xf32, #tpu.memory_space<vmem>>, vector<1x16xf32>,
    }
    %scan3A_161 = arith.constant 40 : i32
    %dma_start3A_162 = arith.constant 0 : i32
    %dma_start3A_163 = arith.constant 0 : i32
    %dma_start3A_164 = tpu.memref_slice %arg8[%dma_start3A_162, %dma_start3A_163] : memref<10112x128xf32, #tpu.memory_space<vmem_shared>> -> memref<10112x128xf32, #tpu.memory_space<vmem_shared>>
    tpu.enqueue_indirect_dma source(%arg19 : memref<40x128xf32, #tpu.memory_space<vmem>>) target(%dma_start3A_164 : memref<10112x128xf32, #tpu.memory_space<vmem_shared>>) offsets(%arg15 : memref<40xi32, #tpu.memory_space<vmem>>) semaphore(%arg35 : memref<!tpu.dma_semaphore, #tpu.memory_space<semaphore_mem>>) {add = true}
    %dma_wait3A_165 = arith.constant 0 : i32
    %dma_wait3A_166 = arith.constant 0 : i32
    %dma_wait3A_167 = tpu.memref_slice %arg8[%dma_wait3A_165, %dma_wait3A_166] : memref<10112x128xf32, #tpu.memory_space<vmem_shared>> -> memref<10112x128xf32, #tpu.memory_space<vmem_shared>>
    tpu.wait_indirect_dma semaphore(%arg34 : memref<!tpu.dma_semaphore, #tpu.memory_space<semaphore_mem>>) src(%arg18 : memref<40x128xf32, #tpu.memory_space<vmem>>) dst(%dma_wait3A_167 : memref<10112x128xf32, #tpu.memory_space<vmem_shared>>)
    %add3A_168 = arith.constant 200 : i32
    %add3A_169 = arith.addi %mul3A_2, %add3A_168 : i32
    %mul3A_170 = arith.constant 160000 : i32
    %mul3A_171 = arith.muli %arg0, %mul3A_170 : i32
    %add3A_172 = arith.addi %mul3A_171, %add3A_169 : i32
    %dma_start3A_173 = tpu.memref_slice %arg3[%add3A_172] : memref<320000xi32, #tpu.memory_space<hbm>> -> memref<40xi32, #tpu.memory_space<hbm>>
    %dma_start3A_174 = tpu.memref_slice %arg3[%add3A_172] : memref<320000xi32, #tpu.memory_space<hbm>> -> memref<40xi32, #tpu.memory_space<hbm>>
    tpu.enqueue_dma source(%dma_start3A_174 : memref<40xi32, #tpu.memory_space<hbm>>) target(%arg10 : memref<40xi32, #tpu.memory_space<vmem>>) target_semaphore(%arg26 : memref<!tpu.dma_semaphore, #tpu.memory_space<semaphore_mem>>)
    %dma_start3A_175 = tpu.memref_slice %arg4[%add3A_169] : memref<160000xi32, #tpu.memory_space<hbm>> -> memref<40xi32, #tpu.memory_space<hbm>>
    %dma_start3A_176 = tpu.memref_slice %arg4[%add3A_169] : memref<160000xi32, #tpu.memory_space<hbm>> -> memref<40xi32, #tpu.memory_space<hbm>>
    tpu.enqueue_dma source(%dma_start3A_176 : memref<40xi32, #tpu.memory_space<hbm>>) target(%arg14 : memref<40xi32, #tpu.memory_space<vmem>>) target_semaphore(%arg26 : memref<!tpu.dma_semaphore, #tpu.memory_space<semaphore_mem>>)
    %mul3A_177 = arith.constant 128 : i32
    %mul3A_178 = arith.muli %arg0, %mul3A_177 : i32
    %dma_start3A_179 = tpu.memref_slice %arg5[%add3A_169, %mul3A_178] : memref<160000x256xf32, #tpu.memory_space<hbm>> -> memref<40x128xf32, #tpu.memory_space<hbm>>
    %dma_start3A_180 = tpu.memref_slice %arg5[%add3A_169, %mul3A_178] : memref<160000x256xf32, #tpu.memory_space<hbm>> -> memref<40x128xf32, #tpu.memory_space<hbm>>
    tpu.enqueue_dma source(%dma_start3A_180 : memref<40x128xf32, #tpu.memory_space<hbm>>) target(%arg22 : memref<40x128xf32, #tpu.memory_space<vmem>>) target_semaphore(%arg30 : memref<!tpu.dma_semaphore, #tpu.memory_space<semaphore_mem>>)
    %dma_wait3A_181 = arith.constant 0 : i32
    %dma_wait3A_182 = tpu.memref_slice %arg3[%dma_wait3A_181] : memref<320000xi32, #tpu.memory_space<hbm>> -> memref<40xi32, #tpu.memory_space<hbm>>
    %dma_wait3A_183 = arith.constant 0 : i32
    %dma_wait3A_184 = tpu.memref_slice %arg3[%dma_wait3A_183] : memref<320000xi32, #tpu.memory_space<hbm>> -> memref<40xi32, #tpu.memory_space<hbm>>
    tpu.wait_dma2 semaphore(%arg25 : memref<!tpu.dma_semaphore, #tpu.memory_space<semaphore_mem>>) src(%dma_wait3A_184 : memref<40xi32, #tpu.memory_space<hbm>>) dst(%arg9 : memref<40xi32, #tpu.memory_space<vmem>>)
    %dma_wait3A_185 = arith.constant 0 : i32
    %dma_wait3A_186 = tpu.memref_slice %arg4[%dma_wait3A_185] : memref<160000xi32, #tpu.memory_space<hbm>> -> memref<40xi32, #tpu.memory_space<hbm>>
    %dma_wait3A_187 = arith.constant 0 : i32
    %dma_wait3A_188 = tpu.memref_slice %arg4[%dma_wait3A_187] : memref<160000xi32, #tpu.memory_space<hbm>> -> memref<40xi32, #tpu.memory_space<hbm>>
    tpu.wait_dma2 semaphore(%arg25 : memref<!tpu.dma_semaphore, #tpu.memory_space<semaphore_mem>>) src(%dma_wait3A_188 : memref<40xi32, #tpu.memory_space<hbm>>) dst(%arg13 : memref<40xi32, #tpu.memory_space<vmem>>)
    %dma_start3A_189 = arith.constant 0 : i32
    %dma_start3A_190 = arith.constant 0 : i32
    %dma_start3A_191 = tpu.memref_slice %arg2[%dma_start3A_189, %dma_start3A_190] : memref<20000x128xf32, #tpu.memory_space<hbm>> -> memref<20000x128xf32, #tpu.memory_space<hbm>>
    tpu.enqueue_indirect_dma source(%dma_start3A_191 : memref<20000x128xf32, #tpu.memory_space<hbm>>) target(%arg17 : memref<40x128xf32, #tpu.memory_space<vmem>>) offsets(%arg9 : memref<40xi32, #tpu.memory_space<vmem>>) semaphore(%arg29 : memref<!tpu.dma_semaphore, #tpu.memory_space<semaphore_mem>>)
    %dma_wait3A_192 = arith.constant 0 : i32
    %dma_wait3A_193 = arith.constant 0 : i32
    %dma_wait3A_194 = tpu.memref_slice %arg5[%dma_wait3A_192, %dma_wait3A_193] : memref<160000x256xf32, #tpu.memory_space<hbm>> -> memref<40x128xf32, #tpu.memory_space<hbm>>
    %dma_wait3A_195 = arith.constant 0 : i32
    %dma_wait3A_196 = arith.constant 0 : i32
    %dma_wait3A_197 = tpu.memref_slice %arg5[%dma_wait3A_195, %dma_wait3A_196] : memref<160000x256xf32, #tpu.memory_space<hbm>> -> memref<40x128xf32, #tpu.memory_space<hbm>>
    tpu.wait_dma2 semaphore(%arg32 : memref<!tpu.dma_semaphore, #tpu.memory_space<semaphore_mem>>) src(%dma_wait3A_197 : memref<40x128xf32, #tpu.memory_space<hbm>>) dst(%arg24 : memref<40x128xf32, #tpu.memory_space<vmem>>)
    %dma_wait3A_198 = arith.constant 0 : i32
    %dma_wait3A_199 = arith.constant 0 : i32
    %dma_wait3A_200 = tpu.memref_slice %arg2[%dma_wait3A_198, %dma_wait3A_199] : memref<20000x128xf32, #tpu.memory_space<hbm>> -> memref<20000x128xf32, #tpu.memory_space<hbm>>
    tpu.wait_indirect_dma semaphore(%arg32 : memref<!tpu.dma_semaphore, #tpu.memory_space<semaphore_mem>>) src(%dma_wait3A_200 : memref<20000x128xf32, #tpu.memory_space<hbm>>) dst(%arg20 : memref<40x128xf32, #tpu.memory_space<vmem>>)
    %scan3A_201 = arith.constant 0 : i32
    %scan3A_202 = arith.constant 0 : i32
    %scan3A_203 = arith.constant 40 : i32
    %scan3A_204 = arith.addi %scan3A_202, %scan3A_203 : i32
    %scan3A_205 = arith.constant 1 : i32
    scf.for %scan3A_289 = %scan3A_202 to %scan3A_204 step %scan3A_205  : i32 {
      %get3A = arith.index_cast %scan3A_289 : i32 to index
      %get3A_290 = arith.constant 0 : index
      %get3A_291 = tpu.vector_load %arg20[%get3A, %get3A_290] {strides = array<i32>} : memref<40x128xf32, #tpu.memory_space<vmem>>, vector<1x16xf32>,
      %get3A_292 = vector.shape_cast %get3A_291 : vector<1x16xf32> to vector<16xf32>
      %get3A_293 = arith.index_cast %scan3A_289 : i32 to index
      %get3A_294 = arith.constant 0 : index
      %get3A_295 = tpu.vector_load %arg24[%get3A_293, %get3A_294] {strides = array<i32>} : memref<40x128xf32, #tpu.memory_space<vmem>>, vector<1x16xf32>,
      %get3A_296 = vector.shape_cast %get3A_295 : vector<1x16xf32> to vector<16xf32>
      %add3A_297 = arith.addf %get3A_292, %get3A_296 : vector<16xf32>
      %max3A = arith.constant 0.000000e+00 : f32
      %max3A_298 = vector.broadcast %max3A : f32 to vector<16xf32>
      %max3A_299 = arith.maximumf %add3A_297, %max3A_298 : vector<16xf32>
      %swap3A = arith.index_cast %scan3A_289 : i32 to index
      %swap3A_300 = arith.constant 0 : index
      %swap3A_301 = tpu.vector_load %arg20[%swap3A, %swap3A_300] {strides = array<i32>} : memref<40x128xf32, #tpu.memory_space<vmem>>, vector<1x16xf32>,
      %swap3A_302 = vector.shape_cast %swap3A_301 : vector<1x16xf32> to vector<16xf32>
      %swap3A_303 = vector.shape_cast %max3A_299 : vector<16xf32> to vector<1x16xf32>
      tpu.vector_store %arg20[%swap3A, %swap3A_300], %swap3A_303 {strides = array<i32>} : memref<40x128xf32, #tpu.memory_space<vmem>>, vector<1x16xf32>,
      %get3A_304 = arith.index_cast %scan3A_289 : i32 to index
      %get3A_305 = arith.constant 16 : index
      %get3A_306 = tpu.vector_load %arg20[%get3A_304, %get3A_305] {strides = array<i32>} : memref<40x128xf32, #tpu.memory_space<vmem>>, vector<1x16xf32>,
      %get3A_307 = vector.shape_cast %get3A_306 : vector<1x16xf32> to vector<16xf32>
      %get3A_308 = arith.index_cast %scan3A_289 : i32 to index
      %get3A_309 = arith.constant 16 : index
      %get3A_310 = tpu.vector_load %arg24[%get3A_308, %get3A_309] {strides = array<i32>} : memref<40x128xf32, #tpu.memory_space<vmem>>, vector<1x16xf32>,
      %get3A_311 = vector.shape_cast %get3A_310 : vector<1x16xf32> to vector<16xf32>
      %add3A_312 = arith.addf %get3A_307, %get3A_311 : vector<16xf32>
      %max3A_313 = arith.constant 0.000000e+00 : f32
      %max3A_314 = vector.broadcast %max3A_313 : f32 to vector<16xf32>
      %max3A_315 = arith.maximumf %add3A_312, %max3A_314 : vector<16xf32>
      %swap3A_316 = arith.index_cast %scan3A_289 : i32 to index
      %swap3A_317 = arith.constant 16 : index
      %swap3A_318 = tpu.vector_load %arg20[%swap3A_316, %swap3A_317] {strides = array<i32>} : memref<40x128xf32, #tpu.memory_space<vmem>>, vector<1x16xf32>,
      %swap3A_319 = vector.shape_cast %swap3A_318 : vector<1x16xf32> to vector<16xf32>
      %swap3A_320 = vector.shape_cast %max3A_315 : vector<16xf32> to vector<1x16xf32>
      tpu.vector_store %arg20[%swap3A_316, %swap3A_317], %swap3A_320 {strides = array<i32>} : memref<40x128xf32, #tpu.memory_space<vmem>>, vector<1x16xf32>,
      %get3A_321 = arith.index_cast %scan3A_289 : i32 to index
      %get3A_322 = arith.constant 32 : index
      %get3A_323 = tpu.vector_load %arg20[%get3A_321, %get3A_322] {strides = array<i32>} : memref<40x128xf32, #tpu.memory_space<vmem>>, vector<1x16xf32>,
      %get3A_324 = vector.shape_cast %get3A_323 : vector<1x16xf32> to vector<16xf32>
      %get3A_325 = arith.index_cast %scan3A_289 : i32 to index
      %get3A_326 = arith.constant 32 : index
      %get3A_327 = tpu.vector_load %arg24[%get3A_325, %get3A_326] {strides = array<i32>} : memref<40x128xf32, #tpu.memory_space<vmem>>, vector<1x16xf32>,
      %get3A_328 = vector.shape_cast %get3A_327 : vector<1x16xf32> to vector<16xf32>
      %add3A_329 = arith.addf %get3A_324, %get3A_328 : vector<16xf32>
      %max3A_330 = arith.constant 0.000000e+00 : f32
      %max3A_331 = vector.broadcast %max3A_330 : f32 to vector<16xf32>
      %max3A_332 = arith.maximumf %add3A_329, %max3A_331 : vector<16xf32>
      %swap3A_333 = arith.index_cast %scan3A_289 : i32 to index
      %swap3A_334 = arith.constant 32 : index
      %swap3A_335 = tpu.vector_load %arg20[%swap3A_333, %swap3A_334] {strides = array<i32>} : memref<40x128xf32, #tpu.memory_space<vmem>>, vector<1x16xf32>,
      %swap3A_336 = vector.shape_cast %swap3A_335 : vector<1x16xf32> to vector<16xf32>
      %swap3A_337 = vector.shape_cast %max3A_332 : vector<16xf32> to vector<1x16xf32>
      tpu.vector_store %arg20[%swap3A_333, %swap3A_334], %swap3A_337 {strides = array<i32>} : memref<40x128xf32, #tpu.memory_space<vmem>>, vector<1x16xf32>,
      %get3A_338 = arith.index_cast %scan3A_289 : i32 to index
      %get3A_339 = arith.constant 48 : index
      %get3A_340 = tpu.vector_load %arg20[%get3A_338, %get3A_339] {strides = array<i32>} : memref<40x128xf32, #tpu.memory_space<vmem>>, vector<1x16xf32>,
      %get3A_341 = vector.shape_cast %get3A_340 : vector<1x16xf32> to vector<16xf32>
      %get3A_342 = arith.index_cast %scan3A_289 : i32 to index
      %get3A_343 = arith.constant 48 : index
      %get3A_344 = tpu.vector_load %arg24[%get3A_342, %get3A_343] {strides = array<i32>} : memref<40x128xf32, #tpu.memory_space<vmem>>, vector<1x16xf32>,
      %get3A_345 = vector.shape_cast %get3A_344 : vector<1x16xf32> to vector<16xf32>
      %add3A_346 = arith.addf %get3A_341, %get3A_345 : vector<16xf32>
      %max3A_347 = arith.constant 0.000000e+00 : f32
      %max3A_348 = vector.broadcast %max3A_347 : f32 to vector<16xf32>
      %max3A_349 = arith.maximumf %add3A_346, %max3A_348 : vector<16xf32>
      %swap3A_350 = arith.index_cast %scan3A_289 : i32 to index
      %swap3A_351 = arith.constant 48 : index
      %swap3A_352 = tpu.vector_load %arg20[%swap3A_350, %swap3A_351] {strides = array<i32>} : memref<40x128xf32, #tpu.memory_space<vmem>>, vector<1x16xf32>,
      %swap3A_353 = vector.shape_cast %swap3A_352 : vector<1x16xf32> to vector<16xf32>
      %swap3A_354 = vector.shape_cast %max3A_349 : vector<16xf32> to vector<1x16xf32>
      tpu.vector_store %arg20[%swap3A_350, %swap3A_351], %swap3A_354 {strides = array<i32>} : memref<40x128xf32, #tpu.memory_space<vmem>>, vector<1x16xf32>,
      %get3A_355 = arith.index_cast %scan3A_289 : i32 to index
      %get3A_356 = arith.constant 64 : index
      %get3A_357 = tpu.vector_load %arg20[%get3A_355, %get3A_356] {strides = array<i32>} : memref<40x128xf32, #tpu.memory_space<vmem>>, vector<1x16xf32>,
      %get3A_358 = vector.shape_cast %get3A_357 : vector<1x16xf32> to vector<16xf32>
      %get3A_359 = arith.index_cast %scan3A_289 : i32 to index
      %get3A_360 = arith.constant 64 : index
      %get3A_361 = tpu.vector_load %arg24[%get3A_359, %get3A_360] {strides = array<i32>} : memref<40x128xf32, #tpu.memory_space<vmem>>, vector<1x16xf32>,
      %get3A_362 = vector.shape_cast %get3A_361 : vector<1x16xf32> to vector<16xf32>
      %add3A_363 = arith.addf %get3A_358, %get3A_362 : vector<16xf32>
      %max3A_364 = arith.constant 0.000000e+00 : f32
      %max3A_365 = vector.broadcast %max3A_364 : f32 to vector<16xf32>
      %max3A_366 = arith.maximumf %add3A_363, %max3A_365 : vector<16xf32>
      %swap3A_367 = arith.index_cast %scan3A_289 : i32 to index
      %swap3A_368 = arith.constant 64 : index
      %swap3A_369 = tpu.vector_load %arg20[%swap3A_367, %swap3A_368] {strides = array<i32>} : memref<40x128xf32, #tpu.memory_space<vmem>>, vector<1x16xf32>,
      %swap3A_370 = vector.shape_cast %swap3A_369 : vector<1x16xf32> to vector<16xf32>
      %swap3A_371 = vector.shape_cast %max3A_366 : vector<16xf32> to vector<1x16xf32>
      tpu.vector_store %arg20[%swap3A_367, %swap3A_368], %swap3A_371 {strides = array<i32>} : memref<40x128xf32, #tpu.memory_space<vmem>>, vector<1x16xf32>,
      %get3A_372 = arith.index_cast %scan3A_289 : i32 to index
      %get3A_373 = arith.constant 80 : index
      %get3A_374 = tpu.vector_load %arg20[%get3A_372, %get3A_373] {strides = array<i32>} : memref<40x128xf32, #tpu.memory_space<vmem>>, vector<1x16xf32>,
      %get3A_375 = vector.shape_cast %get3A_374 : vector<1x16xf32> to vector<16xf32>
      %get3A_376 = arith.index_cast %scan3A_289 : i32 to index
      %get3A_377 = arith.constant 80 : index
      %get3A_378 = tpu.vector_load %arg24[%get3A_376, %get3A_377] {strides = array<i32>} : memref<40x128xf32, #tpu.memory_space<vmem>>, vector<1x16xf32>,
      %get3A_379 = vector.shape_cast %get3A_378 : vector<1x16xf32> to vector<16xf32>
      %add3A_380 = arith.addf %get3A_375, %get3A_379 : vector<16xf32>
      %max3A_381 = arith.constant 0.000000e+00 : f32
      %max3A_382 = vector.broadcast %max3A_381 : f32 to vector<16xf32>
      %max3A_383 = arith.maximumf %add3A_380, %max3A_382 : vector<16xf32>
      %swap3A_384 = arith.index_cast %scan3A_289 : i32 to index
      %swap3A_385 = arith.constant 80 : index
      %swap3A_386 = tpu.vector_load %arg20[%swap3A_384, %swap3A_385] {strides = array<i32>} : memref<40x128xf32, #tpu.memory_space<vmem>>, vector<1x16xf32>,
      %swap3A_387 = vector.shape_cast %swap3A_386 : vector<1x16xf32> to vector<16xf32>
      %swap3A_388 = vector.shape_cast %max3A_383 : vector<16xf32> to vector<1x16xf32>
      tpu.vector_store %arg20[%swap3A_384, %swap3A_385], %swap3A_388 {strides = array<i32>} : memref<40x128xf32, #tpu.memory_space<vmem>>, vector<1x16xf32>,
      %get3A_389 = arith.index_cast %scan3A_289 : i32 to index
      %get3A_390 = arith.constant 96 : index
      %get3A_391 = tpu.vector_load %arg20[%get3A_389, %get3A_390] {strides = array<i32>} : memref<40x128xf32, #tpu.memory_space<vmem>>, vector<1x16xf32>,
      %get3A_392 = vector.shape_cast %get3A_391 : vector<1x16xf32> to vector<16xf32>
      %get3A_393 = arith.index_cast %scan3A_289 : i32 to index
      %get3A_394 = arith.constant 96 : index
      %get3A_395 = tpu.vector_load %arg24[%get3A_393, %get3A_394] {strides = array<i32>} : memref<40x128xf32, #tpu.memory_space<vmem>>, vector<1x16xf32>,
      %get3A_396 = vector.shape_cast %get3A_395 : vector<1x16xf32> to vector<16xf32>
      %add3A_397 = arith.addf %get3A_392, %get3A_396 : vector<16xf32>
      %max3A_398 = arith.constant 0.000000e+00 : f32
      %max3A_399 = vector.broadcast %max3A_398 : f32 to vector<16xf32>
      %max3A_400 = arith.maximumf %add3A_397, %max3A_399 : vector<16xf32>
      %swap3A_401 = arith.index_cast %scan3A_289 : i32 to index
      %swap3A_402 = arith.constant 96 : index
      %swap3A_403 = tpu.vector_load %arg20[%swap3A_401, %swap3A_402] {strides = array<i32>} : memref<40x128xf32, #tpu.memory_space<vmem>>, vector<1x16xf32>,
      %swap3A_404 = vector.shape_cast %swap3A_403 : vector<1x16xf32> to vector<16xf32>
      %swap3A_405 = vector.shape_cast %max3A_400 : vector<16xf32> to vector<1x16xf32>
      tpu.vector_store %arg20[%swap3A_401, %swap3A_402], %swap3A_405 {strides = array<i32>} : memref<40x128xf32, #tpu.memory_space<vmem>>, vector<1x16xf32>,
      %get3A_406 = arith.index_cast %scan3A_289 : i32 to index
      %get3A_407 = arith.constant 112 : index
      %get3A_408 = tpu.vector_load %arg20[%get3A_406, %get3A_407] {strides = array<i32>} : memref<40x128xf32, #tpu.memory_space<vmem>>, vector<1x16xf32>,
      %get3A_409 = vector.shape_cast %get3A_408 : vector<1x16xf32> to vector<16xf32>
      %get3A_410 = arith.index_cast %scan3A_289 : i32 to index
      %get3A_411 = arith.constant 112 : index
      %get3A_412 = tpu.vector_load %arg24[%get3A_410, %get3A_411] {strides = array<i32>} : memref<40x128xf32, #tpu.memory_space<vmem>>, vector<1x16xf32>,
      %get3A_413 = vector.shape_cast %get3A_412 : vector<1x16xf32> to vector<16xf32>
      %add3A_414 = arith.addf %get3A_409, %get3A_413 : vector<16xf32>
      %max3A_415 = arith.constant 0.000000e+00 : f32
      %max3A_416 = vector.broadcast %max3A_415 : f32 to vector<16xf32>
      %max3A_417 = arith.maximumf %add3A_414, %max3A_416 : vector<16xf32>
      %swap3A_418 = arith.index_cast %scan3A_289 : i32 to index
      %swap3A_419 = arith.constant 112 : index
      %swap3A_420 = tpu.vector_load %arg20[%swap3A_418, %swap3A_419] {strides = array<i32>} : memref<40x128xf32, #tpu.memory_space<vmem>>, vector<1x16xf32>,
      %swap3A_421 = vector.shape_cast %swap3A_420 : vector<1x16xf32> to vector<16xf32>
      %swap3A_422 = vector.shape_cast %max3A_417 : vector<16xf32> to vector<1x16xf32>
      tpu.vector_store %arg20[%swap3A_418, %swap3A_419], %swap3A_422 {strides = array<i32>} : memref<40x128xf32, #tpu.memory_space<vmem>>, vector<1x16xf32>,
    }
    %scan3A_206 = arith.constant 40 : i32
    %dma_start3A_207 = arith.constant 0 : i32
    %dma_start3A_208 = arith.constant 0 : i32
    %dma_start3A_209 = tpu.memref_slice %arg8[%dma_start3A_207, %dma_start3A_208] : memref<10112x128xf32, #tpu.memory_space<vmem_shared>> -> memref<10112x128xf32, #tpu.memory_space<vmem_shared>>
    tpu.enqueue_indirect_dma source(%arg20 : memref<40x128xf32, #tpu.memory_space<vmem>>) target(%dma_start3A_209 : memref<10112x128xf32, #tpu.memory_space<vmem_shared>>) offsets(%arg16 : memref<40xi32, #tpu.memory_space<vmem>>) semaphore(%arg36 : memref<!tpu.dma_semaphore, #tpu.memory_space<semaphore_mem>>) {add = true}
    %dma_wait3A_210 = arith.constant 0 : i32
    %dma_wait3A_211 = arith.constant 0 : i32
    %dma_wait3A_212 = tpu.memref_slice %arg8[%dma_wait3A_210, %dma_wait3A_211] : memref<10112x128xf32, #tpu.memory_space<vmem_shared>> -> memref<10112x128xf32, #tpu.memory_space<vmem_shared>>
    tpu.wait_indirect_dma semaphore(%arg35 : memref<!tpu.dma_semaphore, #tpu.memory_space<semaphore_mem>>) src(%arg19 : memref<40x128xf32, #tpu.memory_space<vmem>>) dst(%dma_wait3A_212 : memref<10112x128xf32, #tpu.memory_space<vmem_shared>>)
    %add3A_213 = arith.constant 240 : i32
    %add3A_214 = arith.addi %mul3A_2, %add3A_213 : i32
    %mul3A_215 = arith.constant 160000 : i32
    %mul3A_216 = arith.muli %arg0, %mul3A_215 : i32
    %add3A_217 = arith.addi %mul3A_216, %add3A_214 : i32
    %dma_start3A_218 = tpu.memref_slice %arg3[%add3A_217] : memref<320000xi32, #tpu.memory_space<hbm>> -> memref<40xi32, #tpu.memory_space<hbm>>
    %dma_start3A_219 = tpu.memref_slice %arg3[%add3A_217] : memref<320000xi32, #tpu.memory_space<hbm>> -> memref<40xi32, #tpu.memory_space<hbm>>
    tpu.enqueue_dma source(%dma_start3A_219 : memref<40xi32, #tpu.memory_space<hbm>>) target(%arg11 : memref<40xi32, #tpu.memory_space<vmem>>) target_semaphore(%arg27 : memref<!tpu.dma_semaphore, #tpu.memory_space<semaphore_mem>>)
    %dma_start3A_220 = tpu.memref_slice %arg4[%add3A_214] : memref<160000xi32, #tpu.memory_space<hbm>> -> memref<40xi32, #tpu.memory_space<hbm>>
    %dma_start3A_221 = tpu.memref_slice %arg4[%add3A_214] : memref<160000xi32, #tpu.memory_space<hbm>> -> memref<40xi32, #tpu.memory_space<hbm>>
    tpu.enqueue_dma source(%dma_start3A_221 : memref<40xi32, #tpu.memory_space<hbm>>) target(%arg15 : memref<40xi32, #tpu.memory_space<vmem>>) target_semaphore(%arg27 : memref<!tpu.dma_semaphore, #tpu.memory_space<semaphore_mem>>)
    %mul3A_222 = arith.constant 128 : i32
    %mul3A_223 = arith.muli %arg0, %mul3A_222 : i32
    %dma_start3A_224 = tpu.memref_slice %arg5[%add3A_214, %mul3A_223] : memref<160000x256xf32, #tpu.memory_space<hbm>> -> memref<40x128xf32, #tpu.memory_space<hbm>>
    %dma_start3A_225 = tpu.memref_slice %arg5[%add3A_214, %mul3A_223] : memref<160000x256xf32, #tpu.memory_space<hbm>> -> memref<40x128xf32, #tpu.memory_space<hbm>>
    tpu.enqueue_dma source(%dma_start3A_225 : memref<40x128xf32, #tpu.memory_space<hbm>>) target(%arg23 : memref<40x128xf32, #tpu.memory_space<vmem>>) target_semaphore(%arg31 : memref<!tpu.dma_semaphore, #tpu.memory_space<semaphore_mem>>)
    %scan3A_226 = arith.constant 0 : i32
    %scan3A_227 = arith.constant 0 : i32
    %scan3A_228 = arith.constant 61 : i32
    %scan3A_229 = arith.addi %scan3A_227, %scan3A_228 : i32
    %scan3A_230 = arith.constant 1 : i32
    scf.for %scan3A_289 = %scan3A_227 to %scan3A_229 step %scan3A_230  : i32 {
      %mul3A_290 = arith.constant 4 : i32
      %mul3A_291 = arith.muli %scan3A_289, %mul3A_290 : i32
      %add3A_292 = arith.constant 4 : i32
      %add3A_293 = arith.addi %add3A_292, %mul3A_291 : i32
      %add3A_294 = arith.constant 0 : i32
      %add3A_295 = arith.addi %add3A_293, %add3A_294 : i32
      %dma_wait3A_296 = arith.constant 0 : i32
      %dma_wait3A_297 = tpu.memref_slice %arg3[%dma_wait3A_296] : memref<320000xi32, #tpu.memory_space<hbm>> -> memref<40xi32, #tpu.memory_space<hbm>>
      %dma_wait3A_298 = arith.constant 0 : i32
      %dma_wait3A_299 = tpu.memref_slice %arg3[%dma_wait3A_298] : memref<320000xi32, #tpu.memory_space<hbm>> -> memref<40xi32, #tpu.memory_space<hbm>>
      tpu.wait_dma2 semaphore(%arg26 : memref<!tpu.dma_semaphore, #tpu.memory_space<semaphore_mem>>) src(%dma_wait3A_299 : memref<40xi32, #tpu.memory_space<hbm>>) dst(%arg10 : memref<40xi32, #tpu.memory_space<vmem>>)
      %dma_wait3A_300 = arith.constant 0 : i32
      %dma_wait3A_301 = tpu.memref_slice %arg4[%dma_wait3A_300] : memref<160000xi32, #tpu.memory_space<hbm>> -> memref<40xi32, #tpu.memory_space<hbm>>
      %dma_wait3A_302 = arith.constant 0 : i32
      %dma_wait3A_303 = tpu.memref_slice %arg4[%dma_wait3A_302] : memref<160000xi32, #tpu.memory_space<hbm>> -> memref<40xi32, #tpu.memory_space<hbm>>
      tpu.wait_dma2 semaphore(%arg26 : memref<!tpu.dma_semaphore, #tpu.memory_space<semaphore_mem>>) src(%dma_wait3A_303 : memref<40xi32, #tpu.memory_space<hbm>>) dst(%arg14 : memref<40xi32, #tpu.memory_space<vmem>>)
      %dma_start3A_304 = arith.constant 0 : i32
      %dma_start3A_305 = arith.constant 0 : i32
      %dma_start3A_306 = tpu.memref_slice %arg2[%dma_start3A_304, %dma_start3A_305] : memref<20000x128xf32, #tpu.memory_space<hbm>> -> memref<20000x128xf32, #tpu.memory_space<hbm>>
      tpu.enqueue_indirect_dma source(%dma_start3A_306 : memref<20000x128xf32, #tpu.memory_space<hbm>>) target(%arg18 : memref<40x128xf32, #tpu.memory_space<vmem>>) offsets(%arg10 : memref<40xi32, #tpu.memory_space<vmem>>) semaphore(%arg30 : memref<!tpu.dma_semaphore, #tpu.memory_space<semaphore_mem>>)
      %dma_wait3A_307 = arith.constant 0 : i32
      %dma_wait3A_308 = arith.constant 0 : i32
      %dma_wait3A_309 = tpu.memref_slice %arg5[%dma_wait3A_307, %dma_wait3A_308] : memref<160000x256xf32, #tpu.memory_space<hbm>> -> memref<40x128xf32, #tpu.memory_space<hbm>>
      %dma_wait3A_310 = arith.constant 0 : i32
      %dma_wait3A_311 = arith.constant 0 : i32
      %dma_wait3A_312 = tpu.memref_slice %arg5[%dma_wait3A_310, %dma_wait3A_311] : memref<160000x256xf32, #tpu.memory_space<hbm>> -> memref<40x128xf32, #tpu.memory_space<hbm>>
      tpu.wait_dma2 semaphore(%arg29 : memref<!tpu.dma_semaphore, #tpu.memory_space<semaphore_mem>>) src(%dma_wait3A_312 : memref<40x128xf32, #tpu.memory_space<hbm>>) dst(%arg21 : memref<40x128xf32, #tpu.memory_space<vmem>>)
      %dma_wait3A_313 = arith.constant 0 : i32
      %dma_wait3A_314 = arith.constant 0 : i32
      %dma_wait3A_315 = tpu.memref_slice %arg2[%dma_wait3A_313, %dma_wait3A_314] : memref<20000x128xf32, #tpu.memory_space<hbm>> -> memref<20000x128xf32, #tpu.memory_space<hbm>>
      tpu.wait_indirect_dma semaphore(%arg29 : memref<!tpu.dma_semaphore, #tpu.memory_space<semaphore_mem>>) src(%dma_wait3A_315 : memref<20000x128xf32, #tpu.memory_space<hbm>>) dst(%arg17 : memref<40x128xf32, #tpu.memory_space<vmem>>)
      %scan3A_316 = arith.constant 0 : i32
      %scan3A_317 = arith.constant 0 : i32
      %scan3A_318 = arith.constant 40 : i32
      %scan3A_319 = arith.addi %scan3A_317, %scan3A_318 : i32
      %scan3A_320 = arith.constant 1 : i32
      scf.for %scan3A_455 = %scan3A_317 to %scan3A_319 step %scan3A_320  : i32 {
        %get3A = arith.index_cast %scan3A_455 : i32 to index
        %get3A_456 = arith.constant 0 : index
        %get3A_457 = tpu.vector_load %arg17[%get3A, %get3A_456] {strides = array<i32>} : memref<40x128xf32, #tpu.memory_space<vmem>>, vector<1x16xf32>,
        %get3A_458 = vector.shape_cast %get3A_457 : vector<1x16xf32> to vector<16xf32>
        %get3A_459 = arith.index_cast %scan3A_455 : i32 to index
        %get3A_460 = arith.constant 0 : index
        %get3A_461 = tpu.vector_load %arg21[%get3A_459, %get3A_460] {strides = array<i32>} : memref<40x128xf32, #tpu.memory_space<vmem>>, vector<1x16xf32>,
        %get3A_462 = vector.shape_cast %get3A_461 : vector<1x16xf32> to vector<16xf32>
        %add3A_463 = arith.addf %get3A_458, %get3A_462 : vector<16xf32>
        %max3A = arith.constant 0.000000e+00 : f32
        %max3A_464 = vector.broadcast %max3A : f32 to vector<16xf32>
        %max3A_465 = arith.maximumf %add3A_463, %max3A_464 : vector<16xf32>
        %swap3A = arith.index_cast %scan3A_455 : i32 to index
        %swap3A_466 = arith.constant 0 : index
        %swap3A_467 = tpu.vector_load %arg17[%swap3A, %swap3A_466] {strides = array<i32>} : memref<40x128xf32, #tpu.memory_space<vmem>>, vector<1x16xf32>,
        %swap3A_468 = vector.shape_cast %swap3A_467 : vector<1x16xf32> to vector<16xf32>
        %swap3A_469 = vector.shape_cast %max3A_465 : vector<16xf32> to vector<1x16xf32>
        tpu.vector_store %arg17[%swap3A, %swap3A_466], %swap3A_469 {strides = array<i32>} : memref<40x128xf32, #tpu.memory_space<vmem>>, vector<1x16xf32>,
        %get3A_470 = arith.index_cast %scan3A_455 : i32 to index
        %get3A_471 = arith.constant 16 : index
        %get3A_472 = tpu.vector_load %arg17[%get3A_470, %get3A_471] {strides = array<i32>} : memref<40x128xf32, #tpu.memory_space<vmem>>, vector<1x16xf32>,
        %get3A_473 = vector.shape_cast %get3A_472 : vector<1x16xf32> to vector<16xf32>
        %get3A_474 = arith.index_cast %scan3A_455 : i32 to index
        %get3A_475 = arith.constant 16 : index
        %get3A_476 = tpu.vector_load %arg21[%get3A_474, %get3A_475] {strides = array<i32>} : memref<40x128xf32, #tpu.memory_space<vmem>>, vector<1x16xf32>,
        %get3A_477 = vector.shape_cast %get3A_476 : vector<1x16xf32> to vector<16xf32>
        %add3A_478 = arith.addf %get3A_473, %get3A_477 : vector<16xf32>
        %max3A_479 = arith.constant 0.000000e+00 : f32
        %max3A_480 = vector.broadcast %max3A_479 : f32 to vector<16xf32>
        %max3A_481 = arith.maximumf %add3A_478, %max3A_480 : vector<16xf32>
        %swap3A_482 = arith.index_cast %scan3A_455 : i32 to index
        %swap3A_483 = arith.constant 16 : index
        %swap3A_484 = tpu.vector_load %arg17[%swap3A_482, %swap3A_483] {strides = array<i32>} : memref<40x128xf32, #tpu.memory_space<vmem>>, vector<1x16xf32>,
        %swap3A_485 = vector.shape_cast %swap3A_484 : vector<1x16xf32> to vector<16xf32>
        %swap3A_486 = vector.shape_cast %max3A_481 : vector<16xf32> to vector<1x16xf32>
        tpu.vector_store %arg17[%swap3A_482, %swap3A_483], %swap3A_486 {strides = array<i32>} : memref<40x128xf32, #tpu.memory_space<vmem>>, vector<1x16xf32>,
        %get3A_487 = arith.index_cast %scan3A_455 : i32 to index
        %get3A_488 = arith.constant 32 : index
        %get3A_489 = tpu.vector_load %arg17[%get3A_487, %get3A_488] {strides = array<i32>} : memref<40x128xf32, #tpu.memory_space<vmem>>, vector<1x16xf32>,
        %get3A_490 = vector.shape_cast %get3A_489 : vector<1x16xf32> to vector<16xf32>
        %get3A_491 = arith.index_cast %scan3A_455 : i32 to index
        %get3A_492 = arith.constant 32 : index
        %get3A_493 = tpu.vector_load %arg21[%get3A_491, %get3A_492] {strides = array<i32>} : memref<40x128xf32, #tpu.memory_space<vmem>>, vector<1x16xf32>,
        %get3A_494 = vector.shape_cast %get3A_493 : vector<1x16xf32> to vector<16xf32>
        %add3A_495 = arith.addf %get3A_490, %get3A_494 : vector<16xf32>
        %max3A_496 = arith.constant 0.000000e+00 : f32
        %max3A_497 = vector.broadcast %max3A_496 : f32 to vector<16xf32>
        %max3A_498 = arith.maximumf %add3A_495, %max3A_497 : vector<16xf32>
        %swap3A_499 = arith.index_cast %scan3A_455 : i32 to index
        %swap3A_500 = arith.constant 32 : index
        %swap3A_501 = tpu.vector_load %arg17[%swap3A_499, %swap3A_500] {strides = array<i32>} : memref<40x128xf32, #tpu.memory_space<vmem>>, vector<1x16xf32>,
        %swap3A_502 = vector.shape_cast %swap3A_501 : vector<1x16xf32> to vector<16xf32>
        %swap3A_503 = vector.shape_cast %max3A_498 : vector<16xf32> to vector<1x16xf32>
        tpu.vector_store %arg17[%swap3A_499, %swap3A_500], %swap3A_503 {strides = array<i32>} : memref<40x128xf32, #tpu.memory_space<vmem>>, vector<1x16xf32>,
        %get3A_504 = arith.index_cast %scan3A_455 : i32 to index
        %get3A_505 = arith.constant 48 : index
        %get3A_506 = tpu.vector_load %arg17[%get3A_504, %get3A_505] {strides = array<i32>} : memref<40x128xf32, #tpu.memory_space<vmem>>, vector<1x16xf32>,
        %get3A_507 = vector.shape_cast %get3A_506 : vector<1x16xf32> to vector<16xf32>
        %get3A_508 = arith.index_cast %scan3A_455 : i32 to index
        %get3A_509 = arith.constant 48 : index
        %get3A_510 = tpu.vector_load %arg21[%get3A_508, %get3A_509] {strides = array<i32>} : memref<40x128xf32, #tpu.memory_space<vmem>>, vector<1x16xf32>,
        %get3A_511 = vector.shape_cast %get3A_510 : vector<1x16xf32> to vector<16xf32>
        %add3A_512 = arith.addf %get3A_507, %get3A_511 : vector<16xf32>
        %max3A_513 = arith.constant 0.000000e+00 : f32
        %max3A_514 = vector.broadcast %max3A_513 : f32 to vector<16xf32>
        %max3A_515 = arith.maximumf %add3A_512, %max3A_514 : vector<16xf32>
        %swap3A_516 = arith.index_cast %scan3A_455 : i32 to index
        %swap3A_517 = arith.constant 48 : index
        %swap3A_518 = tpu.vector_load %arg17[%swap3A_516, %swap3A_517] {strides = array<i32>} : memref<40x128xf32, #tpu.memory_space<vmem>>, vector<1x16xf32>,
        %swap3A_519 = vector.shape_cast %swap3A_518 : vector<1x16xf32> to vector<16xf32>
        %swap3A_520 = vector.shape_cast %max3A_515 : vector<16xf32> to vector<1x16xf32>
        tpu.vector_store %arg17[%swap3A_516, %swap3A_517], %swap3A_520 {strides = array<i32>} : memref<40x128xf32, #tpu.memory_space<vmem>>, vector<1x16xf32>,
        %get3A_521 = arith.index_cast %scan3A_455 : i32 to index
        %get3A_522 = arith.constant 64 : index
        %get3A_523 = tpu.vector_load %arg17[%get3A_521, %get3A_522] {strides = array<i32>} : memref<40x128xf32, #tpu.memory_space<vmem>>, vector<1x16xf32>,
        %get3A_524 = vector.shape_cast %get3A_523 : vector<1x16xf32> to vector<16xf32>
        %get3A_525 = arith.index_cast %scan3A_455 : i32 to index
        %get3A_526 = arith.constant 64 : index
        %get3A_527 = tpu.vector_load %arg21[%get3A_525, %get3A_526] {strides = array<i32>} : memref<40x128xf32, #tpu.memory_space<vmem>>, vector<1x16xf32>,
        %get3A_528 = vector.shape_cast %get3A_527 : vector<1x16xf32> to vector<16xf32>
        %add3A_529 = arith.addf %get3A_524, %get3A_528 : vector<16xf32>
        %max3A_530 = arith.constant 0.000000e+00 : f32
        %max3A_531 = vector.broadcast %max3A_530 : f32 to vector<16xf32>
        %max3A_532 = arith.maximumf %add3A_529, %max3A_531 : vector<16xf32>
        %swap3A_533 = arith.index_cast %scan3A_455 : i32 to index
        %swap3A_534 = arith.constant 64 : index
        %swap3A_535 = tpu.vector_load %arg17[%swap3A_533, %swap3A_534] {strides = array<i32>} : memref<40x128xf32, #tpu.memory_space<vmem>>, vector<1x16xf32>,
        %swap3A_536 = vector.shape_cast %swap3A_535 : vector<1x16xf32> to vector<16xf32>
        %swap3A_537 = vector.shape_cast %max3A_532 : vector<16xf32> to vector<1x16xf32>
        tpu.vector_store %arg17[%swap3A_533, %swap3A_534], %swap3A_537 {strides = array<i32>} : memref<40x128xf32, #tpu.memory_space<vmem>>, vector<1x16xf32>,
        %get3A_538 = arith.index_cast %scan3A_455 : i32 to index
        %get3A_539 = arith.constant 80 : index
        %get3A_540 = tpu.vector_load %arg17[%get3A_538, %get3A_539] {strides = array<i32>} : memref<40x128xf32, #tpu.memory_space<vmem>>, vector<1x16xf32>,
        %get3A_541 = vector.shape_cast %get3A_540 : vector<1x16xf32> to vector<16xf32>
        %get3A_542 = arith.index_cast %scan3A_455 : i32 to index
        %get3A_543 = arith.constant 80 : index
        %get3A_544 = tpu.vector_load %arg21[%get3A_542, %get3A_543] {strides = array<i32>} : memref<40x128xf32, #tpu.memory_space<vmem>>, vector<1x16xf32>,
        %get3A_545 = vector.shape_cast %get3A_544 : vector<1x16xf32> to vector<16xf32>
        %add3A_546 = arith.addf %get3A_541, %get3A_545 : vector<16xf32>
        %max3A_547 = arith.constant 0.000000e+00 : f32
        %max3A_548 = vector.broadcast %max3A_547 : f32 to vector<16xf32>
        %max3A_549 = arith.maximumf %add3A_546, %max3A_548 : vector<16xf32>
        %swap3A_550 = arith.index_cast %scan3A_455 : i32 to index
        %swap3A_551 = arith.constant 80 : index
        %swap3A_552 = tpu.vector_load %arg17[%swap3A_550, %swap3A_551] {strides = array<i32>} : memref<40x128xf32, #tpu.memory_space<vmem>>, vector<1x16xf32>,
        %swap3A_553 = vector.shape_cast %swap3A_552 : vector<1x16xf32> to vector<16xf32>
        %swap3A_554 = vector.shape_cast %max3A_549 : vector<16xf32> to vector<1x16xf32>
        tpu.vector_store %arg17[%swap3A_550, %swap3A_551], %swap3A_554 {strides = array<i32>} : memref<40x128xf32, #tpu.memory_space<vmem>>, vector<1x16xf32>,
        %get3A_555 = arith.index_cast %scan3A_455 : i32 to index
        %get3A_556 = arith.constant 96 : index
        %get3A_557 = tpu.vector_load %arg17[%get3A_555, %get3A_556] {strides = array<i32>} : memref<40x128xf32, #tpu.memory_space<vmem>>, vector<1x16xf32>,
        %get3A_558 = vector.shape_cast %get3A_557 : vector<1x16xf32> to vector<16xf32>
        %get3A_559 = arith.index_cast %scan3A_455 : i32 to index
        %get3A_560 = arith.constant 96 : index
        %get3A_561 = tpu.vector_load %arg21[%get3A_559, %get3A_560] {strides = array<i32>} : memref<40x128xf32, #tpu.memory_space<vmem>>, vector<1x16xf32>,
        %get3A_562 = vector.shape_cast %get3A_561 : vector<1x16xf32> to vector<16xf32>
        %add3A_563 = arith.addf %get3A_558, %get3A_562 : vector<16xf32>
        %max3A_564 = arith.constant 0.000000e+00 : f32
        %max3A_565 = vector.broadcast %max3A_564 : f32 to vector<16xf32>
        %max3A_566 = arith.maximumf %add3A_563, %max3A_565 : vector<16xf32>
        %swap3A_567 = arith.index_cast %scan3A_455 : i32 to index
        %swap3A_568 = arith.constant 96 : index
        %swap3A_569 = tpu.vector_load %arg17[%swap3A_567, %swap3A_568] {strides = array<i32>} : memref<40x128xf32, #tpu.memory_space<vmem>>, vector<1x16xf32>,
        %swap3A_570 = vector.shape_cast %swap3A_569 : vector<1x16xf32> to vector<16xf32>
        %swap3A_571 = vector.shape_cast %max3A_566 : vector<16xf32> to vector<1x16xf32>
        tpu.vector_store %arg17[%swap3A_567, %swap3A_568], %swap3A_571 {strides = array<i32>} : memref<40x128xf32, #tpu.memory_space<vmem>>, vector<1x16xf32>,
        %get3A_572 = arith.index_cast %scan3A_455 : i32 to index
        %get3A_573 = arith.constant 112 : index
        %get3A_574 = tpu.vector_load %arg17[%get3A_572, %get3A_573] {strides = array<i32>} : memref<40x128xf32, #tpu.memory_space<vmem>>, vector<1x16xf32>,
        %get3A_575 = vector.shape_cast %get3A_574 : vector<1x16xf32> to vector<16xf32>
        %get3A_576 = arith.index_cast %scan3A_455 : i32 to index
        %get3A_577 = arith.constant 112 : index
        %get3A_578 = tpu.vector_load %arg21[%get3A_576, %get3A_577] {strides = array<i32>} : memref<40x128xf32, #tpu.memory_space<vmem>>, vector<1x16xf32>,
        %get3A_579 = vector.shape_cast %get3A_578 : vector<1x16xf32> to vector<16xf32>
        %add3A_580 = arith.addf %get3A_575, %get3A_579 : vector<16xf32>
        %max3A_581 = arith.constant 0.000000e+00 : f32
        %max3A_582 = vector.broadcast %max3A_581 : f32 to vector<16xf32>
        %max3A_583 = arith.maximumf %add3A_580, %max3A_582 : vector<16xf32>
        %swap3A_584 = arith.index_cast %scan3A_455 : i32 to index
        %swap3A_585 = arith.constant 112 : index
        %swap3A_586 = tpu.vector_load %arg17[%swap3A_584, %swap3A_585] {strides = array<i32>} : memref<40x128xf32, #tpu.memory_space<vmem>>, vector<1x16xf32>,
        %swap3A_587 = vector.shape_cast %swap3A_586 : vector<1x16xf32> to vector<16xf32>
        %swap3A_588 = vector.shape_cast %max3A_583 : vector<16xf32> to vector<1x16xf32>
        tpu.vector_store %arg17[%swap3A_584, %swap3A_585], %swap3A_588 {strides = array<i32>} : memref<40x128xf32, #tpu.memory_space<vmem>>, vector<1x16xf32>,
      }
      %scan3A_321 = arith.constant 40 : i32
      %dma_start3A_322 = arith.constant 0 : i32
      %dma_start3A_323 = arith.constant 0 : i32
      %dma_start3A_324 = tpu.memref_slice %arg8[%dma_start3A_322, %dma_start3A_323] : memref<10112x128xf32, #tpu.memory_space<vmem_shared>> -> memref<10112x128xf32, #tpu.memory_space<vmem_shared>>
      tpu.enqueue_indirect_dma source(%arg17 : memref<40x128xf32, #tpu.memory_space<vmem>>) target(%dma_start3A_324 : memref<10112x128xf32, #tpu.memory_space<vmem_shared>>) offsets(%arg13 : memref<40xi32, #tpu.memory_space<vmem>>) semaphore(%arg33 : memref<!tpu.dma_semaphore, #tpu.memory_space<semaphore_mem>>) {add = true}
      %dma_wait3A_325 = arith.constant 0 : i32
      %dma_wait3A_326 = arith.constant 0 : i32
      %dma_wait3A_327 = tpu.memref_slice %arg8[%dma_wait3A_325, %dma_wait3A_326] : memref<10112x128xf32, #tpu.memory_space<vmem_shared>> -> memref<10112x128xf32, #tpu.memory_space<vmem_shared>>
      tpu.wait_indirect_dma semaphore(%arg36 : memref<!tpu.dma_semaphore, #tpu.memory_space<semaphore_mem>>) src(%arg20 : memref<40x128xf32, #tpu.memory_space<vmem>>) dst(%dma_wait3A_327 : memref<10112x128xf32, #tpu.memory_space<vmem_shared>>)
      %le3A = arith.constant 246 : i32
      %le3A_328 = arith.cmpi sle, %add3A_295, %le3A : i32
      %add3A_329 = arith.constant 3 : i32
      %add3A_330 = arith.addi %add3A_295, %add3A_329 : i32
      %convert_element_type3A = arith.extui %le3A_328 : i1 to i32
      %cond3A = arith.constant 0 : i32
      %cond3A_331 = arith.cmpi ne, %convert_element_type3A, %cond3A : i32
      scf.if %cond3A_331 {
        %mul3A_455 = arith.constant 40 : i32
        %mul3A_456 = arith.muli %add3A_330, %mul3A_455 : i32
        %add3A_457 = arith.addi %mul3A_2, %mul3A_456 : i32
        %mul3A_458 = arith.constant 160000 : i32
        %mul3A_459 = arith.muli %arg0, %mul3A_458 : i32
        %add3A_460 = arith.addi %mul3A_459, %add3A_457 : i32
        %dma_start3A_461 = tpu.memref_slice %arg3[%add3A_460] : memref<320000xi32, #tpu.memory_space<hbm>> -> memref<40xi32, #tpu.memory_space<hbm>>
        %dma_start3A_462 = tpu.memref_slice %arg3[%add3A_460] : memref<320000xi32, #tpu.memory_space<hbm>> -> memref<40xi32, #tpu.memory_space<hbm>>
        tpu.enqueue_dma source(%dma_start3A_462 : memref<40xi32, #tpu.memory_space<hbm>>) target(%arg12 : memref<40xi32, #tpu.memory_space<vmem>>) target_semaphore(%arg28 : memref<!tpu.dma_semaphore, #tpu.memory_space<semaphore_mem>>)
        %dma_start3A_463 = tpu.memref_slice %arg4[%add3A_457] : memref<160000xi32, #tpu.memory_space<hbm>> -> memref<40xi32, #tpu.memory_space<hbm>>
        %dma_start3A_464 = tpu.memref_slice %arg4[%add3A_457] : memref<160000xi32, #tpu.memory_space<hbm>> -> memref<40xi32, #tpu.memory_space<hbm>>
        tpu.enqueue_dma source(%dma_start3A_464 : memref<40xi32, #tpu.memory_space<hbm>>) target(%arg16 : memref<40xi32, #tpu.memory_space<vmem>>) target_semaphore(%arg28 : memref<!tpu.dma_semaphore, #tpu.memory_space<semaphore_mem>>)
        %mul3A_465 = arith.constant 128 : i32
        %mul3A_466 = arith.muli %arg0, %mul3A_465 : i32
        %dma_start3A_467 = tpu.memref_slice %arg5[%add3A_457, %mul3A_466] : memref<160000x256xf32, #tpu.memory_space<hbm>> -> memref<40x128xf32, #tpu.memory_space<hbm>>
        %dma_start3A_468 = tpu.memref_slice %arg5[%add3A_457, %mul3A_466] : memref<160000x256xf32, #tpu.memory_space<hbm>> -> memref<40x128xf32, #tpu.memory_space<hbm>>
        tpu.enqueue_dma source(%dma_start3A_468 : memref<40x128xf32, #tpu.memory_space<hbm>>) target(%arg24 : memref<40x128xf32, #tpu.memory_space<vmem>>) target_semaphore(%arg32 : memref<!tpu.dma_semaphore, #tpu.memory_space<semaphore_mem>>)
      } else {
      }
      %add3A_332 = arith.constant 1 : i32
      %add3A_333 = arith.addi %add3A_293, %add3A_332 : i32
      %dma_wait3A_334 = arith.constant 0 : i32
      %dma_wait3A_335 = tpu.memref_slice %arg3[%dma_wait3A_334] : memref<320000xi32, #tpu.memory_space<hbm>> -> memref<40xi32, #tpu.memory_space<hbm>>
      %dma_wait3A_336 = arith.constant 0 : i32
      %dma_wait3A_337 = tpu.memref_slice %arg3[%dma_wait3A_336] : memref<320000xi32, #tpu.memory_space<hbm>> -> memref<40xi32, #tpu.memory_space<hbm>>
      tpu.wait_dma2 semaphore(%arg27 : memref<!tpu.dma_semaphore, #tpu.memory_space<semaphore_mem>>) src(%dma_wait3A_337 : memref<40xi32, #tpu.memory_space<hbm>>) dst(%arg11 : memref<40xi32, #tpu.memory_space<vmem>>)
      %dma_wait3A_338 = arith.constant 0 : i32
      %dma_wait3A_339 = tpu.memref_slice %arg4[%dma_wait3A_338] : memref<160000xi32, #tpu.memory_space<hbm>> -> memref<40xi32, #tpu.memory_space<hbm>>
      %dma_wait3A_340 = arith.constant 0 : i32
      %dma_wait3A_341 = tpu.memref_slice %arg4[%dma_wait3A_340] : memref<160000xi32, #tpu.memory_space<hbm>> -> memref<40xi32, #tpu.memory_space<hbm>>
      tpu.wait_dma2 semaphore(%arg27 : memref<!tpu.dma_semaphore, #tpu.memory_space<semaphore_mem>>) src(%dma_wait3A_341 : memref<40xi32, #tpu.memory_space<hbm>>) dst(%arg15 : memref<40xi32, #tpu.memory_space<vmem>>)
      %dma_start3A_342 = arith.constant 0 : i32
      %dma_start3A_343 = arith.constant 0 : i32
      %dma_start3A_344 = tpu.memref_slice %arg2[%dma_start3A_342, %dma_start3A_343] : memref<20000x128xf32, #tpu.memory_space<hbm>> -> memref<20000x128xf32, #tpu.memory_space<hbm>>
      tpu.enqueue_indirect_dma source(%dma_start3A_344 : memref<20000x128xf32, #tpu.memory_space<hbm>>) target(%arg19 : memref<40x128xf32, #tpu.memory_space<vmem>>) offsets(%arg11 : memref<40xi32, #tpu.memory_space<vmem>>) semaphore(%arg31 : memref<!tpu.dma_semaphore, #tpu.memory_space<semaphore_mem>>)
      %dma_wait3A_345 = arith.constant 0 : i32
      %dma_wait3A_346 = arith.constant 0 : i32
      %dma_wait3A_347 = tpu.memref_slice %arg5[%dma_wait3A_345, %dma_wait3A_346] : memref<160000x256xf32, #tpu.memory_space<hbm>> -> memref<40x128xf32, #tpu.memory_space<hbm>>
      %dma_wait3A_348 = arith.constant 0 : i32
      %dma_wait3A_349 = arith.constant 0 : i32
      %dma_wait3A_350 = tpu.memref_slice %arg5[%dma_wait3A_348, %dma_wait3A_349] : memref<160000x256xf32, #tpu.memory_space<hbm>> -> memref<40x128xf32, #tpu.memory_space<hbm>>
      tpu.wait_dma2 semaphore(%arg30 : memref<!tpu.dma_semaphore, #tpu.memory_space<semaphore_mem>>) src(%dma_wait3A_350 : memref<40x128xf32, #tpu.memory_space<hbm>>) dst(%arg22 : memref<40x128xf32, #tpu.memory_space<vmem>>)
      %dma_wait3A_351 = arith.constant 0 : i32
      %dma_wait3A_352 = arith.constant 0 : i32
      %dma_wait3A_353 = tpu.memref_slice %arg2[%dma_wait3A_351, %dma_wait3A_352] : memref<20000x128xf32, #tpu.memory_space<hbm>> -> memref<20000x128xf32, #tpu.memory_space<hbm>>
      tpu.wait_indirect_dma semaphore(%arg30 : memref<!tpu.dma_semaphore, #tpu.memory_space<semaphore_mem>>) src(%dma_wait3A_353 : memref<20000x128xf32, #tpu.memory_space<hbm>>) dst(%arg18 : memref<40x128xf32, #tpu.memory_space<vmem>>)
      %scan3A_354 = arith.constant 0 : i32
      %scan3A_355 = arith.constant 0 : i32
      %scan3A_356 = arith.constant 40 : i32
      %scan3A_357 = arith.addi %scan3A_355, %scan3A_356 : i32
      %scan3A_358 = arith.constant 1 : i32
      scf.for %scan3A_455 = %scan3A_355 to %scan3A_357 step %scan3A_358  : i32 {
        %get3A = arith.index_cast %scan3A_455 : i32 to index
        %get3A_456 = arith.constant 0 : index
        %get3A_457 = tpu.vector_load %arg18[%get3A, %get3A_456] {strides = array<i32>} : memref<40x128xf32, #tpu.memory_space<vmem>>, vector<1x16xf32>,
        %get3A_458 = vector.shape_cast %get3A_457 : vector<1x16xf32> to vector<16xf32>
        %get3A_459 = arith.index_cast %scan3A_455 : i32 to index
        %get3A_460 = arith.constant 0 : index
        %get3A_461 = tpu.vector_load %arg22[%get3A_459, %get3A_460] {strides = array<i32>} : memref<40x128xf32, #tpu.memory_space<vmem>>, vector<1x16xf32>,
        %get3A_462 = vector.shape_cast %get3A_461 : vector<1x16xf32> to vector<16xf32>
        %add3A_463 = arith.addf %get3A_458, %get3A_462 : vector<16xf32>
        %max3A = arith.constant 0.000000e+00 : f32
        %max3A_464 = vector.broadcast %max3A : f32 to vector<16xf32>
        %max3A_465 = arith.maximumf %add3A_463, %max3A_464 : vector<16xf32>
        %swap3A = arith.index_cast %scan3A_455 : i32 to index
        %swap3A_466 = arith.constant 0 : index
        %swap3A_467 = tpu.vector_load %arg18[%swap3A, %swap3A_466] {strides = array<i32>} : memref<40x128xf32, #tpu.memory_space<vmem>>, vector<1x16xf32>,
        %swap3A_468 = vector.shape_cast %swap3A_467 : vector<1x16xf32> to vector<16xf32>
        %swap3A_469 = vector.shape_cast %max3A_465 : vector<16xf32> to vector<1x16xf32>
        tpu.vector_store %arg18[%swap3A, %swap3A_466], %swap3A_469 {strides = array<i32>} : memref<40x128xf32, #tpu.memory_space<vmem>>, vector<1x16xf32>,
        %get3A_470 = arith.index_cast %scan3A_455 : i32 to index
        %get3A_471 = arith.constant 16 : index
        %get3A_472 = tpu.vector_load %arg18[%get3A_470, %get3A_471] {strides = array<i32>} : memref<40x128xf32, #tpu.memory_space<vmem>>, vector<1x16xf32>,
        %get3A_473 = vector.shape_cast %get3A_472 : vector<1x16xf32> to vector<16xf32>
        %get3A_474 = arith.index_cast %scan3A_455 : i32 to index
        %get3A_475 = arith.constant 16 : index
        %get3A_476 = tpu.vector_load %arg22[%get3A_474, %get3A_475] {strides = array<i32>} : memref<40x128xf32, #tpu.memory_space<vmem>>, vector<1x16xf32>,
        %get3A_477 = vector.shape_cast %get3A_476 : vector<1x16xf32> to vector<16xf32>
        %add3A_478 = arith.addf %get3A_473, %get3A_477 : vector<16xf32>
        %max3A_479 = arith.constant 0.000000e+00 : f32
        %max3A_480 = vector.broadcast %max3A_479 : f32 to vector<16xf32>
        %max3A_481 = arith.maximumf %add3A_478, %max3A_480 : vector<16xf32>
        %swap3A_482 = arith.index_cast %scan3A_455 : i32 to index
        %swap3A_483 = arith.constant 16 : index
        %swap3A_484 = tpu.vector_load %arg18[%swap3A_482, %swap3A_483] {strides = array<i32>} : memref<40x128xf32, #tpu.memory_space<vmem>>, vector<1x16xf32>,
        %swap3A_485 = vector.shape_cast %swap3A_484 : vector<1x16xf32> to vector<16xf32>
        %swap3A_486 = vector.shape_cast %max3A_481 : vector<16xf32> to vector<1x16xf32>
        tpu.vector_store %arg18[%swap3A_482, %swap3A_483], %swap3A_486 {strides = array<i32>} : memref<40x128xf32, #tpu.memory_space<vmem>>, vector<1x16xf32>,
        %get3A_487 = arith.index_cast %scan3A_455 : i32 to index
        %get3A_488 = arith.constant 32 : index
        %get3A_489 = tpu.vector_load %arg18[%get3A_487, %get3A_488] {strides = array<i32>} : memref<40x128xf32, #tpu.memory_space<vmem>>, vector<1x16xf32>,
        %get3A_490 = vector.shape_cast %get3A_489 : vector<1x16xf32> to vector<16xf32>
        %get3A_491 = arith.index_cast %scan3A_455 : i32 to index
        %get3A_492 = arith.constant 32 : index
        %get3A_493 = tpu.vector_load %arg22[%get3A_491, %get3A_492] {strides = array<i32>} : memref<40x128xf32, #tpu.memory_space<vmem>>, vector<1x16xf32>,
        %get3A_494 = vector.shape_cast %get3A_493 : vector<1x16xf32> to vector<16xf32>
        %add3A_495 = arith.addf %get3A_490, %get3A_494 : vector<16xf32>
        %max3A_496 = arith.constant 0.000000e+00 : f32
        %max3A_497 = vector.broadcast %max3A_496 : f32 to vector<16xf32>
        %max3A_498 = arith.maximumf %add3A_495, %max3A_497 : vector<16xf32>
        %swap3A_499 = arith.index_cast %scan3A_455 : i32 to index
        %swap3A_500 = arith.constant 32 : index
        %swap3A_501 = tpu.vector_load %arg18[%swap3A_499, %swap3A_500] {strides = array<i32>} : memref<40x128xf32, #tpu.memory_space<vmem>>, vector<1x16xf32>,
        %swap3A_502 = vector.shape_cast %swap3A_501 : vector<1x16xf32> to vector<16xf32>
        %swap3A_503 = vector.shape_cast %max3A_498 : vector<16xf32> to vector<1x16xf32>
        tpu.vector_store %arg18[%swap3A_499, %swap3A_500], %swap3A_503 {strides = array<i32>} : memref<40x128xf32, #tpu.memory_space<vmem>>, vector<1x16xf32>,
        %get3A_504 = arith.index_cast %scan3A_455 : i32 to index
        %get3A_505 = arith.constant 48 : index
        %get3A_506 = tpu.vector_load %arg18[%get3A_504, %get3A_505] {strides = array<i32>} : memref<40x128xf32, #tpu.memory_space<vmem>>, vector<1x16xf32>,
        %get3A_507 = vector.shape_cast %get3A_506 : vector<1x16xf32> to vector<16xf32>
        %get3A_508 = arith.index_cast %scan3A_455 : i32 to index
        %get3A_509 = arith.constant 48 : index
        %get3A_510 = tpu.vector_load %arg22[%get3A_508, %get3A_509] {strides = array<i32>} : memref<40x128xf32, #tpu.memory_space<vmem>>, vector<1x16xf32>,
        %get3A_511 = vector.shape_cast %get3A_510 : vector<1x16xf32> to vector<16xf32>
        %add3A_512 = arith.addf %get3A_507, %get3A_511 : vector<16xf32>
        %max3A_513 = arith.constant 0.000000e+00 : f32
        %max3A_514 = vector.broadcast %max3A_513 : f32 to vector<16xf32>
        %max3A_515 = arith.maximumf %add3A_512, %max3A_514 : vector<16xf32>
        %swap3A_516 = arith.index_cast %scan3A_455 : i32 to index
        %swap3A_517 = arith.constant 48 : index
        %swap3A_518 = tpu.vector_load %arg18[%swap3A_516, %swap3A_517] {strides = array<i32>} : memref<40x128xf32, #tpu.memory_space<vmem>>, vector<1x16xf32>,
        %swap3A_519 = vector.shape_cast %swap3A_518 : vector<1x16xf32> to vector<16xf32>
        %swap3A_520 = vector.shape_cast %max3A_515 : vector<16xf32> to vector<1x16xf32>
        tpu.vector_store %arg18[%swap3A_516, %swap3A_517], %swap3A_520 {strides = array<i32>} : memref<40x128xf32, #tpu.memory_space<vmem>>, vector<1x16xf32>,
        %get3A_521 = arith.index_cast %scan3A_455 : i32 to index
        %get3A_522 = arith.constant 64 : index
        %get3A_523 = tpu.vector_load %arg18[%get3A_521, %get3A_522] {strides = array<i32>} : memref<40x128xf32, #tpu.memory_space<vmem>>, vector<1x16xf32>,
        %get3A_524 = vector.shape_cast %get3A_523 : vector<1x16xf32> to vector<16xf32>
        %get3A_525 = arith.index_cast %scan3A_455 : i32 to index
        %get3A_526 = arith.constant 64 : index
        %get3A_527 = tpu.vector_load %arg22[%get3A_525, %get3A_526] {strides = array<i32>} : memref<40x128xf32, #tpu.memory_space<vmem>>, vector<1x16xf32>,
        %get3A_528 = vector.shape_cast %get3A_527 : vector<1x16xf32> to vector<16xf32>
        %add3A_529 = arith.addf %get3A_524, %get3A_528 : vector<16xf32>
        %max3A_530 = arith.constant 0.000000e+00 : f32
        %max3A_531 = vector.broadcast %max3A_530 : f32 to vector<16xf32>
        %max3A_532 = arith.maximumf %add3A_529, %max3A_531 : vector<16xf32>
        %swap3A_533 = arith.index_cast %scan3A_455 : i32 to index
        %swap3A_534 = arith.constant 64 : index
        %swap3A_535 = tpu.vector_load %arg18[%swap3A_533, %swap3A_534] {strides = array<i32>} : memref<40x128xf32, #tpu.memory_space<vmem>>, vector<1x16xf32>,
        %swap3A_536 = vector.shape_cast %swap3A_535 : vector<1x16xf32> to vector<16xf32>
        %swap3A_537 = vector.shape_cast %max3A_532 : vector<16xf32> to vector<1x16xf32>
        tpu.vector_store %arg18[%swap3A_533, %swap3A_534], %swap3A_537 {strides = array<i32>} : memref<40x128xf32, #tpu.memory_space<vmem>>, vector<1x16xf32>,
        %get3A_538 = arith.index_cast %scan3A_455 : i32 to index
        %get3A_539 = arith.constant 80 : index
        %get3A_540 = tpu.vector_load %arg18[%get3A_538, %get3A_539] {strides = array<i32>} : memref<40x128xf32, #tpu.memory_space<vmem>>, vector<1x16xf32>,
        %get3A_541 = vector.shape_cast %get3A_540 : vector<1x16xf32> to vector<16xf32>
        %get3A_542 = arith.index_cast %scan3A_455 : i32 to index
        %get3A_543 = arith.constant 80 : index
        %get3A_544 = tpu.vector_load %arg22[%get3A_542, %get3A_543] {strides = array<i32>} : memref<40x128xf32, #tpu.memory_space<vmem>>, vector<1x16xf32>,
        %get3A_545 = vector.shape_cast %get3A_544 : vector<1x16xf32> to vector<16xf32>
        %add3A_546 = arith.addf %get3A_541, %get3A_545 : vector<16xf32>
        %max3A_547 = arith.constant 0.000000e+00 : f32
        %max3A_548 = vector.broadcast %max3A_547 : f32 to vector<16xf32>
        %max3A_549 = arith.maximumf %add3A_546, %max3A_548 : vector<16xf32>
        %swap3A_550 = arith.index_cast %scan3A_455 : i32 to index
        %swap3A_551 = arith.constant 80 : index
        %swap3A_552 = tpu.vector_load %arg18[%swap3A_550, %swap3A_551] {strides = array<i32>} : memref<40x128xf32, #tpu.memory_space<vmem>>, vector<1x16xf32>,
        %swap3A_553 = vector.shape_cast %swap3A_552 : vector<1x16xf32> to vector<16xf32>
        %swap3A_554 = vector.shape_cast %max3A_549 : vector<16xf32> to vector<1x16xf32>
        tpu.vector_store %arg18[%swap3A_550, %swap3A_551], %swap3A_554 {strides = array<i32>} : memref<40x128xf32, #tpu.memory_space<vmem>>, vector<1x16xf32>,
        %get3A_555 = arith.index_cast %scan3A_455 : i32 to index
        %get3A_556 = arith.constant 96 : index
        %get3A_557 = tpu.vector_load %arg18[%get3A_555, %get3A_556] {strides = array<i32>} : memref<40x128xf32, #tpu.memory_space<vmem>>, vector<1x16xf32>,
        %get3A_558 = vector.shape_cast %get3A_557 : vector<1x16xf32> to vector<16xf32>
        %get3A_559 = arith.index_cast %scan3A_455 : i32 to index
        %get3A_560 = arith.constant 96 : index
        %get3A_561 = tpu.vector_load %arg22[%get3A_559, %get3A_560] {strides = array<i32>} : memref<40x128xf32, #tpu.memory_space<vmem>>, vector<1x16xf32>,
        %get3A_562 = vector.shape_cast %get3A_561 : vector<1x16xf32> to vector<16xf32>
        %add3A_563 = arith.addf %get3A_558, %get3A_562 : vector<16xf32>
        %max3A_564 = arith.constant 0.000000e+00 : f32
        %max3A_565 = vector.broadcast %max3A_564 : f32 to vector<16xf32>
        %max3A_566 = arith.maximumf %add3A_563, %max3A_565 : vector<16xf32>
        %swap3A_567 = arith.index_cast %scan3A_455 : i32 to index
        %swap3A_568 = arith.constant 96 : index
        %swap3A_569 = tpu.vector_load %arg18[%swap3A_567, %swap3A_568] {strides = array<i32>} : memref<40x128xf32, #tpu.memory_space<vmem>>, vector<1x16xf32>,
        %swap3A_570 = vector.shape_cast %swap3A_569 : vector<1x16xf32> to vector<16xf32>
        %swap3A_571 = vector.shape_cast %max3A_566 : vector<16xf32> to vector<1x16xf32>
        tpu.vector_store %arg18[%swap3A_567, %swap3A_568], %swap3A_571 {strides = array<i32>} : memref<40x128xf32, #tpu.memory_space<vmem>>, vector<1x16xf32>,
        %get3A_572 = arith.index_cast %scan3A_455 : i32 to index
        %get3A_573 = arith.constant 112 : index
        %get3A_574 = tpu.vector_load %arg18[%get3A_572, %get3A_573] {strides = array<i32>} : memref<40x128xf32, #tpu.memory_space<vmem>>, vector<1x16xf32>,
        %get3A_575 = vector.shape_cast %get3A_574 : vector<1x16xf32> to vector<16xf32>
        %get3A_576 = arith.index_cast %scan3A_455 : i32 to index
        %get3A_577 = arith.constant 112 : index
        %get3A_578 = tpu.vector_load %arg22[%get3A_576, %get3A_577] {strides = array<i32>} : memref<40x128xf32, #tpu.memory_space<vmem>>, vector<1x16xf32>,
        %get3A_579 = vector.shape_cast %get3A_578 : vector<1x16xf32> to vector<16xf32>
        %add3A_580 = arith.addf %get3A_575, %get3A_579 : vector<16xf32>
        %max3A_581 = arith.constant 0.000000e+00 : f32
        %max3A_582 = vector.broadcast %max3A_581 : f32 to vector<16xf32>
        %max3A_583 = arith.maximumf %add3A_580, %max3A_582 : vector<16xf32>
        %swap3A_584 = arith.index_cast %scan3A_455 : i32 to index
        %swap3A_585 = arith.constant 112 : index
        %swap3A_586 = tpu.vector_load %arg18[%swap3A_584, %swap3A_585] {strides = array<i32>} : memref<40x128xf32, #tpu.memory_space<vmem>>, vector<1x16xf32>,
        %swap3A_587 = vector.shape_cast %swap3A_586 : vector<1x16xf32> to vector<16xf32>
        %swap3A_588 = vector.shape_cast %max3A_583 : vector<16xf32> to vector<1x16xf32>
        tpu.vector_store %arg18[%swap3A_584, %swap3A_585], %swap3A_588 {strides = array<i32>} : memref<40x128xf32, #tpu.memory_space<vmem>>, vector<1x16xf32>,
      }
      %scan3A_359 = arith.constant 40 : i32
      %dma_start3A_360 = arith.constant 0 : i32
      %dma_start3A_361 = arith.constant 0 : i32
      %dma_start3A_362 = tpu.memref_slice %arg8[%dma_start3A_360, %dma_start3A_361] : memref<10112x128xf32, #tpu.memory_space<vmem_shared>> -> memref<10112x128xf32, #tpu.memory_space<vmem_shared>>
      tpu.enqueue_indirect_dma source(%arg18 : memref<40x128xf32, #tpu.memory_space<vmem>>) target(%dma_start3A_362 : memref<10112x128xf32, #tpu.memory_space<vmem_shared>>) offsets(%arg14 : memref<40xi32, #tpu.memory_space<vmem>>) semaphore(%arg34 : memref<!tpu.dma_semaphore, #tpu.memory_space<semaphore_mem>>) {add = true}
      %dma_wait3A_363 = arith.constant 0 : i32
      %dma_wait3A_364 = arith.constant 0 : i32
      %dma_wait3A_365 = tpu.memref_slice %arg8[%dma_wait3A_363, %dma_wait3A_364] : memref<10112x128xf32, #tpu.memory_space<vmem_shared>> -> memref<10112x128xf32, #tpu.memory_space<vmem_shared>>
      tpu.wait_indirect_dma semaphore(%arg33 : memref<!tpu.dma_semaphore, #tpu.memory_space<semaphore_mem>>) src(%arg17 : memref<40x128xf32, #tpu.memory_space<vmem>>) dst(%dma_wait3A_365 : memref<10112x128xf32, #tpu.memory_space<vmem_shared>>)
      %le3A_366 = arith.constant 246 : i32
      %le3A_367 = arith.cmpi sle, %add3A_333, %le3A_366 : i32
      %add3A_368 = arith.constant 3 : i32
      %add3A_369 = arith.addi %add3A_333, %add3A_368 : i32
      %convert_element_type3A_370 = arith.extui %le3A_367 : i1 to i32
      %cond3A_371 = arith.constant 0 : i32
      %cond3A_372 = arith.cmpi ne, %convert_element_type3A_370, %cond3A_371 : i32
      scf.if %cond3A_372 {
        %mul3A_455 = arith.constant 40 : i32
        %mul3A_456 = arith.muli %add3A_369, %mul3A_455 : i32
        %add3A_457 = arith.addi %mul3A_2, %mul3A_456 : i32
        %mul3A_458 = arith.constant 160000 : i32
        %mul3A_459 = arith.muli %arg0, %mul3A_458 : i32
        %add3A_460 = arith.addi %mul3A_459, %add3A_457 : i32
        %dma_start3A_461 = tpu.memref_slice %arg3[%add3A_460] : memref<320000xi32, #tpu.memory_space<hbm>> -> memref<40xi32, #tpu.memory_space<hbm>>
        %dma_start3A_462 = tpu.memref_slice %arg3[%add3A_460] : memref<320000xi32, #tpu.memory_space<hbm>> -> memref<40xi32, #tpu.memory_space<hbm>>
        tpu.enqueue_dma source(%dma_start3A_462 : memref<40xi32, #tpu.memory_space<hbm>>) target(%arg9 : memref<40xi32, #tpu.memory_space<vmem>>) target_semaphore(%arg25 : memref<!tpu.dma_semaphore, #tpu.memory_space<semaphore_mem>>)
        %dma_start3A_463 = tpu.memref_slice %arg4[%add3A_457] : memref<160000xi32, #tpu.memory_space<hbm>> -> memref<40xi32, #tpu.memory_space<hbm>>
        %dma_start3A_464 = tpu.memref_slice %arg4[%add3A_457] : memref<160000xi32, #tpu.memory_space<hbm>> -> memref<40xi32, #tpu.memory_space<hbm>>
        tpu.enqueue_dma source(%dma_start3A_464 : memref<40xi32, #tpu.memory_space<hbm>>) target(%arg13 : memref<40xi32, #tpu.memory_space<vmem>>) target_semaphore(%arg25 : memref<!tpu.dma_semaphore, #tpu.memory_space<semaphore_mem>>)
        %mul3A_465 = arith.constant 128 : i32
        %mul3A_466 = arith.muli %arg0, %mul3A_465 : i32
        %dma_start3A_467 = tpu.memref_slice %arg5[%add3A_457, %mul3A_466] : memref<160000x256xf32, #tpu.memory_space<hbm>> -> memref<40x128xf32, #tpu.memory_space<hbm>>
        %dma_start3A_468 = tpu.memref_slice %arg5[%add3A_457, %mul3A_466] : memref<160000x256xf32, #tpu.memory_space<hbm>> -> memref<40x128xf32, #tpu.memory_space<hbm>>
        tpu.enqueue_dma source(%dma_start3A_468 : memref<40x128xf32, #tpu.memory_space<hbm>>) target(%arg21 : memref<40x128xf32, #tpu.memory_space<vmem>>) target_semaphore(%arg29 : memref<!tpu.dma_semaphore, #tpu.memory_space<semaphore_mem>>)
      } else {
      }
      %add3A_373 = arith.constant 2 : i32
      %add3A_374 = arith.addi %add3A_293, %add3A_373 : i32
      %dma_wait3A_375 = arith.constant 0 : i32
      %dma_wait3A_376 = tpu.memref_slice %arg3[%dma_wait3A_375] : memref<320000xi32, #tpu.memory_space<hbm>> -> memref<40xi32, #tpu.memory_space<hbm>>
      %dma_wait3A_377 = arith.constant 0 : i32
      %dma_wait3A_378 = tpu.memref_slice %arg3[%dma_wait3A_377] : memref<320000xi32, #tpu.memory_space<hbm>> -> memref<40xi32, #tpu.memory_space<hbm>>
      tpu.wait_dma2 semaphore(%arg28 : memref<!tpu.dma_semaphore, #tpu.memory_space<semaphore_mem>>) src(%dma_wait3A_378 : memref<40xi32, #tpu.memory_space<hbm>>) dst(%arg12 : memref<40xi32, #tpu.memory_space<vmem>>)
      %dma_wait3A_379 = arith.constant 0 : i32
      %dma_wait3A_380 = tpu.memref_slice %arg4[%dma_wait3A_379] : memref<160000xi32, #tpu.memory_space<hbm>> -> memref<40xi32, #tpu.memory_space<hbm>>
      %dma_wait3A_381 = arith.constant 0 : i32
      %dma_wait3A_382 = tpu.memref_slice %arg4[%dma_wait3A_381] : memref<160000xi32, #tpu.memory_space<hbm>> -> memref<40xi32, #tpu.memory_space<hbm>>
      tpu.wait_dma2 semaphore(%arg28 : memref<!tpu.dma_semaphore, #tpu.memory_space<semaphore_mem>>) src(%dma_wait3A_382 : memref<40xi32, #tpu.memory_space<hbm>>) dst(%arg16 : memref<40xi32, #tpu.memory_space<vmem>>)
      %dma_start3A_383 = arith.constant 0 : i32
      %dma_start3A_384 = arith.constant 0 : i32
      %dma_start3A_385 = tpu.memref_slice %arg2[%dma_start3A_383, %dma_start3A_384] : memref<20000x128xf32, #tpu.memory_space<hbm>> -> memref<20000x128xf32, #tpu.memory_space<hbm>>
      tpu.enqueue_indirect_dma source(%dma_start3A_385 : memref<20000x128xf32, #tpu.memory_space<hbm>>) target(%arg20 : memref<40x128xf32, #tpu.memory_space<vmem>>) offsets(%arg12 : memref<40xi32, #tpu.memory_space<vmem>>) semaphore(%arg32 : memref<!tpu.dma_semaphore, #tpu.memory_space<semaphore_mem>>)
      %dma_wait3A_386 = arith.constant 0 : i32
      %dma_wait3A_387 = arith.constant 0 : i32
      %dma_wait3A_388 = tpu.memref_slice %arg5[%dma_wait3A_386, %dma_wait3A_387] : memref<160000x256xf32, #tpu.memory_space<hbm>> -> memref<40x128xf32, #tpu.memory_space<hbm>>
      %dma_wait3A_389 = arith.constant 0 : i32
      %dma_wait3A_390 = arith.constant 0 : i32
      %dma_wait3A_391 = tpu.memref_slice %arg5[%dma_wait3A_389, %dma_wait3A_390] : memref<160000x256xf32, #tpu.memory_space<hbm>> -> memref<40x128xf32, #tpu.memory_space<hbm>>
      tpu.wait_dma2 semaphore(%arg31 : memref<!tpu.dma_semaphore, #tpu.memory_space<semaphore_mem>>) src(%dma_wait3A_391 : memref<40x128xf32, #tpu.memory_space<hbm>>) dst(%arg23 : memref<40x128xf32, #tpu.memory_space<vmem>>)
      %dma_wait3A_392 = arith.constant 0 : i32
      %dma_wait3A_393 = arith.constant 0 : i32
      %dma_wait3A_394 = tpu.memref_slice %arg2[%dma_wait3A_392, %dma_wait3A_393] : memref<20000x128xf32, #tpu.memory_space<hbm>> -> memref<20000x128xf32, #tpu.memory_space<hbm>>
      tpu.wait_indirect_dma semaphore(%arg31 : memref<!tpu.dma_semaphore, #tpu.memory_space<semaphore_mem>>) src(%dma_wait3A_394 : memref<20000x128xf32, #tpu.memory_space<hbm>>) dst(%arg19 : memref<40x128xf32, #tpu.memory_space<vmem>>)
      %scan3A_395 = arith.constant 0 : i32
      %scan3A_396 = arith.constant 0 : i32
      %scan3A_397 = arith.constant 40 : i32
      %scan3A_398 = arith.addi %scan3A_396, %scan3A_397 : i32
      %scan3A_399 = arith.constant 1 : i32
      scf.for %scan3A_455 = %scan3A_396 to %scan3A_398 step %scan3A_399  : i32 {
        %get3A = arith.index_cast %scan3A_455 : i32 to index
        %get3A_456 = arith.constant 0 : index
        %get3A_457 = tpu.vector_load %arg19[%get3A, %get3A_456] {strides = array<i32>} : memref<40x128xf32, #tpu.memory_space<vmem>>, vector<1x16xf32>,
        %get3A_458 = vector.shape_cast %get3A_457 : vector<1x16xf32> to vector<16xf32>
        %get3A_459 = arith.index_cast %scan3A_455 : i32 to index
        %get3A_460 = arith.constant 0 : index
        %get3A_461 = tpu.vector_load %arg23[%get3A_459, %get3A_460] {strides = array<i32>} : memref<40x128xf32, #tpu.memory_space<vmem>>, vector<1x16xf32>,
        %get3A_462 = vector.shape_cast %get3A_461 : vector<1x16xf32> to vector<16xf32>
        %add3A_463 = arith.addf %get3A_458, %get3A_462 : vector<16xf32>
        %max3A = arith.constant 0.000000e+00 : f32
        %max3A_464 = vector.broadcast %max3A : f32 to vector<16xf32>
        %max3A_465 = arith.maximumf %add3A_463, %max3A_464 : vector<16xf32>
        %swap3A = arith.index_cast %scan3A_455 : i32 to index
        %swap3A_466 = arith.constant 0 : index
        %swap3A_467 = tpu.vector_load %arg19[%swap3A, %swap3A_466] {strides = array<i32>} : memref<40x128xf32, #tpu.memory_space<vmem>>, vector<1x16xf32>,
        %swap3A_468 = vector.shape_cast %swap3A_467 : vector<1x16xf32> to vector<16xf32>
        %swap3A_469 = vector.shape_cast %max3A_465 : vector<16xf32> to vector<1x16xf32>
        tpu.vector_store %arg19[%swap3A, %swap3A_466], %swap3A_469 {strides = array<i32>} : memref<40x128xf32, #tpu.memory_space<vmem>>, vector<1x16xf32>,
        %get3A_470 = arith.index_cast %scan3A_455 : i32 to index
        %get3A_471 = arith.constant 16 : index
        %get3A_472 = tpu.vector_load %arg19[%get3A_470, %get3A_471] {strides = array<i32>} : memref<40x128xf32, #tpu.memory_space<vmem>>, vector<1x16xf32>,
        %get3A_473 = vector.shape_cast %get3A_472 : vector<1x16xf32> to vector<16xf32>
        %get3A_474 = arith.index_cast %scan3A_455 : i32 to index
        %get3A_475 = arith.constant 16 : index
        %get3A_476 = tpu.vector_load %arg23[%get3A_474, %get3A_475] {strides = array<i32>} : memref<40x128xf32, #tpu.memory_space<vmem>>, vector<1x16xf32>,
        %get3A_477 = vector.shape_cast %get3A_476 : vector<1x16xf32> to vector<16xf32>
        %add3A_478 = arith.addf %get3A_473, %get3A_477 : vector<16xf32>
        %max3A_479 = arith.constant 0.000000e+00 : f32
        %max3A_480 = vector.broadcast %max3A_479 : f32 to vector<16xf32>
        %max3A_481 = arith.maximumf %add3A_478, %max3A_480 : vector<16xf32>
        %swap3A_482 = arith.index_cast %scan3A_455 : i32 to index
        %swap3A_483 = arith.constant 16 : index
        %swap3A_484 = tpu.vector_load %arg19[%swap3A_482, %swap3A_483] {strides = array<i32>} : memref<40x128xf32, #tpu.memory_space<vmem>>, vector<1x16xf32>,
        %swap3A_485 = vector.shape_cast %swap3A_484 : vector<1x16xf32> to vector<16xf32>
        %swap3A_486 = vector.shape_cast %max3A_481 : vector<16xf32> to vector<1x16xf32>
        tpu.vector_store %arg19[%swap3A_482, %swap3A_483], %swap3A_486 {strides = array<i32>} : memref<40x128xf32, #tpu.memory_space<vmem>>, vector<1x16xf32>,
        %get3A_487 = arith.index_cast %scan3A_455 : i32 to index
        %get3A_488 = arith.constant 32 : index
        %get3A_489 = tpu.vector_load %arg19[%get3A_487, %get3A_488] {strides = array<i32>} : memref<40x128xf32, #tpu.memory_space<vmem>>, vector<1x16xf32>,
        %get3A_490 = vector.shape_cast %get3A_489 : vector<1x16xf32> to vector<16xf32>
        %get3A_491 = arith.index_cast %scan3A_455 : i32 to index
        %get3A_492 = arith.constant 32 : index
        %get3A_493 = tpu.vector_load %arg23[%get3A_491, %get3A_492] {strides = array<i32>} : memref<40x128xf32, #tpu.memory_space<vmem>>, vector<1x16xf32>,
        %get3A_494 = vector.shape_cast %get3A_493 : vector<1x16xf32> to vector<16xf32>
        %add3A_495 = arith.addf %get3A_490, %get3A_494 : vector<16xf32>
        %max3A_496 = arith.constant 0.000000e+00 : f32
        %max3A_497 = vector.broadcast %max3A_496 : f32 to vector<16xf32>
        %max3A_498 = arith.maximumf %add3A_495, %max3A_497 : vector<16xf32>
        %swap3A_499 = arith.index_cast %scan3A_455 : i32 to index
        %swap3A_500 = arith.constant 32 : index
        %swap3A_501 = tpu.vector_load %arg19[%swap3A_499, %swap3A_500] {strides = array<i32>} : memref<40x128xf32, #tpu.memory_space<vmem>>, vector<1x16xf32>,
        %swap3A_502 = vector.shape_cast %swap3A_501 : vector<1x16xf32> to vector<16xf32>
        %swap3A_503 = vector.shape_cast %max3A_498 : vector<16xf32> to vector<1x16xf32>
        tpu.vector_store %arg19[%swap3A_499, %swap3A_500], %swap3A_503 {strides = array<i32>} : memref<40x128xf32, #tpu.memory_space<vmem>>, vector<1x16xf32>,
        %get3A_504 = arith.index_cast %scan3A_455 : i32 to index
        %get3A_505 = arith.constant 48 : index
        %get3A_506 = tpu.vector_load %arg19[%get3A_504, %get3A_505] {strides = array<i32>} : memref<40x128xf32, #tpu.memory_space<vmem>>, vector<1x16xf32>,
        %get3A_507 = vector.shape_cast %get3A_506 : vector<1x16xf32> to vector<16xf32>
        %get3A_508 = arith.index_cast %scan3A_455 : i32 to index
        %get3A_509 = arith.constant 48 : index
        %get3A_510 = tpu.vector_load %arg23[%get3A_508, %get3A_509] {strides = array<i32>} : memref<40x128xf32, #tpu.memory_space<vmem>>, vector<1x16xf32>,
        %get3A_511 = vector.shape_cast %get3A_510 : vector<1x16xf32> to vector<16xf32>
        %add3A_512 = arith.addf %get3A_507, %get3A_511 : vector<16xf32>
        %max3A_513 = arith.constant 0.000000e+00 : f32
        %max3A_514 = vector.broadcast %max3A_513 : f32 to vector<16xf32>
        %max3A_515 = arith.maximumf %add3A_512, %max3A_514 : vector<16xf32>
        %swap3A_516 = arith.index_cast %scan3A_455 : i32 to index
        %swap3A_517 = arith.constant 48 : index
        %swap3A_518 = tpu.vector_load %arg19[%swap3A_516, %swap3A_517] {strides = array<i32>} : memref<40x128xf32, #tpu.memory_space<vmem>>, vector<1x16xf32>,
        %swap3A_519 = vector.shape_cast %swap3A_518 : vector<1x16xf32> to vector<16xf32>
        %swap3A_520 = vector.shape_cast %max3A_515 : vector<16xf32> to vector<1x16xf32>
        tpu.vector_store %arg19[%swap3A_516, %swap3A_517], %swap3A_520 {strides = array<i32>} : memref<40x128xf32, #tpu.memory_space<vmem>>, vector<1x16xf32>,
        %get3A_521 = arith.index_cast %scan3A_455 : i32 to index
        %get3A_522 = arith.constant 64 : index
        %get3A_523 = tpu.vector_load %arg19[%get3A_521, %get3A_522] {strides = array<i32>} : memref<40x128xf32, #tpu.memory_space<vmem>>, vector<1x16xf32>,
        %get3A_524 = vector.shape_cast %get3A_523 : vector<1x16xf32> to vector<16xf32>
        %get3A_525 = arith.index_cast %scan3A_455 : i32 to index
        %get3A_526 = arith.constant 64 : index
        %get3A_527 = tpu.vector_load %arg23[%get3A_525, %get3A_526] {strides = array<i32>} : memref<40x128xf32, #tpu.memory_space<vmem>>, vector<1x16xf32>,
        %get3A_528 = vector.shape_cast %get3A_527 : vector<1x16xf32> to vector<16xf32>
        %add3A_529 = arith.addf %get3A_524, %get3A_528 : vector<16xf32>
        %max3A_530 = arith.constant 0.000000e+00 : f32
        %max3A_531 = vector.broadcast %max3A_530 : f32 to vector<16xf32>
        %max3A_532 = arith.maximumf %add3A_529, %max3A_531 : vector<16xf32>
        %swap3A_533 = arith.index_cast %scan3A_455 : i32 to index
        %swap3A_534 = arith.constant 64 : index
        %swap3A_535 = tpu.vector_load %arg19[%swap3A_533, %swap3A_534] {strides = array<i32>} : memref<40x128xf32, #tpu.memory_space<vmem>>, vector<1x16xf32>,
        %swap3A_536 = vector.shape_cast %swap3A_535 : vector<1x16xf32> to vector<16xf32>
        %swap3A_537 = vector.shape_cast %max3A_532 : vector<16xf32> to vector<1x16xf32>
        tpu.vector_store %arg19[%swap3A_533, %swap3A_534], %swap3A_537 {strides = array<i32>} : memref<40x128xf32, #tpu.memory_space<vmem>>, vector<1x16xf32>,
        %get3A_538 = arith.index_cast %scan3A_455 : i32 to index
        %get3A_539 = arith.constant 80 : index
        %get3A_540 = tpu.vector_load %arg19[%get3A_538, %get3A_539] {strides = array<i32>} : memref<40x128xf32, #tpu.memory_space<vmem>>, vector<1x16xf32>,
        %get3A_541 = vector.shape_cast %get3A_540 : vector<1x16xf32> to vector<16xf32>
        %get3A_542 = arith.index_cast %scan3A_455 : i32 to index
        %get3A_543 = arith.constant 80 : index
        %get3A_544 = tpu.vector_load %arg23[%get3A_542, %get3A_543] {strides = array<i32>} : memref<40x128xf32, #tpu.memory_space<vmem>>, vector<1x16xf32>,
        %get3A_545 = vector.shape_cast %get3A_544 : vector<1x16xf32> to vector<16xf32>
        %add3A_546 = arith.addf %get3A_541, %get3A_545 : vector<16xf32>
        %max3A_547 = arith.constant 0.000000e+00 : f32
        %max3A_548 = vector.broadcast %max3A_547 : f32 to vector<16xf32>
        %max3A_549 = arith.maximumf %add3A_546, %max3A_548 : vector<16xf32>
        %swap3A_550 = arith.index_cast %scan3A_455 : i32 to index
        %swap3A_551 = arith.constant 80 : index
        %swap3A_552 = tpu.vector_load %arg19[%swap3A_550, %swap3A_551] {strides = array<i32>} : memref<40x128xf32, #tpu.memory_space<vmem>>, vector<1x16xf32>,
        %swap3A_553 = vector.shape_cast %swap3A_552 : vector<1x16xf32> to vector<16xf32>
        %swap3A_554 = vector.shape_cast %max3A_549 : vector<16xf32> to vector<1x16xf32>
        tpu.vector_store %arg19[%swap3A_550, %swap3A_551], %swap3A_554 {strides = array<i32>} : memref<40x128xf32, #tpu.memory_space<vmem>>, vector<1x16xf32>,
        %get3A_555 = arith.index_cast %scan3A_455 : i32 to index
        %get3A_556 = arith.constant 96 : index
        %get3A_557 = tpu.vector_load %arg19[%get3A_555, %get3A_556] {strides = array<i32>} : memref<40x128xf32, #tpu.memory_space<vmem>>, vector<1x16xf32>,
        %get3A_558 = vector.shape_cast %get3A_557 : vector<1x16xf32> to vector<16xf32>
        %get3A_559 = arith.index_cast %scan3A_455 : i32 to index
        %get3A_560 = arith.constant 96 : index
        %get3A_561 = tpu.vector_load %arg23[%get3A_559, %get3A_560] {strides = array<i32>} : memref<40x128xf32, #tpu.memory_space<vmem>>, vector<1x16xf32>,
        %get3A_562 = vector.shape_cast %get3A_561 : vector<1x16xf32> to vector<16xf32>
        %add3A_563 = arith.addf %get3A_558, %get3A_562 : vector<16xf32>
        %max3A_564 = arith.constant 0.000000e+00 : f32
        %max3A_565 = vector.broadcast %max3A_564 : f32 to vector<16xf32>
        %max3A_566 = arith.maximumf %add3A_563, %max3A_565 : vector<16xf32>
        %swap3A_567 = arith.index_cast %scan3A_455 : i32 to index
        %swap3A_568 = arith.constant 96 : index
        %swap3A_569 = tpu.vector_load %arg19[%swap3A_567, %swap3A_568] {strides = array<i32>} : memref<40x128xf32, #tpu.memory_space<vmem>>, vector<1x16xf32>,
        %swap3A_570 = vector.shape_cast %swap3A_569 : vector<1x16xf32> to vector<16xf32>
        %swap3A_571 = vector.shape_cast %max3A_566 : vector<16xf32> to vector<1x16xf32>
        tpu.vector_store %arg19[%swap3A_567, %swap3A_568], %swap3A_571 {strides = array<i32>} : memref<40x128xf32, #tpu.memory_space<vmem>>, vector<1x16xf32>,
        %get3A_572 = arith.index_cast %scan3A_455 : i32 to index
        %get3A_573 = arith.constant 112 : index
        %get3A_574 = tpu.vector_load %arg19[%get3A_572, %get3A_573] {strides = array<i32>} : memref<40x128xf32, #tpu.memory_space<vmem>>, vector<1x16xf32>,
        %get3A_575 = vector.shape_cast %get3A_574 : vector<1x16xf32> to vector<16xf32>
        %get3A_576 = arith.index_cast %scan3A_455 : i32 to index
        %get3A_577 = arith.constant 112 : index
        %get3A_578 = tpu.vector_load %arg23[%get3A_576, %get3A_577] {strides = array<i32>} : memref<40x128xf32, #tpu.memory_space<vmem>>, vector<1x16xf32>,
        %get3A_579 = vector.shape_cast %get3A_578 : vector<1x16xf32> to vector<16xf32>
        %add3A_580 = arith.addf %get3A_575, %get3A_579 : vector<16xf32>
        %max3A_581 = arith.constant 0.000000e+00 : f32
        %max3A_582 = vector.broadcast %max3A_581 : f32 to vector<16xf32>
        %max3A_583 = arith.maximumf %add3A_580, %max3A_582 : vector<16xf32>
        %swap3A_584 = arith.index_cast %scan3A_455 : i32 to index
        %swap3A_585 = arith.constant 112 : index
        %swap3A_586 = tpu.vector_load %arg19[%swap3A_584, %swap3A_585] {strides = array<i32>} : memref<40x128xf32, #tpu.memory_space<vmem>>, vector<1x16xf32>,
        %swap3A_587 = vector.shape_cast %swap3A_586 : vector<1x16xf32> to vector<16xf32>
        %swap3A_588 = vector.shape_cast %max3A_583 : vector<16xf32> to vector<1x16xf32>
        tpu.vector_store %arg19[%swap3A_584, %swap3A_585], %swap3A_588 {strides = array<i32>} : memref<40x128xf32, #tpu.memory_space<vmem>>, vector<1x16xf32>,
      }
      %scan3A_400 = arith.constant 40 : i32
      %dma_start3A_401 = arith.constant 0 : i32
      %dma_start3A_402 = arith.constant 0 : i32
      %dma_start3A_403 = tpu.memref_slice %arg8[%dma_start3A_401, %dma_start3A_402] : memref<10112x128xf32, #tpu.memory_space<vmem_shared>> -> memref<10112x128xf32, #tpu.memory_space<vmem_shared>>
      tpu.enqueue_indirect_dma source(%arg19 : memref<40x128xf32, #tpu.memory_space<vmem>>) target(%dma_start3A_403 : memref<10112x128xf32, #tpu.memory_space<vmem_shared>>) offsets(%arg15 : memref<40xi32, #tpu.memory_space<vmem>>) semaphore(%arg35 : memref<!tpu.dma_semaphore, #tpu.memory_space<semaphore_mem>>) {add = true}
      %dma_wait3A_404 = arith.constant 0 : i32
      %dma_wait3A_405 = arith.constant 0 : i32
      %dma_wait3A_406 = tpu.memref_slice %arg8[%dma_wait3A_404, %dma_wait3A_405] : memref<10112x128xf32, #tpu.memory_space<vmem_shared>> -> memref<10112x128xf32, #tpu.memory_space<vmem_shared>>
      tpu.wait_indirect_dma semaphore(%arg34 : memref<!tpu.dma_semaphore, #tpu.memory_space<semaphore_mem>>) src(%arg18 : memref<40x128xf32, #tpu.memory_space<vmem>>) dst(%dma_wait3A_406 : memref<10112x128xf32, #tpu.memory_space<vmem_shared>>)
      %le3A_407 = arith.constant 246 : i32
      %le3A_408 = arith.cmpi sle, %add3A_374, %le3A_407 : i32
      %add3A_409 = arith.constant 3 : i32
      %add3A_410 = arith.addi %add3A_374, %add3A_409 : i32
      %convert_element_type3A_411 = arith.extui %le3A_408 : i1 to i32
      %cond3A_412 = arith.constant 0 : i32
      %cond3A_413 = arith.cmpi ne, %convert_element_type3A_411, %cond3A_412 : i32
      scf.if %cond3A_413 {
        %mul3A_455 = arith.constant 40 : i32
        %mul3A_456 = arith.muli %add3A_410, %mul3A_455 : i32
        %add3A_457 = arith.addi %mul3A_2, %mul3A_456 : i32
        %mul3A_458 = arith.constant 160000 : i32
        %mul3A_459 = arith.muli %arg0, %mul3A_458 : i32
        %add3A_460 = arith.addi %mul3A_459, %add3A_457 : i32
        %dma_start3A_461 = tpu.memref_slice %arg3[%add3A_460] : memref<320000xi32, #tpu.memory_space<hbm>> -> memref<40xi32, #tpu.memory_space<hbm>>
        %dma_start3A_462 = tpu.memref_slice %arg3[%add3A_460] : memref<320000xi32, #tpu.memory_space<hbm>> -> memref<40xi32, #tpu.memory_space<hbm>>
        tpu.enqueue_dma source(%dma_start3A_462 : memref<40xi32, #tpu.memory_space<hbm>>) target(%arg10 : memref<40xi32, #tpu.memory_space<vmem>>) target_semaphore(%arg26 : memref<!tpu.dma_semaphore, #tpu.memory_space<semaphore_mem>>)
        %dma_start3A_463 = tpu.memref_slice %arg4[%add3A_457] : memref<160000xi32, #tpu.memory_space<hbm>> -> memref<40xi32, #tpu.memory_space<hbm>>
        %dma_start3A_464 = tpu.memref_slice %arg4[%add3A_457] : memref<160000xi32, #tpu.memory_space<hbm>> -> memref<40xi32, #tpu.memory_space<hbm>>
        tpu.enqueue_dma source(%dma_start3A_464 : memref<40xi32, #tpu.memory_space<hbm>>) target(%arg14 : memref<40xi32, #tpu.memory_space<vmem>>) target_semaphore(%arg26 : memref<!tpu.dma_semaphore, #tpu.memory_space<semaphore_mem>>)
        %mul3A_465 = arith.constant 128 : i32
        %mul3A_466 = arith.muli %arg0, %mul3A_465 : i32
        %dma_start3A_467 = tpu.memref_slice %arg5[%add3A_457, %mul3A_466] : memref<160000x256xf32, #tpu.memory_space<hbm>> -> memref<40x128xf32, #tpu.memory_space<hbm>>
        %dma_start3A_468 = tpu.memref_slice %arg5[%add3A_457, %mul3A_466] : memref<160000x256xf32, #tpu.memory_space<hbm>> -> memref<40x128xf32, #tpu.memory_space<hbm>>
        tpu.enqueue_dma source(%dma_start3A_468 : memref<40x128xf32, #tpu.memory_space<hbm>>) target(%arg22 : memref<40x128xf32, #tpu.memory_space<vmem>>) target_semaphore(%arg30 : memref<!tpu.dma_semaphore, #tpu.memory_space<semaphore_mem>>)
      } else {
      }
      %add3A_414 = arith.constant 3 : i32
      %add3A_415 = arith.addi %add3A_293, %add3A_414 : i32
      %dma_wait3A_416 = arith.constant 0 : i32
      %dma_wait3A_417 = tpu.memref_slice %arg3[%dma_wait3A_416] : memref<320000xi32, #tpu.memory_space<hbm>> -> memref<40xi32, #tpu.memory_space<hbm>>
      %dma_wait3A_418 = arith.constant 0 : i32
      %dma_wait3A_419 = tpu.memref_slice %arg3[%dma_wait3A_418] : memref<320000xi32, #tpu.memory_space<hbm>> -> memref<40xi32, #tpu.memory_space<hbm>>
      tpu.wait_dma2 semaphore(%arg25 : memref<!tpu.dma_semaphore, #tpu.memory_space<semaphore_mem>>) src(%dma_wait3A_419 : memref<40xi32, #tpu.memory_space<hbm>>) dst(%arg9 : memref<40xi32, #tpu.memory_space<vmem>>)
      %dma_wait3A_420 = arith.constant 0 : i32
      %dma_wait3A_421 = tpu.memref_slice %arg4[%dma_wait3A_420] : memref<160000xi32, #tpu.memory_space<hbm>> -> memref<40xi32, #tpu.memory_space<hbm>>
      %dma_wait3A_422 = arith.constant 0 : i32
      %dma_wait3A_423 = tpu.memref_slice %arg4[%dma_wait3A_422] : memref<160000xi32, #tpu.memory_space<hbm>> -> memref<40xi32, #tpu.memory_space<hbm>>
      tpu.wait_dma2 semaphore(%arg25 : memref<!tpu.dma_semaphore, #tpu.memory_space<semaphore_mem>>) src(%dma_wait3A_423 : memref<40xi32, #tpu.memory_space<hbm>>) dst(%arg13 : memref<40xi32, #tpu.memory_space<vmem>>)
      %dma_start3A_424 = arith.constant 0 : i32
      %dma_start3A_425 = arith.constant 0 : i32
      %dma_start3A_426 = tpu.memref_slice %arg2[%dma_start3A_424, %dma_start3A_425] : memref<20000x128xf32, #tpu.memory_space<hbm>> -> memref<20000x128xf32, #tpu.memory_space<hbm>>
      tpu.enqueue_indirect_dma source(%dma_start3A_426 : memref<20000x128xf32, #tpu.memory_space<hbm>>) target(%arg17 : memref<40x128xf32, #tpu.memory_space<vmem>>) offsets(%arg9 : memref<40xi32, #tpu.memory_space<vmem>>) semaphore(%arg29 : memref<!tpu.dma_semaphore, #tpu.memory_space<semaphore_mem>>)
      %dma_wait3A_427 = arith.constant 0 : i32
      %dma_wait3A_428 = arith.constant 0 : i32
      %dma_wait3A_429 = tpu.memref_slice %arg5[%dma_wait3A_427, %dma_wait3A_428] : memref<160000x256xf32, #tpu.memory_space<hbm>> -> memref<40x128xf32, #tpu.memory_space<hbm>>
      %dma_wait3A_430 = arith.constant 0 : i32
      %dma_wait3A_431 = arith.constant 0 : i32
      %dma_wait3A_432 = tpu.memref_slice %arg5[%dma_wait3A_430, %dma_wait3A_431] : memref<160000x256xf32, #tpu.memory_space<hbm>> -> memref<40x128xf32, #tpu.memory_space<hbm>>
      tpu.wait_dma2 semaphore(%arg32 : memref<!tpu.dma_semaphore, #tpu.memory_space<semaphore_mem>>) src(%dma_wait3A_432 : memref<40x128xf32, #tpu.memory_space<hbm>>) dst(%arg24 : memref<40x128xf32, #tpu.memory_space<vmem>>)
      %dma_wait3A_433 = arith.constant 0 : i32
      %dma_wait3A_434 = arith.constant 0 : i32
      %dma_wait3A_435 = tpu.memref_slice %arg2[%dma_wait3A_433, %dma_wait3A_434] : memref<20000x128xf32, #tpu.memory_space<hbm>> -> memref<20000x128xf32, #tpu.memory_space<hbm>>
      tpu.wait_indirect_dma semaphore(%arg32 : memref<!tpu.dma_semaphore, #tpu.memory_space<semaphore_mem>>) src(%dma_wait3A_435 : memref<20000x128xf32, #tpu.memory_space<hbm>>) dst(%arg20 : memref<40x128xf32, #tpu.memory_space<vmem>>)
      %scan3A_436 = arith.constant 0 : i32
      %scan3A_437 = arith.constant 0 : i32
      %scan3A_438 = arith.constant 40 : i32
      %scan3A_439 = arith.addi %scan3A_437, %scan3A_438 : i32
      %scan3A_440 = arith.constant 1 : i32
      scf.for %scan3A_455 = %scan3A_437 to %scan3A_439 step %scan3A_440  : i32 {
        %get3A = arith.index_cast %scan3A_455 : i32 to index
        %get3A_456 = arith.constant 0 : index
        %get3A_457 = tpu.vector_load %arg20[%get3A, %get3A_456] {strides = array<i32>} : memref<40x128xf32, #tpu.memory_space<vmem>>, vector<1x16xf32>,
        %get3A_458 = vector.shape_cast %get3A_457 : vector<1x16xf32> to vector<16xf32>
        %get3A_459 = arith.index_cast %scan3A_455 : i32 to index
        %get3A_460 = arith.constant 0 : index
        %get3A_461 = tpu.vector_load %arg24[%get3A_459, %get3A_460] {strides = array<i32>} : memref<40x128xf32, #tpu.memory_space<vmem>>, vector<1x16xf32>,
        %get3A_462 = vector.shape_cast %get3A_461 : vector<1x16xf32> to vector<16xf32>
        %add3A_463 = arith.addf %get3A_458, %get3A_462 : vector<16xf32>
        %max3A = arith.constant 0.000000e+00 : f32
        %max3A_464 = vector.broadcast %max3A : f32 to vector<16xf32>
        %max3A_465 = arith.maximumf %add3A_463, %max3A_464 : vector<16xf32>
        %swap3A = arith.index_cast %scan3A_455 : i32 to index
        %swap3A_466 = arith.constant 0 : index
        %swap3A_467 = tpu.vector_load %arg20[%swap3A, %swap3A_466] {strides = array<i32>} : memref<40x128xf32, #tpu.memory_space<vmem>>, vector<1x16xf32>,
        %swap3A_468 = vector.shape_cast %swap3A_467 : vector<1x16xf32> to vector<16xf32>
        %swap3A_469 = vector.shape_cast %max3A_465 : vector<16xf32> to vector<1x16xf32>
        tpu.vector_store %arg20[%swap3A, %swap3A_466], %swap3A_469 {strides = array<i32>} : memref<40x128xf32, #tpu.memory_space<vmem>>, vector<1x16xf32>,
        %get3A_470 = arith.index_cast %scan3A_455 : i32 to index
        %get3A_471 = arith.constant 16 : index
        %get3A_472 = tpu.vector_load %arg20[%get3A_470, %get3A_471] {strides = array<i32>} : memref<40x128xf32, #tpu.memory_space<vmem>>, vector<1x16xf32>,
        %get3A_473 = vector.shape_cast %get3A_472 : vector<1x16xf32> to vector<16xf32>
        %get3A_474 = arith.index_cast %scan3A_455 : i32 to index
        %get3A_475 = arith.constant 16 : index
        %get3A_476 = tpu.vector_load %arg24[%get3A_474, %get3A_475] {strides = array<i32>} : memref<40x128xf32, #tpu.memory_space<vmem>>, vector<1x16xf32>,
        %get3A_477 = vector.shape_cast %get3A_476 : vector<1x16xf32> to vector<16xf32>
        %add3A_478 = arith.addf %get3A_473, %get3A_477 : vector<16xf32>
        %max3A_479 = arith.constant 0.000000e+00 : f32
        %max3A_480 = vector.broadcast %max3A_479 : f32 to vector<16xf32>
        %max3A_481 = arith.maximumf %add3A_478, %max3A_480 : vector<16xf32>
        %swap3A_482 = arith.index_cast %scan3A_455 : i32 to index
        %swap3A_483 = arith.constant 16 : index
        %swap3A_484 = tpu.vector_load %arg20[%swap3A_482, %swap3A_483] {strides = array<i32>} : memref<40x128xf32, #tpu.memory_space<vmem>>, vector<1x16xf32>,
        %swap3A_485 = vector.shape_cast %swap3A_484 : vector<1x16xf32> to vector<16xf32>
        %swap3A_486 = vector.shape_cast %max3A_481 : vector<16xf32> to vector<1x16xf32>
        tpu.vector_store %arg20[%swap3A_482, %swap3A_483], %swap3A_486 {strides = array<i32>} : memref<40x128xf32, #tpu.memory_space<vmem>>, vector<1x16xf32>,
        %get3A_487 = arith.index_cast %scan3A_455 : i32 to index
        %get3A_488 = arith.constant 32 : index
        %get3A_489 = tpu.vector_load %arg20[%get3A_487, %get3A_488] {strides = array<i32>} : memref<40x128xf32, #tpu.memory_space<vmem>>, vector<1x16xf32>,
        %get3A_490 = vector.shape_cast %get3A_489 : vector<1x16xf32> to vector<16xf32>
        %get3A_491 = arith.index_cast %scan3A_455 : i32 to index
        %get3A_492 = arith.constant 32 : index
        %get3A_493 = tpu.vector_load %arg24[%get3A_491, %get3A_492] {strides = array<i32>} : memref<40x128xf32, #tpu.memory_space<vmem>>, vector<1x16xf32>,
        %get3A_494 = vector.shape_cast %get3A_493 : vector<1x16xf32> to vector<16xf32>
        %add3A_495 = arith.addf %get3A_490, %get3A_494 : vector<16xf32>
        %max3A_496 = arith.constant 0.000000e+00 : f32
        %max3A_497 = vector.broadcast %max3A_496 : f32 to vector<16xf32>
        %max3A_498 = arith.maximumf %add3A_495, %max3A_497 : vector<16xf32>
        %swap3A_499 = arith.index_cast %scan3A_455 : i32 to index
        %swap3A_500 = arith.constant 32 : index
        %swap3A_501 = tpu.vector_load %arg20[%swap3A_499, %swap3A_500] {strides = array<i32>} : memref<40x128xf32, #tpu.memory_space<vmem>>, vector<1x16xf32>,
        %swap3A_502 = vector.shape_cast %swap3A_501 : vector<1x16xf32> to vector<16xf32>
        %swap3A_503 = vector.shape_cast %max3A_498 : vector<16xf32> to vector<1x16xf32>
        tpu.vector_store %arg20[%swap3A_499, %swap3A_500], %swap3A_503 {strides = array<i32>} : memref<40x128xf32, #tpu.memory_space<vmem>>, vector<1x16xf32>,
        %get3A_504 = arith.index_cast %scan3A_455 : i32 to index
        %get3A_505 = arith.constant 48 : index
        %get3A_506 = tpu.vector_load %arg20[%get3A_504, %get3A_505] {strides = array<i32>} : memref<40x128xf32, #tpu.memory_space<vmem>>, vector<1x16xf32>,
        %get3A_507 = vector.shape_cast %get3A_506 : vector<1x16xf32> to vector<16xf32>
        %get3A_508 = arith.index_cast %scan3A_455 : i32 to index
        %get3A_509 = arith.constant 48 : index
        %get3A_510 = tpu.vector_load %arg24[%get3A_508, %get3A_509] {strides = array<i32>} : memref<40x128xf32, #tpu.memory_space<vmem>>, vector<1x16xf32>,
        %get3A_511 = vector.shape_cast %get3A_510 : vector<1x16xf32> to vector<16xf32>
        %add3A_512 = arith.addf %get3A_507, %get3A_511 : vector<16xf32>
        %max3A_513 = arith.constant 0.000000e+00 : f32
        %max3A_514 = vector.broadcast %max3A_513 : f32 to vector<16xf32>
        %max3A_515 = arith.maximumf %add3A_512, %max3A_514 : vector<16xf32>
        %swap3A_516 = arith.index_cast %scan3A_455 : i32 to index
        %swap3A_517 = arith.constant 48 : index
        %swap3A_518 = tpu.vector_load %arg20[%swap3A_516, %swap3A_517] {strides = array<i32>} : memref<40x128xf32, #tpu.memory_space<vmem>>, vector<1x16xf32>,
        %swap3A_519 = vector.shape_cast %swap3A_518 : vector<1x16xf32> to vector<16xf32>
        %swap3A_520 = vector.shape_cast %max3A_515 : vector<16xf32> to vector<1x16xf32>
        tpu.vector_store %arg20[%swap3A_516, %swap3A_517], %swap3A_520 {strides = array<i32>} : memref<40x128xf32, #tpu.memory_space<vmem>>, vector<1x16xf32>,
        %get3A_521 = arith.index_cast %scan3A_455 : i32 to index
        %get3A_522 = arith.constant 64 : index
        %get3A_523 = tpu.vector_load %arg20[%get3A_521, %get3A_522] {strides = array<i32>} : memref<40x128xf32, #tpu.memory_space<vmem>>, vector<1x16xf32>,
        %get3A_524 = vector.shape_cast %get3A_523 : vector<1x16xf32> to vector<16xf32>
        %get3A_525 = arith.index_cast %scan3A_455 : i32 to index
        %get3A_526 = arith.constant 64 : index
        %get3A_527 = tpu.vector_load %arg24[%get3A_525, %get3A_526] {strides = array<i32>} : memref<40x128xf32, #tpu.memory_space<vmem>>, vector<1x16xf32>,
        %get3A_528 = vector.shape_cast %get3A_527 : vector<1x16xf32> to vector<16xf32>
        %add3A_529 = arith.addf %get3A_524, %get3A_528 : vector<16xf32>
        %max3A_530 = arith.constant 0.000000e+00 : f32
        %max3A_531 = vector.broadcast %max3A_530 : f32 to vector<16xf32>
        %max3A_532 = arith.maximumf %add3A_529, %max3A_531 : vector<16xf32>
        %swap3A_533 = arith.index_cast %scan3A_455 : i32 to index
        %swap3A_534 = arith.constant 64 : index
        %swap3A_535 = tpu.vector_load %arg20[%swap3A_533, %swap3A_534] {strides = array<i32>} : memref<40x128xf32, #tpu.memory_space<vmem>>, vector<1x16xf32>,
        %swap3A_536 = vector.shape_cast %swap3A_535 : vector<1x16xf32> to vector<16xf32>
        %swap3A_537 = vector.shape_cast %max3A_532 : vector<16xf32> to vector<1x16xf32>
        tpu.vector_store %arg20[%swap3A_533, %swap3A_534], %swap3A_537 {strides = array<i32>} : memref<40x128xf32, #tpu.memory_space<vmem>>, vector<1x16xf32>,
        %get3A_538 = arith.index_cast %scan3A_455 : i32 to index
        %get3A_539 = arith.constant 80 : index
        %get3A_540 = tpu.vector_load %arg20[%get3A_538, %get3A_539] {strides = array<i32>} : memref<40x128xf32, #tpu.memory_space<vmem>>, vector<1x16xf32>,
        %get3A_541 = vector.shape_cast %get3A_540 : vector<1x16xf32> to vector<16xf32>
        %get3A_542 = arith.index_cast %scan3A_455 : i32 to index
        %get3A_543 = arith.constant 80 : index
        %get3A_544 = tpu.vector_load %arg24[%get3A_542, %get3A_543] {strides = array<i32>} : memref<40x128xf32, #tpu.memory_space<vmem>>, vector<1x16xf32>,
        %get3A_545 = vector.shape_cast %get3A_544 : vector<1x16xf32> to vector<16xf32>
        %add3A_546 = arith.addf %get3A_541, %get3A_545 : vector<16xf32>
        %max3A_547 = arith.constant 0.000000e+00 : f32
        %max3A_548 = vector.broadcast %max3A_547 : f32 to vector<16xf32>
        %max3A_549 = arith.maximumf %add3A_546, %max3A_548 : vector<16xf32>
        %swap3A_550 = arith.index_cast %scan3A_455 : i32 to index
        %swap3A_551 = arith.constant 80 : index
        %swap3A_552 = tpu.vector_load %arg20[%swap3A_550, %swap3A_551] {strides = array<i32>} : memref<40x128xf32, #tpu.memory_space<vmem>>, vector<1x16xf32>,
        %swap3A_553 = vector.shape_cast %swap3A_552 : vector<1x16xf32> to vector<16xf32>
        %swap3A_554 = vector.shape_cast %max3A_549 : vector<16xf32> to vector<1x16xf32>
        tpu.vector_store %arg20[%swap3A_550, %swap3A_551], %swap3A_554 {strides = array<i32>} : memref<40x128xf32, #tpu.memory_space<vmem>>, vector<1x16xf32>,
        %get3A_555 = arith.index_cast %scan3A_455 : i32 to index
        %get3A_556 = arith.constant 96 : index
        %get3A_557 = tpu.vector_load %arg20[%get3A_555, %get3A_556] {strides = array<i32>} : memref<40x128xf32, #tpu.memory_space<vmem>>, vector<1x16xf32>,
        %get3A_558 = vector.shape_cast %get3A_557 : vector<1x16xf32> to vector<16xf32>
        %get3A_559 = arith.index_cast %scan3A_455 : i32 to index
        %get3A_560 = arith.constant 96 : index
        %get3A_561 = tpu.vector_load %arg24[%get3A_559, %get3A_560] {strides = array<i32>} : memref<40x128xf32, #tpu.memory_space<vmem>>, vector<1x16xf32>,
        %get3A_562 = vector.shape_cast %get3A_561 : vector<1x16xf32> to vector<16xf32>
        %add3A_563 = arith.addf %get3A_558, %get3A_562 : vector<16xf32>
        %max3A_564 = arith.constant 0.000000e+00 : f32
        %max3A_565 = vector.broadcast %max3A_564 : f32 to vector<16xf32>
        %max3A_566 = arith.maximumf %add3A_563, %max3A_565 : vector<16xf32>
        %swap3A_567 = arith.index_cast %scan3A_455 : i32 to index
        %swap3A_568 = arith.constant 96 : index
        %swap3A_569 = tpu.vector_load %arg20[%swap3A_567, %swap3A_568] {strides = array<i32>} : memref<40x128xf32, #tpu.memory_space<vmem>>, vector<1x16xf32>,
        %swap3A_570 = vector.shape_cast %swap3A_569 : vector<1x16xf32> to vector<16xf32>
        %swap3A_571 = vector.shape_cast %max3A_566 : vector<16xf32> to vector<1x16xf32>
        tpu.vector_store %arg20[%swap3A_567, %swap3A_568], %swap3A_571 {strides = array<i32>} : memref<40x128xf32, #tpu.memory_space<vmem>>, vector<1x16xf32>,
        %get3A_572 = arith.index_cast %scan3A_455 : i32 to index
        %get3A_573 = arith.constant 112 : index
        %get3A_574 = tpu.vector_load %arg20[%get3A_572, %get3A_573] {strides = array<i32>} : memref<40x128xf32, #tpu.memory_space<vmem>>, vector<1x16xf32>,
        %get3A_575 = vector.shape_cast %get3A_574 : vector<1x16xf32> to vector<16xf32>
        %get3A_576 = arith.index_cast %scan3A_455 : i32 to index
        %get3A_577 = arith.constant 112 : index
        %get3A_578 = tpu.vector_load %arg24[%get3A_576, %get3A_577] {strides = array<i32>} : memref<40x128xf32, #tpu.memory_space<vmem>>, vector<1x16xf32>,
        %get3A_579 = vector.shape_cast %get3A_578 : vector<1x16xf32> to vector<16xf32>
        %add3A_580 = arith.addf %get3A_575, %get3A_579 : vector<16xf32>
        %max3A_581 = arith.constant 0.000000e+00 : f32
        %max3A_582 = vector.broadcast %max3A_581 : f32 to vector<16xf32>
        %max3A_583 = arith.maximumf %add3A_580, %max3A_582 : vector<16xf32>
        %swap3A_584 = arith.index_cast %scan3A_455 : i32 to index
        %swap3A_585 = arith.constant 112 : index
        %swap3A_586 = tpu.vector_load %arg20[%swap3A_584, %swap3A_585] {strides = array<i32>} : memref<40x128xf32, #tpu.memory_space<vmem>>, vector<1x16xf32>,
        %swap3A_587 = vector.shape_cast %swap3A_586 : vector<1x16xf32> to vector<16xf32>
        %swap3A_588 = vector.shape_cast %max3A_583 : vector<16xf32> to vector<1x16xf32>
        tpu.vector_store %arg20[%swap3A_584, %swap3A_585], %swap3A_588 {strides = array<i32>} : memref<40x128xf32, #tpu.memory_space<vmem>>, vector<1x16xf32>,
      }
      %scan3A_441 = arith.constant 40 : i32
      %dma_start3A_442 = arith.constant 0 : i32
      %dma_start3A_443 = arith.constant 0 : i32
      %dma_start3A_444 = tpu.memref_slice %arg8[%dma_start3A_442, %dma_start3A_443] : memref<10112x128xf32, #tpu.memory_space<vmem_shared>> -> memref<10112x128xf32, #tpu.memory_space<vmem_shared>>
      tpu.enqueue_indirect_dma source(%arg20 : memref<40x128xf32, #tpu.memory_space<vmem>>) target(%dma_start3A_444 : memref<10112x128xf32, #tpu.memory_space<vmem_shared>>) offsets(%arg16 : memref<40xi32, #tpu.memory_space<vmem>>) semaphore(%arg36 : memref<!tpu.dma_semaphore, #tpu.memory_space<semaphore_mem>>) {add = true}
      %dma_wait3A_445 = arith.constant 0 : i32
      %dma_wait3A_446 = arith.constant 0 : i32
      %dma_wait3A_447 = tpu.memref_slice %arg8[%dma_wait3A_445, %dma_wait3A_446] : memref<10112x128xf32, #tpu.memory_space<vmem_shared>> -> memref<10112x128xf32, #tpu.memory_space<vmem_shared>>
      tpu.wait_indirect_dma semaphore(%arg35 : memref<!tpu.dma_semaphore, #tpu.memory_space<semaphore_mem>>) src(%arg19 : memref<40x128xf32, #tpu.memory_space<vmem>>) dst(%dma_wait3A_447 : memref<10112x128xf32, #tpu.memory_space<vmem_shared>>)
      %le3A_448 = arith.constant 246 : i32
      %le3A_449 = arith.cmpi sle, %add3A_415, %le3A_448 : i32
      %add3A_450 = arith.constant 3 : i32
      %add3A_451 = arith.addi %add3A_415, %add3A_450 : i32
      %convert_element_type3A_452 = arith.extui %le3A_449 : i1 to i32
      %cond3A_453 = arith.constant 0 : i32
      %cond3A_454 = arith.cmpi ne, %convert_element_type3A_452, %cond3A_453 : i32
      scf.if %cond3A_454 {
        %mul3A_455 = arith.constant 40 : i32
        %mul3A_456 = arith.muli %add3A_451, %mul3A_455 : i32
        %add3A_457 = arith.addi %mul3A_2, %mul3A_456 : i32
        %mul3A_458 = arith.constant 160000 : i32
        %mul3A_459 = arith.muli %arg0, %mul3A_458 : i32
        %add3A_460 = arith.addi %mul3A_459, %add3A_457 : i32
        %dma_start3A_461 = tpu.memref_slice %arg3[%add3A_460] : memref<320000xi32, #tpu.memory_space<hbm>> -> memref<40xi32, #tpu.memory_space<hbm>>
        %dma_start3A_462 = tpu.memref_slice %arg3[%add3A_460] : memref<320000xi32, #tpu.memory_space<hbm>> -> memref<40xi32, #tpu.memory_space<hbm>>
        tpu.enqueue_dma source(%dma_start3A_462 : memref<40xi32, #tpu.memory_space<hbm>>) target(%arg11 : memref<40xi32, #tpu.memory_space<vmem>>) target_semaphore(%arg27 : memref<!tpu.dma_semaphore, #tpu.memory_space<semaphore_mem>>)
        %dma_start3A_463 = tpu.memref_slice %arg4[%add3A_457] : memref<160000xi32, #tpu.memory_space<hbm>> -> memref<40xi32, #tpu.memory_space<hbm>>
        %dma_start3A_464 = tpu.memref_slice %arg4[%add3A_457] : memref<160000xi32, #tpu.memory_space<hbm>> -> memref<40xi32, #tpu.memory_space<hbm>>
        tpu.enqueue_dma source(%dma_start3A_464 : memref<40xi32, #tpu.memory_space<hbm>>) target(%arg15 : memref<40xi32, #tpu.memory_space<vmem>>) target_semaphore(%arg27 : memref<!tpu.dma_semaphore, #tpu.memory_space<semaphore_mem>>)
        %mul3A_465 = arith.constant 128 : i32
        %mul3A_466 = arith.muli %arg0, %mul3A_465 : i32
        %dma_start3A_467 = tpu.memref_slice %arg5[%add3A_457, %mul3A_466] : memref<160000x256xf32, #tpu.memory_space<hbm>> -> memref<40x128xf32, #tpu.memory_space<hbm>>
        %dma_start3A_468 = tpu.memref_slice %arg5[%add3A_457, %mul3A_466] : memref<160000x256xf32, #tpu.memory_space<hbm>> -> memref<40x128xf32, #tpu.memory_space<hbm>>
        tpu.enqueue_dma source(%dma_start3A_468 : memref<40x128xf32, #tpu.memory_space<hbm>>) target(%arg23 : memref<40x128xf32, #tpu.memory_space<vmem>>) target_semaphore(%arg31 : memref<!tpu.dma_semaphore, #tpu.memory_space<semaphore_mem>>)
      } else {
      }
    }
    %scan3A_231 = arith.constant 61 : i32
    %dma_wait3A_232 = arith.constant 0 : i32
    %dma_wait3A_233 = tpu.memref_slice %arg3[%dma_wait3A_232] : memref<320000xi32, #tpu.memory_space<hbm>> -> memref<40xi32, #tpu.memory_space<hbm>>
    %dma_wait3A_234 = arith.constant 0 : i32
    %dma_wait3A_235 = tpu.memref_slice %arg3[%dma_wait3A_234] : memref<320000xi32, #tpu.memory_space<hbm>> -> memref<40xi32, #tpu.memory_space<hbm>>
    tpu.wait_dma2 semaphore(%arg26 : memref<!tpu.dma_semaphore, #tpu.memory_space<semaphore_mem>>) src(%dma_wait3A_235 : memref<40xi32, #tpu.memory_space<hbm>>) dst(%arg10 : memref<40xi32, #tpu.memory_space<vmem>>)
    %dma_wait3A_236 = arith.constant 0 : i32
    %dma_wait3A_237 = tpu.memref_slice %arg4[%dma_wait3A_236] : memref<160000xi32, #tpu.memory_space<hbm>> -> memref<40xi32, #tpu.memory_space<hbm>>
    %dma_wait3A_238 = arith.constant 0 : i32
    %dma_wait3A_239 = tpu.memref_slice %arg4[%dma_wait3A_238] : memref<160000xi32, #tpu.memory_space<hbm>> -> memref<40xi32, #tpu.memory_space<hbm>>
    tpu.wait_dma2 semaphore(%arg26 : memref<!tpu.dma_semaphore, #tpu.memory_space<semaphore_mem>>) src(%dma_wait3A_239 : memref<40xi32, #tpu.memory_space<hbm>>) dst(%arg14 : memref<40xi32, #tpu.memory_space<vmem>>)
    %dma_start3A_240 = arith.constant 0 : i32
    %dma_start3A_241 = arith.constant 0 : i32
    %dma_start3A_242 = tpu.memref_slice %arg2[%dma_start3A_240, %dma_start3A_241] : memref<20000x128xf32, #tpu.memory_space<hbm>> -> memref<20000x128xf32, #tpu.memory_space<hbm>>
    tpu.enqueue_indirect_dma source(%dma_start3A_242 : memref<20000x128xf32, #tpu.memory_space<hbm>>) target(%arg18 : memref<40x128xf32, #tpu.memory_space<vmem>>) offsets(%arg10 : memref<40xi32, #tpu.memory_space<vmem>>) semaphore(%arg30 : memref<!tpu.dma_semaphore, #tpu.memory_space<semaphore_mem>>)
    %dma_wait3A_243 = arith.constant 0 : i32
    %dma_wait3A_244 = arith.constant 0 : i32
    %dma_wait3A_245 = tpu.memref_slice %arg5[%dma_wait3A_243, %dma_wait3A_244] : memref<160000x256xf32, #tpu.memory_space<hbm>> -> memref<40x128xf32, #tpu.memory_space<hbm>>
    %dma_wait3A_246 = arith.constant 0 : i32
    %dma_wait3A_247 = arith.constant 0 : i32
    %dma_wait3A_248 = tpu.memref_slice %arg5[%dma_wait3A_246, %dma_wait3A_247] : memref<160000x256xf32, #tpu.memory_space<hbm>> -> memref<40x128xf32, #tpu.memory_space<hbm>>
    tpu.wait_dma2 semaphore(%arg29 : memref<!tpu.dma_semaphore, #tpu.memory_space<semaphore_mem>>) src(%dma_wait3A_248 : memref<40x128xf32, #tpu.memory_space<hbm>>) dst(%arg21 : memref<40x128xf32, #tpu.memory_space<vmem>>)
    %dma_wait3A_249 = arith.constant 0 : i32
    %dma_wait3A_250 = arith.constant 0 : i32
    %dma_wait3A_251 = tpu.memref_slice %arg2[%dma_wait3A_249, %dma_wait3A_250] : memref<20000x128xf32, #tpu.memory_space<hbm>> -> memref<20000x128xf32, #tpu.memory_space<hbm>>
    tpu.wait_indirect_dma semaphore(%arg29 : memref<!tpu.dma_semaphore, #tpu.memory_space<semaphore_mem>>) src(%dma_wait3A_251 : memref<20000x128xf32, #tpu.memory_space<hbm>>) dst(%arg17 : memref<40x128xf32, #tpu.memory_space<vmem>>)
    %scan3A_252 = arith.constant 0 : i32
    %scan3A_253 = arith.constant 0 : i32
    %scan3A_254 = arith.constant 40 : i32
    %scan3A_255 = arith.addi %scan3A_253, %scan3A_254 : i32
    %scan3A_256 = arith.constant 1 : i32
    scf.for %scan3A_289 = %scan3A_253 to %scan3A_255 step %scan3A_256  : i32 {
      %get3A = arith.index_cast %scan3A_289 : i32 to index
      %get3A_290 = arith.constant 0 : index
      %get3A_291 = tpu.vector_load %arg17[%get3A, %get3A_290] {strides = array<i32>} : memref<40x128xf32, #tpu.memory_space<vmem>>, vector<1x16xf32>,
      %get3A_292 = vector.shape_cast %get3A_291 : vector<1x16xf32> to vector<16xf32>
      %get3A_293 = arith.index_cast %scan3A_289 : i32 to index
      %get3A_294 = arith.constant 0 : index
      %get3A_295 = tpu.vector_load %arg21[%get3A_293, %get3A_294] {strides = array<i32>} : memref<40x128xf32, #tpu.memory_space<vmem>>, vector<1x16xf32>,
      %get3A_296 = vector.shape_cast %get3A_295 : vector<1x16xf32> to vector<16xf32>
      %add3A_297 = arith.addf %get3A_292, %get3A_296 : vector<16xf32>
      %max3A = arith.constant 0.000000e+00 : f32
      %max3A_298 = vector.broadcast %max3A : f32 to vector<16xf32>
      %max3A_299 = arith.maximumf %add3A_297, %max3A_298 : vector<16xf32>
      %swap3A = arith.index_cast %scan3A_289 : i32 to index
      %swap3A_300 = arith.constant 0 : index
      %swap3A_301 = tpu.vector_load %arg17[%swap3A, %swap3A_300] {strides = array<i32>} : memref<40x128xf32, #tpu.memory_space<vmem>>, vector<1x16xf32>,
      %swap3A_302 = vector.shape_cast %swap3A_301 : vector<1x16xf32> to vector<16xf32>
      %swap3A_303 = vector.shape_cast %max3A_299 : vector<16xf32> to vector<1x16xf32>
      tpu.vector_store %arg17[%swap3A, %swap3A_300], %swap3A_303 {strides = array<i32>} : memref<40x128xf32, #tpu.memory_space<vmem>>, vector<1x16xf32>,
      %get3A_304 = arith.index_cast %scan3A_289 : i32 to index
      %get3A_305 = arith.constant 16 : index
      %get3A_306 = tpu.vector_load %arg17[%get3A_304, %get3A_305] {strides = array<i32>} : memref<40x128xf32, #tpu.memory_space<vmem>>, vector<1x16xf32>,
      %get3A_307 = vector.shape_cast %get3A_306 : vector<1x16xf32> to vector<16xf32>
      %get3A_308 = arith.index_cast %scan3A_289 : i32 to index
      %get3A_309 = arith.constant 16 : index
      %get3A_310 = tpu.vector_load %arg21[%get3A_308, %get3A_309] {strides = array<i32>} : memref<40x128xf32, #tpu.memory_space<vmem>>, vector<1x16xf32>,
      %get3A_311 = vector.shape_cast %get3A_310 : vector<1x16xf32> to vector<16xf32>
      %add3A_312 = arith.addf %get3A_307, %get3A_311 : vector<16xf32>
      %max3A_313 = arith.constant 0.000000e+00 : f32
      %max3A_314 = vector.broadcast %max3A_313 : f32 to vector<16xf32>
      %max3A_315 = arith.maximumf %add3A_312, %max3A_314 : vector<16xf32>
      %swap3A_316 = arith.index_cast %scan3A_289 : i32 to index
      %swap3A_317 = arith.constant 16 : index
      %swap3A_318 = tpu.vector_load %arg17[%swap3A_316, %swap3A_317] {strides = array<i32>} : memref<40x128xf32, #tpu.memory_space<vmem>>, vector<1x16xf32>,
      %swap3A_319 = vector.shape_cast %swap3A_318 : vector<1x16xf32> to vector<16xf32>
      %swap3A_320 = vector.shape_cast %max3A_315 : vector<16xf32> to vector<1x16xf32>
      tpu.vector_store %arg17[%swap3A_316, %swap3A_317], %swap3A_320 {strides = array<i32>} : memref<40x128xf32, #tpu.memory_space<vmem>>, vector<1x16xf32>,
      %get3A_321 = arith.index_cast %scan3A_289 : i32 to index
      %get3A_322 = arith.constant 32 : index
      %get3A_323 = tpu.vector_load %arg17[%get3A_321, %get3A_322] {strides = array<i32>} : memref<40x128xf32, #tpu.memory_space<vmem>>, vector<1x16xf32>,
      %get3A_324 = vector.shape_cast %get3A_323 : vector<1x16xf32> to vector<16xf32>
      %get3A_325 = arith.index_cast %scan3A_289 : i32 to index
      %get3A_326 = arith.constant 32 : index
      %get3A_327 = tpu.vector_load %arg21[%get3A_325, %get3A_326] {strides = array<i32>} : memref<40x128xf32, #tpu.memory_space<vmem>>, vector<1x16xf32>,
      %get3A_328 = vector.shape_cast %get3A_327 : vector<1x16xf32> to vector<16xf32>
      %add3A_329 = arith.addf %get3A_324, %get3A_328 : vector<16xf32>
      %max3A_330 = arith.constant 0.000000e+00 : f32
      %max3A_331 = vector.broadcast %max3A_330 : f32 to vector<16xf32>
      %max3A_332 = arith.maximumf %add3A_329, %max3A_331 : vector<16xf32>
      %swap3A_333 = arith.index_cast %scan3A_289 : i32 to index
      %swap3A_334 = arith.constant 32 : index
      %swap3A_335 = tpu.vector_load %arg17[%swap3A_333, %swap3A_334] {strides = array<i32>} : memref<40x128xf32, #tpu.memory_space<vmem>>, vector<1x16xf32>,
      %swap3A_336 = vector.shape_cast %swap3A_335 : vector<1x16xf32> to vector<16xf32>
      %swap3A_337 = vector.shape_cast %max3A_332 : vector<16xf32> to vector<1x16xf32>
      tpu.vector_store %arg17[%swap3A_333, %swap3A_334], %swap3A_337 {strides = array<i32>} : memref<40x128xf32, #tpu.memory_space<vmem>>, vector<1x16xf32>,
      %get3A_338 = arith.index_cast %scan3A_289 : i32 to index
      %get3A_339 = arith.constant 48 : index
      %get3A_340 = tpu.vector_load %arg17[%get3A_338, %get3A_339] {strides = array<i32>} : memref<40x128xf32, #tpu.memory_space<vmem>>, vector<1x16xf32>,
      %get3A_341 = vector.shape_cast %get3A_340 : vector<1x16xf32> to vector<16xf32>
      %get3A_342 = arith.index_cast %scan3A_289 : i32 to index
      %get3A_343 = arith.constant 48 : index
      %get3A_344 = tpu.vector_load %arg21[%get3A_342, %get3A_343] {strides = array<i32>} : memref<40x128xf32, #tpu.memory_space<vmem>>, vector<1x16xf32>,
      %get3A_345 = vector.shape_cast %get3A_344 : vector<1x16xf32> to vector<16xf32>
      %add3A_346 = arith.addf %get3A_341, %get3A_345 : vector<16xf32>
      %max3A_347 = arith.constant 0.000000e+00 : f32
      %max3A_348 = vector.broadcast %max3A_347 : f32 to vector<16xf32>
      %max3A_349 = arith.maximumf %add3A_346, %max3A_348 : vector<16xf32>
      %swap3A_350 = arith.index_cast %scan3A_289 : i32 to index
      %swap3A_351 = arith.constant 48 : index
      %swap3A_352 = tpu.vector_load %arg17[%swap3A_350, %swap3A_351] {strides = array<i32>} : memref<40x128xf32, #tpu.memory_space<vmem>>, vector<1x16xf32>,
      %swap3A_353 = vector.shape_cast %swap3A_352 : vector<1x16xf32> to vector<16xf32>
      %swap3A_354 = vector.shape_cast %max3A_349 : vector<16xf32> to vector<1x16xf32>
      tpu.vector_store %arg17[%swap3A_350, %swap3A_351], %swap3A_354 {strides = array<i32>} : memref<40x128xf32, #tpu.memory_space<vmem>>, vector<1x16xf32>,
      %get3A_355 = arith.index_cast %scan3A_289 : i32 to index
      %get3A_356 = arith.constant 64 : index
      %get3A_357 = tpu.vector_load %arg17[%get3A_355, %get3A_356] {strides = array<i32>} : memref<40x128xf32, #tpu.memory_space<vmem>>, vector<1x16xf32>,
      %get3A_358 = vector.shape_cast %get3A_357 : vector<1x16xf32> to vector<16xf32>
      %get3A_359 = arith.index_cast %scan3A_289 : i32 to index
      %get3A_360 = arith.constant 64 : index
      %get3A_361 = tpu.vector_load %arg21[%get3A_359, %get3A_360] {strides = array<i32>} : memref<40x128xf32, #tpu.memory_space<vmem>>, vector<1x16xf32>,
      %get3A_362 = vector.shape_cast %get3A_361 : vector<1x16xf32> to vector<16xf32>
      %add3A_363 = arith.addf %get3A_358, %get3A_362 : vector<16xf32>
      %max3A_364 = arith.constant 0.000000e+00 : f32
      %max3A_365 = vector.broadcast %max3A_364 : f32 to vector<16xf32>
      %max3A_366 = arith.maximumf %add3A_363, %max3A_365 : vector<16xf32>
      %swap3A_367 = arith.index_cast %scan3A_289 : i32 to index
      %swap3A_368 = arith.constant 64 : index
      %swap3A_369 = tpu.vector_load %arg17[%swap3A_367, %swap3A_368] {strides = array<i32>} : memref<40x128xf32, #tpu.memory_space<vmem>>, vector<1x16xf32>,
      %swap3A_370 = vector.shape_cast %swap3A_369 : vector<1x16xf32> to vector<16xf32>
      %swap3A_371 = vector.shape_cast %max3A_366 : vector<16xf32> to vector<1x16xf32>
      tpu.vector_store %arg17[%swap3A_367, %swap3A_368], %swap3A_371 {strides = array<i32>} : memref<40x128xf32, #tpu.memory_space<vmem>>, vector<1x16xf32>,
      %get3A_372 = arith.index_cast %scan3A_289 : i32 to index
      %get3A_373 = arith.constant 80 : index
      %get3A_374 = tpu.vector_load %arg17[%get3A_372, %get3A_373] {strides = array<i32>} : memref<40x128xf32, #tpu.memory_space<vmem>>, vector<1x16xf32>,
      %get3A_375 = vector.shape_cast %get3A_374 : vector<1x16xf32> to vector<16xf32>
      %get3A_376 = arith.index_cast %scan3A_289 : i32 to index
      %get3A_377 = arith.constant 80 : index
      %get3A_378 = tpu.vector_load %arg21[%get3A_376, %get3A_377] {strides = array<i32>} : memref<40x128xf32, #tpu.memory_space<vmem>>, vector<1x16xf32>,
      %get3A_379 = vector.shape_cast %get3A_378 : vector<1x16xf32> to vector<16xf32>
      %add3A_380 = arith.addf %get3A_375, %get3A_379 : vector<16xf32>
      %max3A_381 = arith.constant 0.000000e+00 : f32
      %max3A_382 = vector.broadcast %max3A_381 : f32 to vector<16xf32>
      %max3A_383 = arith.maximumf %add3A_380, %max3A_382 : vector<16xf32>
      %swap3A_384 = arith.index_cast %scan3A_289 : i32 to index
      %swap3A_385 = arith.constant 80 : index
      %swap3A_386 = tpu.vector_load %arg17[%swap3A_384, %swap3A_385] {strides = array<i32>} : memref<40x128xf32, #tpu.memory_space<vmem>>, vector<1x16xf32>,
      %swap3A_387 = vector.shape_cast %swap3A_386 : vector<1x16xf32> to vector<16xf32>
      %swap3A_388 = vector.shape_cast %max3A_383 : vector<16xf32> to vector<1x16xf32>
      tpu.vector_store %arg17[%swap3A_384, %swap3A_385], %swap3A_388 {strides = array<i32>} : memref<40x128xf32, #tpu.memory_space<vmem>>, vector<1x16xf32>,
      %get3A_389 = arith.index_cast %scan3A_289 : i32 to index
      %get3A_390 = arith.constant 96 : index
      %get3A_391 = tpu.vector_load %arg17[%get3A_389, %get3A_390] {strides = array<i32>} : memref<40x128xf32, #tpu.memory_space<vmem>>, vector<1x16xf32>,
      %get3A_392 = vector.shape_cast %get3A_391 : vector<1x16xf32> to vector<16xf32>
      %get3A_393 = arith.index_cast %scan3A_289 : i32 to index
      %get3A_394 = arith.constant 96 : index
      %get3A_395 = tpu.vector_load %arg21[%get3A_393, %get3A_394] {strides = array<i32>} : memref<40x128xf32, #tpu.memory_space<vmem>>, vector<1x16xf32>,
      %get3A_396 = vector.shape_cast %get3A_395 : vector<1x16xf32> to vector<16xf32>
      %add3A_397 = arith.addf %get3A_392, %get3A_396 : vector<16xf32>
      %max3A_398 = arith.constant 0.000000e+00 : f32
      %max3A_399 = vector.broadcast %max3A_398 : f32 to vector<16xf32>
      %max3A_400 = arith.maximumf %add3A_397, %max3A_399 : vector<16xf32>
      %swap3A_401 = arith.index_cast %scan3A_289 : i32 to index
      %swap3A_402 = arith.constant 96 : index
      %swap3A_403 = tpu.vector_load %arg17[%swap3A_401, %swap3A_402] {strides = array<i32>} : memref<40x128xf32, #tpu.memory_space<vmem>>, vector<1x16xf32>,
      %swap3A_404 = vector.shape_cast %swap3A_403 : vector<1x16xf32> to vector<16xf32>
      %swap3A_405 = vector.shape_cast %max3A_400 : vector<16xf32> to vector<1x16xf32>
      tpu.vector_store %arg17[%swap3A_401, %swap3A_402], %swap3A_405 {strides = array<i32>} : memref<40x128xf32, #tpu.memory_space<vmem>>, vector<1x16xf32>,
      %get3A_406 = arith.index_cast %scan3A_289 : i32 to index
      %get3A_407 = arith.constant 112 : index
      %get3A_408 = tpu.vector_load %arg17[%get3A_406, %get3A_407] {strides = array<i32>} : memref<40x128xf32, #tpu.memory_space<vmem>>, vector<1x16xf32>,
      %get3A_409 = vector.shape_cast %get3A_408 : vector<1x16xf32> to vector<16xf32>
      %get3A_410 = arith.index_cast %scan3A_289 : i32 to index
      %get3A_411 = arith.constant 112 : index
      %get3A_412 = tpu.vector_load %arg21[%get3A_410, %get3A_411] {strides = array<i32>} : memref<40x128xf32, #tpu.memory_space<vmem>>, vector<1x16xf32>,
      %get3A_413 = vector.shape_cast %get3A_412 : vector<1x16xf32> to vector<16xf32>
      %add3A_414 = arith.addf %get3A_409, %get3A_413 : vector<16xf32>
      %max3A_415 = arith.constant 0.000000e+00 : f32
      %max3A_416 = vector.broadcast %max3A_415 : f32 to vector<16xf32>
      %max3A_417 = arith.maximumf %add3A_414, %max3A_416 : vector<16xf32>
      %swap3A_418 = arith.index_cast %scan3A_289 : i32 to index
      %swap3A_419 = arith.constant 112 : index
      %swap3A_420 = tpu.vector_load %arg17[%swap3A_418, %swap3A_419] {strides = array<i32>} : memref<40x128xf32, #tpu.memory_space<vmem>>, vector<1x16xf32>,
      %swap3A_421 = vector.shape_cast %swap3A_420 : vector<1x16xf32> to vector<16xf32>
      %swap3A_422 = vector.shape_cast %max3A_417 : vector<16xf32> to vector<1x16xf32>
      tpu.vector_store %arg17[%swap3A_418, %swap3A_419], %swap3A_422 {strides = array<i32>} : memref<40x128xf32, #tpu.memory_space<vmem>>, vector<1x16xf32>,
    }
    %scan3A_257 = arith.constant 40 : i32
    %dma_start3A_258 = arith.constant 0 : i32
    %dma_start3A_259 = arith.constant 0 : i32
    %dma_start3A_260 = tpu.memref_slice %arg8[%dma_start3A_258, %dma_start3A_259] : memref<10112x128xf32, #tpu.memory_space<vmem_shared>> -> memref<10112x128xf32, #tpu.memory_space<vmem_shared>>
    tpu.enqueue_indirect_dma source(%arg17 : memref<40x128xf32, #tpu.memory_space<vmem>>) target(%dma_start3A_260 : memref<10112x128xf32, #tpu.memory_space<vmem_shared>>) offsets(%arg13 : memref<40xi32, #tpu.memory_space<vmem>>) semaphore(%arg33 : memref<!tpu.dma_semaphore, #tpu.memory_space<semaphore_mem>>) {add = true}
    %dma_wait3A_261 = arith.constant 0 : i32
    %dma_wait3A_262 = arith.constant 0 : i32
    %dma_wait3A_263 = tpu.memref_slice %arg8[%dma_wait3A_261, %dma_wait3A_262] : memref<10112x128xf32, #tpu.memory_space<vmem_shared>> -> memref<10112x128xf32, #tpu.memory_space<vmem_shared>>
    tpu.wait_indirect_dma semaphore(%arg36 : memref<!tpu.dma_semaphore, #tpu.memory_space<semaphore_mem>>) src(%arg20 : memref<40x128xf32, #tpu.memory_space<vmem>>) dst(%dma_wait3A_263 : memref<10112x128xf32, #tpu.memory_space<vmem_shared>>)
    %dma_wait3A_264 = arith.constant 0 : i32
    %dma_wait3A_265 = arith.constant 0 : i32
    %dma_wait3A_266 = tpu.memref_slice %arg5[%dma_wait3A_264, %dma_wait3A_265] : memref<160000x256xf32, #tpu.memory_space<hbm>> -> memref<40x128xf32, #tpu.memory_space<hbm>>
    %dma_wait3A_267 = arith.constant 0 : i32
    %dma_wait3A_268 = arith.constant 0 : i32
    %dma_wait3A_269 = tpu.memref_slice %arg5[%dma_wait3A_267, %dma_wait3A_268] : memref<160000x256xf32, #tpu.memory_space<hbm>> -> memref<40x128xf32, #tpu.memory_space<hbm>>
    tpu.wait_dma2 semaphore(%arg30 : memref<!tpu.dma_semaphore, #tpu.memory_space<semaphore_mem>>) src(%dma_wait3A_269 : memref<40x128xf32, #tpu.memory_space<hbm>>) dst(%arg22 : memref<40x128xf32, #tpu.memory_space<vmem>>)
    %dma_wait3A_270 = arith.constant 0 : i32
    %dma_wait3A_271 = arith.constant 0 : i32
    %dma_wait3A_272 = tpu.memref_slice %arg2[%dma_wait3A_270, %dma_wait3A_271] : memref<20000x128xf32, #tpu.memory_space<hbm>> -> memref<20000x128xf32, #tpu.memory_space<hbm>>
    tpu.wait_indirect_dma semaphore(%arg30 : memref<!tpu.dma_semaphore, #tpu.memory_space<semaphore_mem>>) src(%dma_wait3A_272 : memref<20000x128xf32, #tpu.memory_space<hbm>>) dst(%arg18 : memref<40x128xf32, #tpu.memory_space<vmem>>)
    %scan3A_273 = arith.constant 0 : i32
    %scan3A_274 = arith.constant 0 : i32
    %scan3A_275 = arith.constant 40 : i32
    %scan3A_276 = arith.addi %scan3A_274, %scan3A_275 : i32
    %scan3A_277 = arith.constant 1 : i32
    scf.for %scan3A_289 = %scan3A_274 to %scan3A_276 step %scan3A_277  : i32 {
      %get3A = arith.index_cast %scan3A_289 : i32 to index
      %get3A_290 = arith.constant 0 : index
      %get3A_291 = tpu.vector_load %arg18[%get3A, %get3A_290] {strides = array<i32>} : memref<40x128xf32, #tpu.memory_space<vmem>>, vector<1x16xf32>,
      %get3A_292 = vector.shape_cast %get3A_291 : vector<1x16xf32> to vector<16xf32>
      %get3A_293 = arith.index_cast %scan3A_289 : i32 to index
      %get3A_294 = arith.constant 0 : index
      %get3A_295 = tpu.vector_load %arg22[%get3A_293, %get3A_294] {strides = array<i32>} : memref<40x128xf32, #tpu.memory_space<vmem>>, vector<1x16xf32>,
      %get3A_296 = vector.shape_cast %get3A_295 : vector<1x16xf32> to vector<16xf32>
      %add3A_297 = arith.addf %get3A_292, %get3A_296 : vector<16xf32>
      %max3A = arith.constant 0.000000e+00 : f32
      %max3A_298 = vector.broadcast %max3A : f32 to vector<16xf32>
      %max3A_299 = arith.maximumf %add3A_297, %max3A_298 : vector<16xf32>
      %swap3A = arith.index_cast %scan3A_289 : i32 to index
      %swap3A_300 = arith.constant 0 : index
      %swap3A_301 = tpu.vector_load %arg18[%swap3A, %swap3A_300] {strides = array<i32>} : memref<40x128xf32, #tpu.memory_space<vmem>>, vector<1x16xf32>,
      %swap3A_302 = vector.shape_cast %swap3A_301 : vector<1x16xf32> to vector<16xf32>
      %swap3A_303 = vector.shape_cast %max3A_299 : vector<16xf32> to vector<1x16xf32>
      tpu.vector_store %arg18[%swap3A, %swap3A_300], %swap3A_303 {strides = array<i32>} : memref<40x128xf32, #tpu.memory_space<vmem>>, vector<1x16xf32>,
      %get3A_304 = arith.index_cast %scan3A_289 : i32 to index
      %get3A_305 = arith.constant 16 : index
      %get3A_306 = tpu.vector_load %arg18[%get3A_304, %get3A_305] {strides = array<i32>} : memref<40x128xf32, #tpu.memory_space<vmem>>, vector<1x16xf32>,
      %get3A_307 = vector.shape_cast %get3A_306 : vector<1x16xf32> to vector<16xf32>
      %get3A_308 = arith.index_cast %scan3A_289 : i32 to index
      %get3A_309 = arith.constant 16 : index
      %get3A_310 = tpu.vector_load %arg22[%get3A_308, %get3A_309] {strides = array<i32>} : memref<40x128xf32, #tpu.memory_space<vmem>>, vector<1x16xf32>,
      %get3A_311 = vector.shape_cast %get3A_310 : vector<1x16xf32> to vector<16xf32>
      %add3A_312 = arith.addf %get3A_307, %get3A_311 : vector<16xf32>
      %max3A_313 = arith.constant 0.000000e+00 : f32
      %max3A_314 = vector.broadcast %max3A_313 : f32 to vector<16xf32>
      %max3A_315 = arith.maximumf %add3A_312, %max3A_314 : vector<16xf32>
      %swap3A_316 = arith.index_cast %scan3A_289 : i32 to index
      %swap3A_317 = arith.constant 16 : index
      %swap3A_318 = tpu.vector_load %arg18[%swap3A_316, %swap3A_317] {strides = array<i32>} : memref<40x128xf32, #tpu.memory_space<vmem>>, vector<1x16xf32>,
      %swap3A_319 = vector.shape_cast %swap3A_318 : vector<1x16xf32> to vector<16xf32>
      %swap3A_320 = vector.shape_cast %max3A_315 : vector<16xf32> to vector<1x16xf32>
      tpu.vector_store %arg18[%swap3A_316, %swap3A_317], %swap3A_320 {strides = array<i32>} : memref<40x128xf32, #tpu.memory_space<vmem>>, vector<1x16xf32>,
      %get3A_321 = arith.index_cast %scan3A_289 : i32 to index
      %get3A_322 = arith.constant 32 : index
      %get3A_323 = tpu.vector_load %arg18[%get3A_321, %get3A_322] {strides = array<i32>} : memref<40x128xf32, #tpu.memory_space<vmem>>, vector<1x16xf32>,
      %get3A_324 = vector.shape_cast %get3A_323 : vector<1x16xf32> to vector<16xf32>
      %get3A_325 = arith.index_cast %scan3A_289 : i32 to index
      %get3A_326 = arith.constant 32 : index
      %get3A_327 = tpu.vector_load %arg22[%get3A_325, %get3A_326] {strides = array<i32>} : memref<40x128xf32, #tpu.memory_space<vmem>>, vector<1x16xf32>,
      %get3A_328 = vector.shape_cast %get3A_327 : vector<1x16xf32> to vector<16xf32>
      %add3A_329 = arith.addf %get3A_324, %get3A_328 : vector<16xf32>
      %max3A_330 = arith.constant 0.000000e+00 : f32
      %max3A_331 = vector.broadcast %max3A_330 : f32 to vector<16xf32>
      %max3A_332 = arith.maximumf %add3A_329, %max3A_331 : vector<16xf32>
      %swap3A_333 = arith.index_cast %scan3A_289 : i32 to index
      %swap3A_334 = arith.constant 32 : index
      %swap3A_335 = tpu.vector_load %arg18[%swap3A_333, %swap3A_334] {strides = array<i32>} : memref<40x128xf32, #tpu.memory_space<vmem>>, vector<1x16xf32>,
      %swap3A_336 = vector.shape_cast %swap3A_335 : vector<1x16xf32> to vector<16xf32>
      %swap3A_337 = vector.shape_cast %max3A_332 : vector<16xf32> to vector<1x16xf32>
      tpu.vector_store %arg18[%swap3A_333, %swap3A_334], %swap3A_337 {strides = array<i32>} : memref<40x128xf32, #tpu.memory_space<vmem>>, vector<1x16xf32>,
      %get3A_338 = arith.index_cast %scan3A_289 : i32 to index
      %get3A_339 = arith.constant 48 : index
      %get3A_340 = tpu.vector_load %arg18[%get3A_338, %get3A_339] {strides = array<i32>} : memref<40x128xf32, #tpu.memory_space<vmem>>, vector<1x16xf32>,
      %get3A_341 = vector.shape_cast %get3A_340 : vector<1x16xf32> to vector<16xf32>
      %get3A_342 = arith.index_cast %scan3A_289 : i32 to index
      %get3A_343 = arith.constant 48 : index
      %get3A_344 = tpu.vector_load %arg22[%get3A_342, %get3A_343] {strides = array<i32>} : memref<40x128xf32, #tpu.memory_space<vmem>>, vector<1x16xf32>,
      %get3A_345 = vector.shape_cast %get3A_344 : vector<1x16xf32> to vector<16xf32>
      %add3A_346 = arith.addf %get3A_341, %get3A_345 : vector<16xf32>
      %max3A_347 = arith.constant 0.000000e+00 : f32
      %max3A_348 = vector.broadcast %max3A_347 : f32 to vector<16xf32>
      %max3A_349 = arith.maximumf %add3A_346, %max3A_348 : vector<16xf32>
      %swap3A_350 = arith.index_cast %scan3A_289 : i32 to index
      %swap3A_351 = arith.constant 48 : index
      %swap3A_352 = tpu.vector_load %arg18[%swap3A_350, %swap3A_351] {strides = array<i32>} : memref<40x128xf32, #tpu.memory_space<vmem>>, vector<1x16xf32>,
      %swap3A_353 = vector.shape_cast %swap3A_352 : vector<1x16xf32> to vector<16xf32>
      %swap3A_354 = vector.shape_cast %max3A_349 : vector<16xf32> to vector<1x16xf32>
      tpu.vector_store %arg18[%swap3A_350, %swap3A_351], %swap3A_354 {strides = array<i32>} : memref<40x128xf32, #tpu.memory_space<vmem>>, vector<1x16xf32>,
      %get3A_355 = arith.index_cast %scan3A_289 : i32 to index
      %get3A_356 = arith.constant 64 : index
      %get3A_357 = tpu.vector_load %arg18[%get3A_355, %get3A_356] {strides = array<i32>} : memref<40x128xf32, #tpu.memory_space<vmem>>, vector<1x16xf32>,
      %get3A_358 = vector.shape_cast %get3A_357 : vector<1x16xf32> to vector<16xf32>
      %get3A_359 = arith.index_cast %scan3A_289 : i32 to index
      %get3A_360 = arith.constant 64 : index
      %get3A_361 = tpu.vector_load %arg22[%get3A_359, %get3A_360] {strides = array<i32>} : memref<40x128xf32, #tpu.memory_space<vmem>>, vector<1x16xf32>,
      %get3A_362 = vector.shape_cast %get3A_361 : vector<1x16xf32> to vector<16xf32>
      %add3A_363 = arith.addf %get3A_358, %get3A_362 : vector<16xf32>
      %max3A_364 = arith.constant 0.000000e+00 : f32
      %max3A_365 = vector.broadcast %max3A_364 : f32 to vector<16xf32>
      %max3A_366 = arith.maximumf %add3A_363, %max3A_365 : vector<16xf32>
      %swap3A_367 = arith.index_cast %scan3A_289 : i32 to index
      %swap3A_368 = arith.constant 64 : index
      %swap3A_369 = tpu.vector_load %arg18[%swap3A_367, %swap3A_368] {strides = array<i32>} : memref<40x128xf32, #tpu.memory_space<vmem>>, vector<1x16xf32>,
      %swap3A_370 = vector.shape_cast %swap3A_369 : vector<1x16xf32> to vector<16xf32>
      %swap3A_371 = vector.shape_cast %max3A_366 : vector<16xf32> to vector<1x16xf32>
      tpu.vector_store %arg18[%swap3A_367, %swap3A_368], %swap3A_371 {strides = array<i32>} : memref<40x128xf32, #tpu.memory_space<vmem>>, vector<1x16xf32>,
      %get3A_372 = arith.index_cast %scan3A_289 : i32 to index
      %get3A_373 = arith.constant 80 : index
      %get3A_374 = tpu.vector_load %arg18[%get3A_372, %get3A_373] {strides = array<i32>} : memref<40x128xf32, #tpu.memory_space<vmem>>, vector<1x16xf32>,
      %get3A_375 = vector.shape_cast %get3A_374 : vector<1x16xf32> to vector<16xf32>
      %get3A_376 = arith.index_cast %scan3A_289 : i32 to index
      %get3A_377 = arith.constant 80 : index
      %get3A_378 = tpu.vector_load %arg22[%get3A_376, %get3A_377] {strides = array<i32>} : memref<40x128xf32, #tpu.memory_space<vmem>>, vector<1x16xf32>,
      %get3A_379 = vector.shape_cast %get3A_378 : vector<1x16xf32> to vector<16xf32>
      %add3A_380 = arith.addf %get3A_375, %get3A_379 : vector<16xf32>
      %max3A_381 = arith.constant 0.000000e+00 : f32
      %max3A_382 = vector.broadcast %max3A_381 : f32 to vector<16xf32>
      %max3A_383 = arith.maximumf %add3A_380, %max3A_382 : vector<16xf32>
      %swap3A_384 = arith.index_cast %scan3A_289 : i32 to index
      %swap3A_385 = arith.constant 80 : index
      %swap3A_386 = tpu.vector_load %arg18[%swap3A_384, %swap3A_385] {strides = array<i32>} : memref<40x128xf32, #tpu.memory_space<vmem>>, vector<1x16xf32>,
      %swap3A_387 = vector.shape_cast %swap3A_386 : vector<1x16xf32> to vector<16xf32>
      %swap3A_388 = vector.shape_cast %max3A_383 : vector<16xf32> to vector<1x16xf32>
      tpu.vector_store %arg18[%swap3A_384, %swap3A_385], %swap3A_388 {strides = array<i32>} : memref<40x128xf32, #tpu.memory_space<vmem>>, vector<1x16xf32>,
      %get3A_389 = arith.index_cast %scan3A_289 : i32 to index
      %get3A_390 = arith.constant 96 : index
      %get3A_391 = tpu.vector_load %arg18[%get3A_389, %get3A_390] {strides = array<i32>} : memref<40x128xf32, #tpu.memory_space<vmem>>, vector<1x16xf32>,
      %get3A_392 = vector.shape_cast %get3A_391 : vector<1x16xf32> to vector<16xf32>
      %get3A_393 = arith.index_cast %scan3A_289 : i32 to index
      %get3A_394 = arith.constant 96 : index
      %get3A_395 = tpu.vector_load %arg22[%get3A_393, %get3A_394] {strides = array<i32>} : memref<40x128xf32, #tpu.memory_space<vmem>>, vector<1x16xf32>,
      %get3A_396 = vector.shape_cast %get3A_395 : vector<1x16xf32> to vector<16xf32>
      %add3A_397 = arith.addf %get3A_392, %get3A_396 : vector<16xf32>
      %max3A_398 = arith.constant 0.000000e+00 : f32
      %max3A_399 = vector.broadcast %max3A_398 : f32 to vector<16xf32>
      %max3A_400 = arith.maximumf %add3A_397, %max3A_399 : vector<16xf32>
      %swap3A_401 = arith.index_cast %scan3A_289 : i32 to index
      %swap3A_402 = arith.constant 96 : index
      %swap3A_403 = tpu.vector_load %arg18[%swap3A_401, %swap3A_402] {strides = array<i32>} : memref<40x128xf32, #tpu.memory_space<vmem>>, vector<1x16xf32>,
      %swap3A_404 = vector.shape_cast %swap3A_403 : vector<1x16xf32> to vector<16xf32>
      %swap3A_405 = vector.shape_cast %max3A_400 : vector<16xf32> to vector<1x16xf32>
      tpu.vector_store %arg18[%swap3A_401, %swap3A_402], %swap3A_405 {strides = array<i32>} : memref<40x128xf32, #tpu.memory_space<vmem>>, vector<1x16xf32>,
      %get3A_406 = arith.index_cast %scan3A_289 : i32 to index
      %get3A_407 = arith.constant 112 : index
      %get3A_408 = tpu.vector_load %arg18[%get3A_406, %get3A_407] {strides = array<i32>} : memref<40x128xf32, #tpu.memory_space<vmem>>, vector<1x16xf32>,
      %get3A_409 = vector.shape_cast %get3A_408 : vector<1x16xf32> to vector<16xf32>
      %get3A_410 = arith.index_cast %scan3A_289 : i32 to index
      %get3A_411 = arith.constant 112 : index
      %get3A_412 = tpu.vector_load %arg22[%get3A_410, %get3A_411] {strides = array<i32>} : memref<40x128xf32, #tpu.memory_space<vmem>>, vector<1x16xf32>,
      %get3A_413 = vector.shape_cast %get3A_412 : vector<1x16xf32> to vector<16xf32>
      %add3A_414 = arith.addf %get3A_409, %get3A_413 : vector<16xf32>
      %max3A_415 = arith.constant 0.000000e+00 : f32
      %max3A_416 = vector.broadcast %max3A_415 : f32 to vector<16xf32>
      %max3A_417 = arith.maximumf %add3A_414, %max3A_416 : vector<16xf32>
      %swap3A_418 = arith.index_cast %scan3A_289 : i32 to index
      %swap3A_419 = arith.constant 112 : index
      %swap3A_420 = tpu.vector_load %arg18[%swap3A_418, %swap3A_419] {strides = array<i32>} : memref<40x128xf32, #tpu.memory_space<vmem>>, vector<1x16xf32>,
      %swap3A_421 = vector.shape_cast %swap3A_420 : vector<1x16xf32> to vector<16xf32>
      %swap3A_422 = vector.shape_cast %max3A_417 : vector<16xf32> to vector<1x16xf32>
      tpu.vector_store %arg18[%swap3A_418, %swap3A_419], %swap3A_422 {strides = array<i32>} : memref<40x128xf32, #tpu.memory_space<vmem>>, vector<1x16xf32>,
    }
    %scan3A_278 = arith.constant 40 : i32
    %dma_start3A_279 = arith.constant 0 : i32
    %dma_start3A_280 = arith.constant 0 : i32
    %dma_start3A_281 = tpu.memref_slice %arg8[%dma_start3A_279, %dma_start3A_280] : memref<10112x128xf32, #tpu.memory_space<vmem_shared>> -> memref<10112x128xf32, #tpu.memory_space<vmem_shared>>
    tpu.enqueue_indirect_dma source(%arg18 : memref<40x128xf32, #tpu.memory_space<vmem>>) target(%dma_start3A_281 : memref<10112x128xf32, #tpu.memory_space<vmem_shared>>) offsets(%arg14 : memref<40xi32, #tpu.memory_space<vmem>>) semaphore(%arg34 : memref<!tpu.dma_semaphore, #tpu.memory_space<semaphore_mem>>) {add = true}
    %dma_wait3A_282 = arith.constant 0 : i32
    %dma_wait3A_283 = arith.constant 0 : i32
    %dma_wait3A_284 = tpu.memref_slice %arg8[%dma_wait3A_282, %dma_wait3A_283] : memref<10112x128xf32, #tpu.memory_space<vmem_shared>> -> memref<10112x128xf32, #tpu.memory_space<vmem_shared>>
    tpu.wait_indirect_dma semaphore(%arg33 : memref<!tpu.dma_semaphore, #tpu.memory_space<semaphore_mem>>) src(%arg17 : memref<40x128xf32, #tpu.memory_space<vmem>>) dst(%dma_wait3A_284 : memref<10112x128xf32, #tpu.memory_space<vmem_shared>>)
    %dma_wait3A_285 = arith.constant 0 : i32
    %dma_wait3A_286 = arith.constant 0 : i32
    %dma_wait3A_287 = tpu.memref_slice %arg8[%dma_wait3A_285, %dma_wait3A_286] : memref<10112x128xf32, #tpu.memory_space<vmem_shared>> -> memref<10112x128xf32, #tpu.memory_space<vmem_shared>>
    tpu.wait_indirect_dma semaphore(%arg34 : memref<!tpu.dma_semaphore, #tpu.memory_space<semaphore_mem>>) src(%arg18 : memref<40x128xf32, #tpu.memory_space<vmem>>) dst(%dma_wait3A_287 : memref<10112x128xf32, #tpu.memory_space<vmem_shared>>)
    %barrier3A_288 = arith.constant 0 : index
    tpu.barrier barrier_id(%barrier3A_288)
    "tpu.region"() ({
      %run_scoped3A = tpu.sem_alloc : memref<!tpu.dma_semaphore, #tpu.memory_space<semaphore_mem>>
      %dma_start3A_289 = arith.constant 0 : i32
      %dma_start3A_290 = tpu.memref_slice %arg7[%arg0, %mul3A_0, %dma_start3A_289] : memref<2x10112x128xf32, #tpu.memory_space<hbm>> -> memref<1x632x128xf32, #tpu.memory_space<hbm>>
      %dma_start3A_291 = tpu.memref_squeeze %dma_start3A_290 : memref<1x632x128xf32, #tpu.memory_space<hbm>> -> memref<632x128xf32, #tpu.memory_space<hbm>>
      %dma_start3A_292 = arith.constant 0 : i32
      %dma_start3A_293 = tpu.memref_slice %arg8[%mul3A_0, %dma_start3A_292] : memref<10112x128xf32, #tpu.memory_space<vmem_shared>> -> memref<632x128xf32, #tpu.memory_space<vmem_shared>>
      tpu.enqueue_dma source(%dma_start3A_293 : memref<632x128xf32, #tpu.memory_space<vmem_shared>>) target(%dma_start3A_291 : memref<632x128xf32, #tpu.memory_space<hbm>>) target_semaphore(%run_scoped3A : memref<!tpu.dma_semaphore, #tpu.memory_space<semaphore_mem>>)
      %dma_wait3A_294 = arith.constant 0 : i32
      %dma_wait3A_295 = tpu.memref_slice %arg7[%arg0, %mul3A_0, %dma_wait3A_294] : memref<2x10112x128xf32, #tpu.memory_space<hbm>> -> memref<1x632x128xf32, #tpu.memory_space<hbm>>
      %dma_wait3A_296 = tpu.memref_squeeze %dma_wait3A_295 : memref<1x632x128xf32, #tpu.memory_space<hbm>> -> memref<632x128xf32, #tpu.memory_space<hbm>>
      %dma_wait3A_297 = arith.constant 0 : i32
      %dma_wait3A_298 = tpu.memref_slice %arg8[%mul3A_0, %dma_wait3A_297] : memref<10112x128xf32, #tpu.memory_space<vmem_shared>> -> memref<632x128xf32, #tpu.memory_space<vmem_shared>>
      tpu.wait_dma2 semaphore(%run_scoped3A : memref<!tpu.dma_semaphore, #tpu.memory_space<semaphore_mem>>) src(%dma_wait3A_298 : memref<632x128xf32, #tpu.memory_space<vmem_shared>>) dst(%dma_wait3A_296 : memref<632x128xf32, #tpu.memory_space<hbm>>)
      tpu.yield
    }) : () -> ()
    return
  }
}

module attributes {stable_mosaic.version = 14 : i64} {
  func.func @_mlp_body(%arg0: i32, %arg1: memref<1xf32, #tpu.memory_space<smem>>, %arg2: memref<2528x256xf32, #tpu.memory_space<vmem>>, %arg3: memref<1x2528x128xf32, #tpu.memory_space<vmem>>, %arg4: memref<1x2528x128xf32, #tpu.memory_space<vmem>>, %arg5: memref<256x256xf32, #tpu.memory_space<vmem>>, %arg6: memref<1x256xf32, #tpu.memory_space<vmem>>, %arg7: memref<256x256xf32, #tpu.memory_space<vmem>>, %arg8: memref<1x256xf32, #tpu.memory_space<vmem>>, %arg9: memref<2528x256xf32, #tpu.memory_space<vmem>>) attributes {dimension_semantics = [#tpu.dimension_semantics<arbitrary>], iteration_bounds = array<i64: 4>, scalar_prefetch = 0 : i64, scratch_operands = 0 : i64, tpu.core_type = #tpu.core_type<tc>, window_params = [{transform_indices = @transform_0, window_bounds = array<i64: 1>}, {transform_indices = @transform_1, window_bounds = array<i64: 2528, 256>}, {transform_indices = @transform_2, window_bounds = array<i64: 1, 2528, 128>}, {transform_indices = @transform_3, window_bounds = array<i64: 1, 2528, 128>}, {pipeline_mode = #tpu.pipeline_mode<synchronous>, transform_indices = @transform_4, window_bounds = array<i64: 256, 256>}, {pipeline_mode = #tpu.pipeline_mode<synchronous>, transform_indices = @transform_5, window_bounds = array<i64: 1, 256>}, {pipeline_mode = #tpu.pipeline_mode<synchronous>, transform_indices = @transform_6, window_bounds = array<i64: 256, 256>}, {pipeline_mode = #tpu.pipeline_mode<synchronous>, transform_indices = @transform_7, window_bounds = array<i64: 1, 256>}, {transform_indices = @transform_8, window_bounds = array<i64: 2528, 256>}]} {
    %get3A = arith.constant 0 : index
    %get3A_0 = arith.constant 0 : index
    %get3A_1 = vector.load %arg2[%get3A, %get3A_0] : memref<2528x256xf32, #tpu.memory_space<vmem>>, vector<2528x256xf32>
    %get3A_2 = arith.constant 0 : index
    %get3A_3 = memref.load %arg1[%get3A_2] : memref<1xf32, #tpu.memory_space<smem>>
    %add3A = arith.constant 1.000000e+00 : f32
    %add3A_4 = arith.addf %add3A, %get3A_3 : f32
    %mul3A = vector.broadcast %add3A_4 : f32 to vector<2528x256xf32>
    %mul3A_5 = arith.mulf %get3A_1, %mul3A : vector<2528x256xf32>
    %get3A_6 = arith.constant 0 : index
    %get3A_7 = arith.constant 0 : index
    %get3A_8 = arith.constant 0 : index
    %get3A_9 = vector.load %arg3[%get3A_6, %get3A_7, %get3A_8] : memref<1x2528x128xf32, #tpu.memory_space<vmem>>, vector<1x2528x128xf32>
    %get3A_10 = vector.shape_cast %get3A_9 : vector<1x2528x128xf32> to vector<2528x128xf32>
    %get3A_11 = arith.constant 0 : index
    %get3A_12 = arith.constant 0 : index
    %get3A_13 = arith.constant 0 : index
    %get3A_14 = vector.load %arg4[%get3A_11, %get3A_12, %get3A_13] : memref<1x2528x128xf32, #tpu.memory_space<vmem>>, vector<1x2528x128xf32>
    %get3A_15 = vector.shape_cast %get3A_14 : vector<1x2528x128xf32> to vector<2528x128xf32>
    %concatenate3A = tpu.concatenate %get3A_10, %get3A_15 in 1 : vector<2528x128xf32>, vector<2528x128xf32> -> vector<2528x256xf32>
    %add3A_16 = arith.addf %mul3A_5, %concatenate3A : vector<2528x256xf32>
    %convert_element_type3A = arith.truncf %add3A_16 : vector<2528x256xf32> to vector<2528x256xbf16>
    %get3A_17 = arith.constant 0 : index
    %get3A_18 = arith.constant 0 : index
    %get3A_19 = vector.load %arg5[%get3A_17, %get3A_18] : memref<256x256xf32, #tpu.memory_space<vmem>>, vector<256x256xf32>
    %convert_element_type3A_20 = arith.truncf %get3A_19 : vector<256x256xf32> to vector<256x256xbf16>
    %dot_general3A = arith.constant dense<0.000000e+00> : vector<2528x256xf32>
    %dot_general3A_21 = tpu.matmul %convert_element_type3A, %convert_element_type3A_20, %dot_general3A {dimension_numbers = #tpu.dot_dimension_numbers<[1], [1], [0], [0], [0, 0, 1, 0], [], []>, transpose_lhs_hint = false} : vector<2528x256xbf16>, vector<256x256xbf16>, vector<2528x256xf32> -> vector<2528x256xf32>
    %get3A_22 = arith.constant 0 : index
    %get3A_23 = arith.constant 0 : index
    %get3A_24 = vector.load %arg6[%get3A_22, %get3A_23] : memref<1x256xf32, #tpu.memory_space<vmem>>, vector<1x256xf32>
    %add3A_25 = vector.broadcast %get3A_24 : vector<1x256xf32> to vector<2528x256xf32>
    %add3A_26 = arith.addf %dot_general3A_21, %add3A_25 : vector<2528x256xf32>
    %max3A = arith.constant 0.000000e+00 : f32
    %max3A_27 = vector.broadcast %max3A : f32 to vector<2528x256xf32>
    %max3A_28 = arith.maximumf %add3A_26, %max3A_27 : vector<2528x256xf32>
    %convert_element_type3A_29 = arith.truncf %max3A_28 : vector<2528x256xf32> to vector<2528x256xbf16>
    %get3A_30 = arith.constant 0 : index
    %get3A_31 = arith.constant 0 : index
    %get3A_32 = vector.load %arg7[%get3A_30, %get3A_31] : memref<256x256xf32, #tpu.memory_space<vmem>>, vector<256x256xf32>
    %convert_element_type3A_33 = arith.truncf %get3A_32 : vector<256x256xf32> to vector<256x256xbf16>
    %dot_general3A_34 = arith.constant dense<0.000000e+00> : vector<2528x256xf32>
    %dot_general3A_35 = tpu.matmul %convert_element_type3A_29, %convert_element_type3A_33, %dot_general3A_34 {dimension_numbers = #tpu.dot_dimension_numbers<[1], [1], [0], [0], [0, 0, 1, 0], [], []>, transpose_lhs_hint = false} : vector<2528x256xbf16>, vector<256x256xbf16>, vector<2528x256xf32> -> vector<2528x256xf32>
    %get3A_36 = arith.constant 0 : index
    %get3A_37 = arith.constant 0 : index
    %get3A_38 = vector.load %arg8[%get3A_36, %get3A_37] : memref<1x256xf32, #tpu.memory_space<vmem>>, vector<1x256xf32>
    %add3A_39 = vector.broadcast %get3A_38 : vector<1x256xf32> to vector<2528x256xf32>
    %add3A_40 = arith.addf %dot_general3A_35, %add3A_39 : vector<2528x256xf32>
    %swap3A = arith.constant 0 : index
    %swap3A_41 = arith.constant 0 : index
    %swap3A_42 = vector.load %arg9[%swap3A, %swap3A_41] : memref<2528x256xf32, #tpu.memory_space<vmem>>, vector<2528x256xf32>
    tpu.vector_store %arg9[%swap3A, %swap3A_41], %add3A_40 {strides = array<i32>} : memref<2528x256xf32, #tpu.memory_space<vmem>>, vector<2528x256xf32>,
    return
  }
  func.func @transform_0(%arg0: i32) -> i32 {
    %c0_i32 = arith.constant 0 : i32
    %c0_i32_0 = arith.constant 0 : i32
    return %c0_i32 : i32
  }
  func.func @transform_1(%arg0: i32) -> (i32, i32) {
    %c0_i32 = arith.constant 0 : i32
    %c0_i32_0 = arith.constant 0 : i32
    return %arg0, %c0_i32 : i32, i32
  }
  func.func @transform_2(%arg0: i32) -> (i32, i32, i32) {
    %c0_i32 = arith.constant 0 : i32
    %c0_i32_0 = arith.constant 0 : i32
    %c0_i32_1 = arith.constant 0 : i32
    return %c0_i32, %arg0, %c0_i32_0 : i32, i32, i32
  }
  func.func @transform_3(%arg0: i32) -> (i32, i32, i32) {
    %c1_i32 = arith.constant 1 : i32
    %c0_i32 = arith.constant 0 : i32
    %c0_i32_0 = arith.constant 0 : i32
    return %c1_i32, %arg0, %c0_i32 : i32, i32, i32
  }
  func.func @transform_4(%arg0: i32) -> (i32, i32) {
    %c0_i32 = arith.constant 0 : i32
    %c0_i32_0 = arith.constant 0 : i32
    %c0_i32_1 = arith.constant 0 : i32
    return %c0_i32, %c0_i32_0 : i32, i32
  }
  func.func @transform_5(%arg0: i32) -> (i32, i32) {
    %c0_i32 = arith.constant 0 : i32
    %c0_i32_0 = arith.constant 0 : i32
    %c0_i32_1 = arith.constant 0 : i32
    return %c0_i32, %c0_i32_0 : i32, i32
  }
  func.func @transform_6(%arg0: i32) -> (i32, i32) {
    %c0_i32 = arith.constant 0 : i32
    %c0_i32_0 = arith.constant 0 : i32
    %c0_i32_1 = arith.constant 0 : i32
    return %c0_i32, %c0_i32_0 : i32, i32
  }
  func.func @transform_7(%arg0: i32) -> (i32, i32) {
    %c0_i32 = arith.constant 0 : i32
    %c0_i32_0 = arith.constant 0 : i32
    %c0_i32_1 = arith.constant 0 : i32
    return %c0_i32, %c0_i32_0 : i32, i32
  }
  func.func @transform_8(%arg0: i32) -> (i32, i32) {
    %c0_i32 = arith.constant 0 : i32
    %c0_i32_0 = arith.constant 0 : i32
    return %arg0, %c0_i32 : i32, i32
  }
}

</mosaic_0001>

<sc_bundles>
// kernel: kernel.4.cloned.1.call-start
scs
__scs_entry_jumppad:
0x0: {  	(pc) =	sbr.rel $0x88, $3  }
0x1: {  	(tag) =	ssettag $0x0;
	lr =	simm.s32 $0x1  }
0x2: {  	[smem:$0x3F99] =	sst lr;
	_ =	strace $0xD0000000  }
0x3: {  	_ = 	snop  }
0x4: {  	_ = 	snop  }
0x5: {  	_ = 	snop  }
0x6: {  	_ = 	snop  }
0x7: {  	_ = 	snop  }
__scs_overlays_trampoline_lowered:
0x8: {  	[smem:$0x3FA8] =	sst s0  }
0x9: {  	[smem:$0x3FA9] =	sst s1  }
0xa: {  	[smem:$0x3FAA] =	sst s2  }
0xb: {  	[smem:$0x3FAB] =	sst s3  }
0xc: {  	[smem:$0x3FAC] =	sst s4  }
0xd: {  	[smem:$0x3FAD] =	sst s5  }
0xe: {  	[smem:$0x3FAE] =	sst s6  }
0xf: {  	[smem:$0x3FAF] =	sst s7  }
0x10: {  	[smem:$0x3FB0] =	sst s8  }
0x11: {  	[smem:$0x3FB1] =	sst s9;
	s0 =	simm.s32 @!p0 $0x0  }
0x12: {  	s1 =	sld [smem:$0x3F97];
	s0 =	simm.s32 @p0 $0x1  }
0x13: {  	[smem:$0x3FB2] =	sst s0;
	s0 =	simm.s32 @!p1 $0x0  }
0x14: {  	s2 =	sld [smem:$0x3F96];
	s0 =	simm.s32 @p1 $0x1  }
0x15: {  	[smem:$0x3FB3] =	sst s0;
	s0 =	simm.s32 @!p2 $0x0  }
0x16: {  	s3 =	sld [smem:$0x3FDB];
	s0 =	simm.s32 @p2 $0x1  }
0x17: {  	s4 =	simm.s32 $0x1BF5;
	[smem:$0x3FB5] =	sst s0  }
0x18: {  	s0 =	sld [smem:$0x3F98];
	_ =	swait.ge [sflag:s4], $0x0  }
0x19: {  	s7 =	sld [smem:$0x3F99]  }
0x1a: {  	s8 =	sadd.s32 $0xFFFFE003, lr  }
0x1b: {  	s9 =	sadd.s32 $0xFFFFFEF7, lr;
	s5 =	simm.s32 $0xFFFFFFFF;
	p2 =	slt.u32 s8, $0xFFFFF086  }
0x1c: {  	p1 =	slt.u32 s9, $0xF7A;
	s5 =	simm.s32 @!p2 $0x0  }
0x1d: {  	s5 =	simm.s32 @p1 $0x1;
	p0 =	seq.s32 s7, s2  }
0x1e: {  	s7 =	smul.u32 @!p0 $0xF7A, s2;
	p2 =	seq.s32 @!p0 s5, $0x0  }
0x1f: {  	s9 =	smul.u32 $0xF7A, s1;
	s8 =	simm.s32 @!p0 $0x1BF5;
	p2 =	por !p2, p0  }
0x20: {  	[sflag:s8] =	ssyncset.s32 @!p0 $0xFFFFF086;
	s6 =	sadd.s32 @!p0 s3, s7;
	s7 =	simm.s32 @!p0 $0x108  }
0x21: {  	s3 =	sadd.s32 s3, s9;
	s6 =	sadd.s32 @!p0 $0x88, s6;
	s7 =	simm.s32 @p2 $0x1082  }
0x22: {  	[simem:s7], [sflag:s8] =	dma.local @!p0 [hbm:s6], $0xF7A  }
0x23: {  	s9 =	sor.u32 $0xD0000000, s2;
	s6 =	simm.s32 $0x108;
	_ =	swait.ge @!p0 [sflag:s8], $0x0  }
0x24: {  	s3 =	sadd.s32 $0x88, s3;
	s6 =	simm.s32 @!p1 $0x1082;
	[sflag:s4] =	ssyncset.s32 $0xFFFFF086  }
0x25: {  	[simem:s6], [sflag:s4] =	dma.local [hbm:s3], $0xF7A  }
0x26: {  	[smem:$0x3F99] =	sst s1;
	(tag) =	ssettag s2;
	_ =	strace s9  }
0x27: {  	s1 =	sld [smem:$0x3FA9]  }
0x28: {  	s2 =	sld [smem:$0x3FAA]  }
0x29: {  	s4 =	sld [smem:$0x3FAC]  }
0x2a: {  	p0 =	seq.s32 s5, $0x0;
	s5 =	sld [smem:$0x3FAD]  }
0x2b: {  	s6 =	sld [smem:$0x3FAE]  }
0x2c: {  	s7 =	sld [smem:$0x3FAF]  }
0x2d: {  	s3 =	simm.s32 $0x108;
	s8 =	sld [smem:$0x3FB0]  }
0x2e: {  	s3 =	simm.s32 @!p0 $0x1082;
	s9 =	sld [smem:$0x3FB1]  }
0x2f: {  	lr =	sadd.s32 s0, s3;
	s0 =	sld [smem:$0x3FA8]  }
0x30: {  	s3 =	sld [smem:$0x3FAB]  }
0x31: {  	[smem:$0x3FB4] =	sst s10  }
0x32: {  	s10 =	sld [smem:$0x3FB2];
	_ =	sdelay $0x3  }
0x33: {  	p0 =	seq.s32 s10, $0x1;
	s10 =	sld [smem:$0x3FB4];
	_ =	sdelay $0x3  }
0x34: {  	[smem:$0x3FB4] =	sst s10  }
0x35: {  	s10 =	sld [smem:$0x3FB3];
	_ =	sdelay $0x3  }
0x36: {  	p1 =	seq.s32 s10, $0x1;
	s10 =	sld [smem:$0x3FB4];
	_ =	sdelay $0x3  }
0x37: {  	[smem:$0x3FB4] =	sst s10  }
0x38: {  	s10 =	sld [smem:$0x3FB5]  }
0x39: {  	_ = 	snop;
	(pc) =	sbr.ind lr, $3  }
0x3a: {  	_ = 	snop  }
0x3b: {  	_ = 	snop  }
0x3c: {  	p2 =	seq.s32 s10, $0x1;
	s10 =	sld [smem:$0x3FB4]  }
0x3d: {  	_ =	shalt  }
0x3e: {  	_ =	shalt  }
0x3f: {  	_ =	shalt  }
0x40: {  	_ =	shalt  }
0x41: {  	_ =	shalt  }
0x42: {  	_ =	shalt  }
0x43: {  	_ =	shalt  }
0x44: {  	_ =	shalt  }
0x45: {  	_ =	shalt  }
0x46: {  	_ =	shalt  }
0x47: {  	_ =	shalt  }
0x48: {  	_ =	shalt  }
0x49: {  	_ =	shalt  }
0x4a: {  	_ =	shalt  }
0x4b: {  	_ =	shalt  }
0x4c: {  	_ =	shalt  }
0x4d: {  	_ =	shalt  }
0x4e: {  	_ =	shalt  }
0x4f: {  	_ =	shalt  }
0x50: {  	_ =	shalt  }
0x51: {  	_ =	shalt  }
0x52: {  	_ =	shalt  }
0x53: {  	_ =	shalt  }
0x54: {  	_ =	shalt  }
0x55: {  	_ =	shalt  }
0x56: {  	_ =	shalt  }
0x57: {  	_ =	shalt  }
0x58: {  	_ =	shalt  }
0x59: {  	_ =	shalt  }
0x5a: {  	_ =	shalt  }
0x5b: {  	_ =	shalt  }
0x5c: {  	_ =	shalt  }
0x5d: {  	_ =	shalt  }
0x5e: {  	_ =	shalt  }
0x5f: {  	_ =	shalt  }
0x60: {  	_ =	shalt  }
0x61: {  	_ =	shalt  }
0x62: {  	_ =	shalt  }
0x63: {  	_ =	shalt  }
0x64: {  	_ =	shalt  }
0x65: {  	_ =	shalt  }
0x66: {  	_ =	shalt  }
0x67: {  	_ =	shalt  }
0x68: {  	_ =	shalt  }
0x69: {  	_ =	shalt  }
0x6a: {  	_ =	shalt  }
0x6b: {  	_ =	shalt  }
0x6c: {  	_ =	shalt  }
0x6d: {  	_ =	shalt  }
0x6e: {  	_ =	shalt  }
0x6f: {  	_ =	shalt  }
0x70: {  	_ =	shalt  }
0x71: {  	_ =	shalt  }
0x72: {  	_ =	shalt  }
0x73: {  	_ =	shalt  }
0x74: {  	_ =	shalt  }
0x75: {  	_ =	shalt  }
0x76: {  	_ =	shalt  }
0x77: {  	_ =	shalt  }
0x78: {  	_ =	shalt  }
0x79: {  	_ =	shalt  }
0x7a: {  	_ =	shalt  }
0x7b: {  	_ =	shalt  }
0x7c: {  	_ =	shalt  }
0x7d: {  	_ =	shalt  }
0x7e: {  	_ =	shalt  }
0x7f: {  	_ =	shalt  }
0x80: {  	_ =	shalt  }
0x81: {  	_ =	shalt  }
0x82: {  	_ =	shalt  }
0x83: {  	_ =	shalt  }
0x84: {  	_ =	shalt  }
0x85: {  	_ =	shalt  }
0x86: {  	_ =	shalt  }
0x87: {  	_ =	shalt  }
.Lfunc_end0:
.L_simem_size_0:
called_computation_lowered:
.L_overlay_start_0:
0x88: {  	s2 =	sld [smem:$0x3FD9]  }
0x89: {  	s3 =	sld [smem:$0x3FFE];
	_ =	sdelay $0x1  }
0x8a: {  	s1 =	srdreg.scid  }
0x8b: {  	s0 =	sand.u32 $0x1, s1  }
0x8c: {  	s17 =	sshll.u32 s0, $0xA;
	s2 =	sadd.s32 s3, s2  }
0x8d: {  	s2 =	sadd.s32 s2, s17  }
0x8e: {  	[smem:$0x3FC0] =	sst s2  }
0x8f: {  	_ = 	snop  }
0x90: {  	s2 =	sld [smem:$0x3FC7]  }
0x91: {  	s18 =	sld [smem:$0x3FD0];
	(tm) =	ssettm $0x1  }
0x92: {  	s4 =	sld [smem:$0x3FFB];
	_ =	sdelay $0x3  }
0x93: {  	_ =	strace s4  }
0x94: {  	s4 =	sld [smem:$0x3FFC];
	_ =	sdelay $0x3  }
0x95: {  	_ =	strace s4  }
0x96: {  	s4 =	sld [smem:$0x3FFD];
	_ =	sdelay $0x3  }
0x97: {  	_ =	strace s4  }
0x98: {  	_ =	strace $0x8FFFFFFF  }
0x99: {  	s19 =	sld [smem:$0x3FDB];
	_ =	sdelay $0x1  }
0x9a: {  	s5 =	simm.s32 $_scs_section_size  }
0x9b: {  	s6 =	simm.s32 $_size__tile_overlayer_lowered;
	s7 =	simm.s32 $_tile_overlayer_lowered  }
0x9c: {  	s22 =	simm.s32 $0x1BFF;
	s21 =	sshll.u32 s7, $0x1;
	s4 =	sadd.s32 s5, s19  }
0x9d: {  	s8 =	simm.s32 $0x0;
	s20 =	sshll.u32 s6, $0x1;
	s6 =	sadd.s32 s21, s4  }
0x9e: {  	[timem:s8], [sflag:s22] =	dma.local [hbm:s6], s20  }
0x9f: {  	_ =	swait.ge [sflag:s22], s20  }
0xa0: {  	s5 =	ssub.s32 $0x0, s20;
	[sflag:s22] =	ssyncset.done $0x0  }
0xa1: {  	[sflag:s22] =	ssyncadd.s32 s5;
	_ =	sdelay $0x1  }
0xa2: {  	s23 =	simm.s32 $0x1B8B  }
0xa3: {  	_ =	swait.ge [sflag:s23], $0x1  }
0xa4: {  	[sflag:s23] =	ssyncset.done $0x0  }
0xa5: {  	s25 =	simm.s32 $0x1B8E;
	s24 =	sld [smem:$0x3FFE];
	[sflag:s23] =	ssyncadd.s32 $0xFFFFFFFF  }
0xa6: {  	s26 =	simm.s32 $execute0_lowered;
	[smem:$0x3FD2] =	sst s25  }
0xa7: {  	s6 =	sshll.u32 s26, $0x1;
	_ =	strace $0x80000046;
	[dreg:$0x1] =	wrdreg $0xFFFFFFFF  }
0xa8: {  	s28 =	simm.s32 $_size_execute0_lowered;
	s4 =	sadd.s32 s4, s6;
	[dreg:$0x0] =	wrdreg $0x0  }
0xa9: {  	s6 =	sshll.u32 s28, $0x1;
	[dreg:$0x2] =	wrdreg s4  }
0xaa: {  	[dreg:$0x3] =	wrdreg s6  }
0xab: {  	[dreg:$0x4] =	wrdreg $0xC0  }
0xac: {  	_ =	task [dreg:s8], $0x5FFFF  }
0xad: {  	[dreg:$0x1] =	wrdreg $0xFFFFFFFF  }
0xae: {  	[dreg:$0x0] =	wrdreg $0x60  }
0xaf: {  	[dreg:$0x2] =	wrdreg s18  }
0xb0: {  	[dreg:$0x3] =	wrdreg s24  }
0xb1: {  	[dreg:$0x4] =	wrdreg s2  }
0xb2: {  	[dreg:$0x5] =	wrdreg $0x0  }
0xb3: {  	[dreg:$0x6] =	wrdreg $0x9  }
0xb4: {  	_ =	task.clear_ibuf [dreg:s8], $0x7FFFF;
	_ =	strace $0x90000046  }
0xb5: {  	s29 =	simm.s32 $0x9;
	_ =	strace $0x80000048  }
0xb6: {  	_ =	swait.ge [sflag:s29], $0x1  }
0xb7: {  	[sflag:s29] =	ssyncadd.s32 $0xFFFFFFFF  }
0xb8: {  	_ =	strace $0x90000048  }
0xb9: {  	_ =	sfence  }
0xba: {  	s30 =	sld [smem:$0x0];
	_ =	sdelay $0x2  }
0xbb: {  	s31 =	sshll.u32 s1, $0xD;
	s1 =	sshrl.u32 s1, $0x2  }
0xbc: {  	s3 =	sand.u32 $0x4000, s31;
	s1 =	sadd.s32 s1, s30  }
0xbd: {  	s0 =	sor.u32 s3, s0;
	s1 =	sshll.u32 s1, $0x11  }
0xbe: {  	s0 =	sor.u32 s1, s0  }
0xbf: {  	s0 =	sadd.s32 $0x8F2B, s0  }
0xc0: {  	[sflag:s0] =	ssyncadd.remote.s32 $0x1  }
0xc1: {  	_ =	sfence.sel $0xFFFF  }
0xc2: {  	[dreg:$0x0] =	wrdreg $0xFFFFFFFF;
	(pc) =	sbr.abs _section_cstart, $3  }
0xc3: {  	[dreg:$0x1] =	wrdreg $0xFFFFFFFF  }
0xc4: {  	_ =	task.clear_ibuf [dreg:s8], $0x2FFFF;
	_ =	strace $0x9FFFFFFF  }
0xc5: {  	(tm) =	ssettm $0x7FFFFFFF  }
tec
execute0_lowered:
.L_overlay_start_1:
0x0: {  	(tag) =	ssettag $0x1  }
0x1: {  	s1 =	rddreg [dreg:$0x0]  }
0x2: {  	s4 =	rddreg [dreg:$0x1]  }
0x3: {  	s2 =	rddreg [dreg:$0x2]  }
0x4: {  	s3 =	rddreg [dreg:$0x3];
	s0 =	srdreg.scid  }
0x5: {  	s5 =	simm.s32 $0x0;
	s14 =	stileid.u32;
	s31 =	simm.s32 $0x1  }
0x6: {  	s30 =	simm.s32 $0x3;
	s28 =	simm.s32 $0x8;
	s29 =	simm.s32 $0xB  }
0x7: {  	s8 =	sand.u32 $0x1, s0;
	[smem:$0x7FF] =	sst s5;
	s21 =	smul.u32 $0x13C00, s14  }
0x8: {  	s6 =	sadd.s32 $0x5A00, s4;
	s7 =	sadd.s32 $0xA00, s4;
	s22 =	smul.u32 $0x4F000, s14  }
0x9: {  	s9 =	sadd.s32 $0xF800, s4;
	s24 =	sshll.u32 s14, $0x6;
	s26 =	smul.u32 $0x271000, s14  }
0xa: {  	s0 =	smul.u32 $0x13C000, s8;
	_ =	strace $0x80000047;
	[dreg:$0x5] =	wrdreg s9  }
0xb: {  	s11 =	ssub.s32 $0x2, s8;
	s9 =	smul.u32 $0x27100, s8;
	s18 =	sor.u32 $0x1C0D, s24  }
0xc: {  	s12 =	sshrl.u32 s11, $0x1;
	s13 =	sshrl.u32 s22, $0x2;
	[dreg:$0x7] =	wrdreg s18  }
0xd: {  	s0 =	sadd.s32 s21, s0;
	s5 =	ssub.s32 s11, s12;
	s23 =	sadd.s32 s13, s3  }
0xe: {  	s12 =	sshll.u32 s8, $0xA;
	s10 =	sshrl.u32 s0, $0x3;
	s0 =	smul.u32 $0x2710, s14  }
0xf: {  	[dreg:$0x6] =	wrdreg s23;
	s16 =	sor.u32 s12, s26;
	s4 =	sadd.s32 s10, s4  }
0x10: {  	s8 =	sshrl.u32 s16, $0x3;
	s25 =	sadd.s32 s0, s9;
	s17 =	sadd.s32 $0x28, s0  }
0x11: {  	s19 =	sshrl.u32 s0, $0x3;
	s8 =	sadd.s32 s2, s8;
	s23 =	sadd.s32 $0x50, s0  }
0x12: {  	s14 =	sshrl.u32 s25, $0x3;
	s20 =	sadd.s32 s9, s17;
	s11 =	sadd.s32 s7, s19  }
0x13: {  	[dreg:$0xa] =	wrdreg s8;
	s22 =	sshll.u32 s17, $0x8;
	s10 =	sshrl.u32 s17, $0x3  }
0x14: {  	s24 =	sadd.s32 s9, s23;
	s13 =	sshrl.u32 s23, $0x3;
	s15 =	sadd.s32 s6, s14  }
0x15: {  	[dreg:$0x9] =	wrdreg s11;
	s21 =	sshrl.u32 s20, $0x3;
	s10 =	sadd.s32 s7, s10  }
0x16: {  	s25 =	sshrl.u32 s24, $0x3;
	s14 =	sadd.s32 $0x78, s0;
	s20 =	sadd.s32 $0xA0, s0  }
0x17: {  	s24 =	sadd.s32 $0xC8, s0;
	[dreg:$0x8] =	wrdreg s15;
	s8 =	sadd.s32 s6, s21  }
0x18: {  	[dreg:$0xc] =	wrdreg s10;
	s26 =	sadd.s32 s6, s25;
	s10 =	sshll.u32 s23, $0x8  }
0x19: {  	s15 =	sadd.s32 s9, s14;
	s17 =	sshll.u32 s14, $0x8;
	s11 =	sshrl.u32 s14, $0x3  }
0x1a: {  	s21 =	sadd.s32 s9, s20;
	s23 =	sshll.u32 s20, $0x8;
	s25 =	sadd.s32 s9, s24  }
0x1b: {  	s14 =	sshll.u32 s24, $0x8;
	[dreg:$0xb] =	wrdreg s8;
	s8 =	sor.u32 s12, s22  }
0x1c: {  	[dreg:$0xe] =	wrdreg s26;
	s16 =	sshrl.u32 s15, $0x3;
	s19 =	sor.u32 s12, s17  }
0x1d: {  	s11 =	sadd.s32 s7, s11;
	s22 =	sshrl.u32 s21, $0x3;
	s26 =	sshrl.u32 s25, $0x3  }
0x1e: {  	s15 =	sshrl.u32 s24, $0x3;
	s24 =	sadd.s32 $0x168, s0;
	[dreg:$0x12] =	wrdreg s11  }
0x1f: {  	s25 =	sadd.s32 $0x12000, s4;
	s8 =	sshrl.u32 s8, $0x3;
	[dreg:$0x1f] =	wrdreg s24  }
0x20: {  	s4 =	simm.s32 $0x0;
	[smem:$0x7FC] =	sst s25;
	s8 =	sadd.s32 s2, s8  }
0x21: {  	s25 =	simm.s32 $0x13C80;
	s24 =	simm.s32 $0x13C00;
	[dreg:$0xd] =	wrdreg s8  }
0x22: {  	s8 =	sor.u32 s12, s10;
	s10 =	sadd.s32 s7, s13;
	s13 =	sadd.s32 s6, s26  }
0x23: {  	s26 =	smax.u32 s5, $0x1;
	s5 =	simm.s32 $0x4;
	[dreg:$0xf] =	wrdreg s10  }
0x24: {  	s8 =	sshrl.u32 s8, $0x3;
	s10 =	sshrl.u32 s20, $0x3;
	[dreg:$0x17] =	wrdreg s13  }
0x25: {  	[smem:$0x7FD] =	sst s26;
	s26 =	simm.s32 $0x6;
	s8 =	sadd.s32 s2, s8  }
0x26: {  	s13 =	simm.s32 $0x7;
	s10 =	sadd.s32 s7, s10;
	[dreg:$0x10] =	wrdreg s8  }
0x27: {  	s8 =	sadd.s32 s6, s16;
	[dreg:$0x15] =	wrdreg s10;
	s16 =	sadd.s32 $0xF0, s0  }
0x28: {  	s10 =	sadd.s32 s7, s15;
	s15 =	simm.s32 $0x9;
	[dreg:$0x11] =	wrdreg s8  }
0x29: {  	s8 =	sshrl.u32 s19, $0x3;
	[dreg:$0x18] =	wrdreg s10;
	s17 =	sshll.u32 s16, $0x8  }
0x2a: {  	s20 =	sadd.s32 s9, s16;
	s11 =	sshrl.u32 s16, $0x3;
	s16 =	simm.s32 $0x15400  }
0x2b: {  	s8 =	sadd.s32 s2, s8;
	s19 =	sor.u32 s12, s17;
	s10 =	sshrl.u32 s20, $0x3  }
0x2c: {  	s21 =	sadd.s32 s7, s11;
	s17 =	simm.s32 $0x5;
	[dreg:$0x13] =	wrdreg s8  }
0x2d: {  	s11 =	simm.s32 $0xC;
	s8 =	sadd.s32 s6, s22;
	[dreg:$0x1b] =	wrdreg s21  }
0x2e: {  	s10 =	sadd.s32 s6, s10;
	[dreg:$0x14] =	wrdreg s8;
	s8 =	sor.u32 s12, s23  }
0x2f: {  	s22 =	sadd.s32 $0x118, s0;
	[dreg:$0x1a] =	wrdreg s10;
	s8 =	sshrl.u32 s8, $0x3  }
0x30: {  	s21 =	simm.s32 $0x400;
	[dreg:$0x1d] =	wrdreg s22;
	s8 =	sadd.s32 s2, s8  }
0x31: {  	s23 =	sadd.s32 $0x140, s0;
	[dreg:$0x16] =	wrdreg s8;
	s8 =	sor.u32 s12, s14  }
0x32: {  	s0 =	sadd.s32 $0x190, s0;
	[dreg:$0x1e] =	wrdreg s23;
	s8 =	sshrl.u32 s8, $0x3  }
0x33: {  	s22 =	simm.s32 $0x800;
	[smem:$0x7FB] =	sst s0;
	s8 =	sadd.s32 s2, s8  }
0x34: {  	s23 =	simm.s32 $0x13E80;
	[dreg:$0x19] =	wrdreg s8;
	s8 =	sshrl.u32 s19, $0x3  }
0x35: {  	s0 =	simm.s32 $0x28;
	s14 =	simm.s32 $0xA;
	s8 =	sadd.s32 s2, s8  }
0x36: {  	s19 =	simm.s32 $0xD;
	[dreg:$0x1c] =	wrdreg s8;
	s8 =	simm.s32 $0x2  }
.LBB2_1:
0x37: {  	[smem:$0x7F9] =	sst s4  }
0x38: {  	s10 =	rddreg [dreg:$0x6]  }
0x39: {  	s20 =	rddreg [dreg:$0x5];
	s10 =	sshrl.u32 s10, $0x3  }
0x3a: {  	[smem:$0x7FA] =	sst s10  }
0x3b: {  	[spmem:s10], [sflag:s18] =	dma.local [hbm:s20], $0x2780  }
0x3c: {  	_ =	swait.ge [sflag:s19], $0x2780  }
0x3d: {  	[sflag:s19] =	ssyncset.done $0x0  }
0x3e: {  	[sflag:s19] =	ssyncadd.s32 $0xFFFFD880  }
0x3f: {  	[bflag:$0x0] =	sbarrier.arrive $0xFFFF  }
0x40: {  	s10 =	simm.s32 $0x0;
	s19 =	simm.s32 $0x13C00;
	s20 =	rddreg [dreg:$0x8]  }
0x41: {  	[tilespmem:s19], [sflag:$0x1] =	stream.linear.gather [hbm4b:s20+s10], $0x28, $0x38;
	[tilespmem:$0x1E000] =	vst v63  }
0x42: {  	s4 =	rddreg [dreg:$0x9];
	s20 =	simm.s32 $0x13E00  }
0x43: {  	[tilespmem:s20], [sflag:$0x1] =	stream.linear.gather [hbm4b:s4+s10], $0x28, $0x38;
	[tilespmem:$0x1E000] =	vst v63  }
0x44: {  	s20 =	rddreg [dreg:$0xa];
	s4 =	simm.s32 $0x19000  }
0x45: {  	[tilespmem:s4], [sflag:$0x5] =	stream.strided.gather [hbm4b:s20+s21], $0x1400, s22, s21, $0x38;
	[tilespmem:$0x1E000] =	vst v63  }
0x46: {  	s4 =	rddreg [dreg:$0xb]  }
0x47: {  	[tilespmem:s25], [sflag:$0x2] =	stream.linear.gather [hbm4b:s4+s10], $0x28, $0x38;
	[tilespmem:$0x1E000] =	vst v63  }
0x48: {  	s20 =	rddreg [dreg:$0xc]  }
0x49: {  	[tilespmem:s23], [sflag:$0x2] =	stream.linear.gather [hbm4b:s20+s10], $0x28, $0x38;
	[tilespmem:$0x1E000] =	vst v63  }
0x4a: {  	s4 =	rddreg [dreg:$0xd];
	s20 =	simm.s32 $0x1A400  }
0x4b: {  	[tilespmem:s20], [sflag:$0x6] =	stream.strided.gather [hbm4b:s4+s21], $0x1400, s22, s21, $0x38;
	[tilespmem:$0x1E000] =	vst v63  }
0x4c: {  	s4 =	rddreg [dreg:$0xe];
	s20 =	simm.s32 $0x13D00  }
0x4d: {  	[tilespmem:s20], [sflag:$0x3] =	stream.linear.gather [hbm4b:s4+s10], $0x28, $0x38;
	[tilespmem:$0x1E000] =	vst v63  }
0x4e: {  	s4 =	rddreg [dreg:$0xf];
	s20 =	simm.s32 $0x13F00  }
0x4f: {  	[tilespmem:s20], [sflag:$0x3] =	stream.linear.gather [hbm4b:s4+s10], $0x28, $0x38;
	[tilespmem:$0x1E000] =	vst v63  }
0x50: {  	s18 =	simm.s32 $0x1B800;
	s4 =	rddreg [dreg:$0x10]  }
0x51: {  	[tilespmem:s18], [sflag:$0x7] =	stream.strided.gather [hbm4b:s4+s21], $0x1400, s22, s21, $0x38;
	[tilespmem:$0x1E000] =	vst v63  }
0x52: {  	_ =	swait.ge [sflag:s31], $0x28  }
0x53: {  	[sflag:s31] =	ssyncset.done $0x0  }
0x54: {  	[sflag:s31] =	ssyncadd.s32 $0xFFFFFFD8  }
0x55: {  	_ =	swait.ge [sflag:s31], $0x28  }
0x56: {  	[sflag:s31] =	ssyncset.done $0x0  }
0x57: {  	s20 =	simm.s32 $0x14000;
	[sflag:s31] =	ssyncadd.s32 $0xFFFFFFD8  }
0x58: {  	[tilespmem:s20], [sflag:$0x5] =	stream.indirect.gather [hbm4b:s1+s0], $0x80, s19, s0, $0xb8;
	[tilespmem:$0x1E000] =	vst v63  }
0x59: {  	_ =	swait.ge [sflag:s8], $0x28  }
0x5a: {  	[sflag:s8] =	ssyncset.done $0x0  }
0x5b: {  	[sflag:s8] =	ssyncadd.s32 $0xFFFFFFD8  }
0x5c: {  	_ =	swait.ge [sflag:s8], $0x28  }
0x5d: {  	[sflag:s8] =	ssyncset.done $0x0  }
0x5e: {  	[sflag:s8] =	ssyncadd.s32 $0xFFFFFFD8  }
0x5f: {  	[tilespmem:s16], [sflag:$0x6] =	stream.indirect.gather [hbm4b:s1+s0], $0x80, s25, s0, $0xb8;
	[tilespmem:$0x1E000] =	vst v63  }
0x60: {  	_ =	swait.ge [sflag:s17], $0x1400  }
0x61: {  	[sflag:s17] =	ssyncset.done $0x0  }
0x62: {  	[sflag:s17] =	ssyncadd.s32 $0xFFFFEC00  }
0x63: {  	_ =	swait.ge [sflag:s17], $0x1400  }
0x64: {  	[sflag:s17] =	ssyncset.done $0x0  }
0x65: {  	s18 =	simm.s32 $0x0;
	[sflag:s17] =	ssyncadd.s32 $0xFFFFEC00  }
0x66: {  	v6 =	vld [tilespmem:s18+$0x19000]  }
0x67: {  	v11 =	vld [tilespmem:s18+$0x19010]  }
0x68: {  	v5 =	vld [tilespmem:s18+$0x19020]  }
0x69: {  	v4 =	vld [tilespmem:s18+$0x19030]  }
0x6a: {  	v3 =	vld [tilespmem:s18+$0x19040]  }
0x6b: {  	v2 =	vld [tilespmem:s18+$0x19050]  }
0x6c: {  	v1 =	vld [tilespmem:s18+$0x19060]  }
0x6d: {  	v0 =	vld [tilespmem:s18+$0x19070]  }
0x6e: {  	v12 =	vld [tilespmem:s18+$0x14000]  }
0x6f: {  	v13 =	vld [tilespmem:s18+$0x14010]  }
0x70: {  	v10 =	vld [tilespmem:s18+$0x14020]  }
0x71: {  	v9 =	vld [tilespmem:s18+$0x14030]  }
0x72: {  	v8 =	vld [tilespmem:s18+$0x14040]  }
0x73: {  	v7 =	vld [tilespmem:s18+$0x14050];
	v12 =	vadd.f32 v6, v12  }
0x74: {  	s10 =	simm.s32 $0x200;
	v11 =	vadd.f32 v11, v13;
	v6 =	vld [tilespmem:s18+$0x14060]  }
.LBB2_2:
0x75: {  	s19 =	sshra.s32 s10, $0x2;
	p0 =	sne.s32 s10, $0x4E00;
	v12 =	vmax.f32 v12, $0.0e+00;
	v5 =	vadd.f32 v5, v10;
	v10 =	vld [tilespmem:s18+$0x14070]  }
0x76: {  	v13 =	vld [tilespmem:s19+$0x19000];
	[tilespmem:s18+$0x14000] =	vst v12;
	v11 =	vmax.f32 v11, $0.0e+00;
	v4 =	vadd.f32 v4, v9  }
0x77: {  	v14 =	vld [tilespmem:s19+$0x19010];
	[tilespmem:s18+$0x14010] =	vst v11;
	v9 =	vmax.f32 v5, $0.0e+00;
	v3 =	vadd.f32 v3, v8  }
0x78: {  	v5 =	vld [tilespmem:s19+$0x19020];
	[tilespmem:s18+$0x14020] =	vst v9;
	v8 =	vmax.f32 v4, $0.0e+00;
	v2 =	vadd.f32 v2, v7  }
0x79: {  	v4 =	vld [tilespmem:s19+$0x19030];
	[tilespmem:s18+$0x14030] =	vst v8;
	v7 =	vmax.f32 v3, $0.0e+00;
	v1 =	vadd.f32 v1, v6  }
0x7a: {  	v3 =	vld [tilespmem:s19+$0x19040];
	[tilespmem:s18+$0x14040] =	vst v7;
	v6 =	vmax.f32 v2, $0.0e+00;
	v0 =	vadd.f32 v0, v10  }
0x7b: {  	v2 =	vld [tilespmem:s19+$0x19050];
	[tilespmem:s18+$0x14050] =	vst v6;
	v6 =	vmax.f32 v1, $0.0e+00  }
0x7c: {  	v1 =	vld [tilespmem:s19+$0x19060];
	[tilespmem:s18+$0x14060] =	vst v6;
	v6 =	vmax.f32 v0, $0.0e+00  }
0x7d: {  	v0 =	vld [tilespmem:s19+$0x19070];
	[tilespmem:s18+$0x14070] =	vst v6;
	s18 =	smov.u32 s19  }
0x7e: {  	v6 =	vld [tilespmem:s18+$0x14000]  }
0x7f: {  	v11 =	vld [tilespmem:s18+$0x14010]  }
.Ltmp0:
0x80: {  	v10 =	vld [tilespmem:s18+$0x14020];
	(pc) =	sbr.rel @p0 .LBB2_2-.Ltmp0, $4  }
0x81: {  	v9 =	vld [tilespmem:s18+$0x14030]  }
0x82: {  	v8 =	vld [tilespmem:s18+$0x14040]  }
0x83: {  	v12 =	vadd.f32 v13, v6;
	v7 =	vld [tilespmem:s18+$0x14050]  }
0x84: {  	s10 =	sadd.s32 $0x200, s10;
	v11 =	vadd.f32 v14, v11;
	v6 =	vld [tilespmem:s18+$0x14060]  }
0x85: {  	v12 =	vmax.f32 v12, $0.0e+00;
	v5 =	vadd.f32 v5, v10;
	v10 =	vld [tilespmem:s18+$0x14070]  }
0x86: {  	[tilespmem:s18+$0x14000] =	vst v12;
	v11 =	vmax.f32 v11, $0.0e+00;
	v4 =	vadd.f32 v4, v9  }
0x87: {  	[tilespmem:s18+$0x14010] =	vst v11;
	v5 =	vmax.f32 v5, $0.0e+00;
	v3 =	vadd.f32 v3, v8  }
0x88: {  	[tilespmem:s18+$0x14020] =	vst v5;
	v4 =	vmax.f32 v4, $0.0e+00;
	v2 =	vadd.f32 v2, v7  }
0x89: {  	[tilespmem:s18+$0x14030] =	vst v4;
	v3 =	vmax.f32 v3, $0.0e+00;
	v1 =	vadd.f32 v1, v6  }
0x8a: {  	[tilespmem:s18+$0x14040] =	vst v3;
	v2 =	vmax.f32 v2, $0.0e+00;
	v0 =	vadd.f32 v0, v10  }
0x8b: {  	[tilespmem:s18+$0x14050] =	vst v2;
	v1 =	vmax.f32 v1, $0.0e+00  }
0x8c: {  	[tilespmem:s18+$0x14060] =	vst v1;
	v0 =	vmax.f32 v0, $0.0e+00  }
0x8d: {  	s10 =	simm.s32 $0x13E00;
	s4 =	simm.s32 $0x14000;
	[tilespmem:s18+$0x14070] =	vst v0  }
0x8e: {  	[spmem:s3] =	stream.indirect.scatter.add.f32 [tilespmem:s4], [sflag:$0x9], $0x80, s10, s0, $0xb8;
	[tilespmem:$0x1E000] =	vst v63  }
0x8f: {  	s19 =	rddreg [dreg:$0x11];
	s20 =	simm.s32 $0x13D80;
	s10 =	simm.s32 $0x0  }
0x90: {  	[tilespmem:s20], [sflag:$0x4] =	stream.linear.gather [hbm4b:s19+s10], $0x28, $0x38;
	[tilespmem:$0x1E000] =	vst v63  }
0x91: {  	s19 =	rddreg [dreg:$0x12];
	s20 =	simm.s32 $0x13F80  }
0x92: {  	[tilespmem:s20], [sflag:$0x4] =	stream.linear.gather [hbm4b:s19+s10], $0x28, $0x38;
	[tilespmem:$0x1E000] =	vst v63  }
0x93: {  	s18 =	simm.s32 $0x1CC00;
	s4 =	rddreg [dreg:$0x13]  }
0x94: {  	[tilespmem:s18], [sflag:$0x8] =	stream.strided.gather [hbm4b:s4+s21], $0x1400, s22, s21, $0x38;
	[tilespmem:$0x1E000] =	vst v63  }
0x95: {  	_ =	swait.ge [sflag:s30], $0x28  }
0x96: {  	[sflag:s30] =	ssyncset.done $0x0  }
0x97: {  	[sflag:s30] =	ssyncadd.s32 $0xFFFFFFD8  }
0x98: {  	_ =	swait.ge [sflag:s30], $0x28  }
0x99: {  	[sflag:s30] =	ssyncset.done $0x0  }
0x9a: {  	s19 =	simm.s32 $0x13D00;
	s20 =	simm.s32 $0x16800;
	[sflag:s30] =	ssyncadd.s32 $0xFFFFFFD8  }
0x9b: {  	[tilespmem:s20], [sflag:$0x7] =	stream.indirect.gather [hbm4b:s1+s0], $0x80, s19, s0, $0xb8;
	[tilespmem:$0x1E000] =	vst v63  }
0x9c: {  	_ =	swait.ge [sflag:s26], $0x1400  }
0x9d: {  	[sflag:s26] =	ssyncset.done $0x0  }
0x9e: {  	[sflag:s26] =	ssyncadd.s32 $0xFFFFEC00  }
0x9f: {  	_ =	swait.ge [sflag:s26], $0x1400  }
0xa0: {  	[sflag:s26] =	ssyncset.done $0x0  }
0xa1: {  	s18 =	simm.s32 $0x0;
	[sflag:s26] =	ssyncadd.s32 $0xFFFFEC00  }
0xa2: {  	v6 =	vld [tilespmem:s18+$0x1A400]  }
0xa3: {  	v11 =	vld [tilespmem:s18+$0x1A410]  }
0xa4: {  	v5 =	vld [tilespmem:s18+$0x1A420]  }
0xa5: {  	v4 =	vld [tilespmem:s18+$0x1A430]  }
0xa6: {  	v3 =	vld [tilespmem:s18+$0x1A440]  }
0xa7: {  	v2 =	vld [tilespmem:s18+$0x1A450]  }
0xa8: {  	v1 =	vld [tilespmem:s18+$0x1A460]  }
0xa9: {  	v0 =	vld [tilespmem:s18+$0x1A470]  }
0xaa: {  	v12 =	vld [tilespmem:s18+$0x15400]  }
0xab: {  	v13 =	vld [tilespmem:s18+$0x15410]  }
0xac: {  	v10 =	vld [tilespmem:s18+$0x15420]  }
0xad: {  	v9 =	vld [tilespmem:s18+$0x15430]  }
0xae: {  	v8 =	vld [tilespmem:s18+$0x15440]  }
0xaf: {  	v7 =	vld [tilespmem:s18+$0x15450];
	v12 =	vadd.f32 v6, v12  }
0xb0: {  	s10 =	simm.s32 $0x200;
	v11 =	vadd.f32 v11, v13;
	v6 =	vld [tilespmem:s18+$0x15460]  }
.LBB2_4:
0xb1: {  	s19 =	sshra.s32 s10, $0x2;
	p0 =	sne.s32 s10, $0x4E00;
	v12 =	vmax.f32 v12, $0.0e+00;
	v5 =	vadd.f32 v5, v10;
	v10 =	vld [tilespmem:s18+$0x15470]  }
0xb2: {  	v13 =	vld [tilespmem:s19+$0x1A400];
	[tilespmem:s18+$0x15400] =	vst v12;
	v11 =	vmax.f32 v11, $0.0e+00;
	v4 =	vadd.f32 v4, v9  }
0xb3: {  	v14 =	vld [tilespmem:s19+$0x1A410];
	[tilespmem:s18+$0x15410] =	vst v11;
	v9 =	vmax.f32 v5, $0.0e+00;
	v3 =	vadd.f32 v3, v8  }
0xb4: {  	v5 =	vld [tilespmem:s19+$0x1A420];
	[tilespmem:s18+$0x15420] =	vst v9;
	v8 =	vmax.f32 v4, $0.0e+00;
	v2 =	vadd.f32 v2, v7  }
0xb5: {  	v4 =	vld [tilespmem:s19+$0x1A430];
	[tilespmem:s18+$0x15430] =	vst v8;
	v7 =	vmax.f32 v3, $0.0e+00;
	v1 =	vadd.f32 v1, v6  }
0xb6: {  	v3 =	vld [tilespmem:s19+$0x1A440];
	[tilespmem:s18+$0x15440] =	vst v7;
	v6 =	vmax.f32 v2, $0.0e+00;
	v0 =	vadd.f32 v0, v10  }
0xb7: {  	v2 =	vld [tilespmem:s19+$0x1A450];
	[tilespmem:s18+$0x15450] =	vst v6;
	v6 =	vmax.f32 v1, $0.0e+00  }
0xb8: {  	v1 =	vld [tilespmem:s19+$0x1A460];
	[tilespmem:s18+$0x15460] =	vst v6;
	v6 =	vmax.f32 v0, $0.0e+00  }
0xb9: {  	v0 =	vld [tilespmem:s19+$0x1A470];
	[tilespmem:s18+$0x15470] =	vst v6;
	s18 =	smov.u32 s19  }
0xba: {  	v6 =	vld [tilespmem:s18+$0x15400]  }
0xbb: {  	v11 =	vld [tilespmem:s18+$0x15410]  }
.Ltmp1:
0xbc: {  	v10 =	vld [tilespmem:s18+$0x15420];
	(pc) =	sbr.rel @p0 .LBB2_4-.Ltmp1, $4  }
0xbd: {  	v9 =	vld [tilespmem:s18+$0x15430]  }
0xbe: {  	v8 =	vld [tilespmem:s18+$0x15440]  }
0xbf: {  	v12 =	vadd.f32 v13, v6;
	v7 =	vld [tilespmem:s18+$0x15450]  }
0xc0: {  	s10 =	sadd.s32 $0x200, s10;
	v11 =	vadd.f32 v14, v11;
	v6 =	vld [tilespmem:s18+$0x15460]  }
0xc1: {  	v12 =	vmax.f32 v12, $0.0e+00;
	v5 =	vadd.f32 v5, v10;
	v10 =	vld [tilespmem:s18+$0x15470]  }
0xc2: {  	[tilespmem:s18+$0x15400] =	vst v12;
	v11 =	vmax.f32 v11, $0.0e+00;
	v4 =	vadd.f32 v4, v9  }
0xc3: {  	[tilespmem:s18+$0x15410] =	vst v11;
	v5 =	vmax.f32 v5, $0.0e+00;
	v3 =	vadd.f32 v3, v8  }
0xc4: {  	[tilespmem:s18+$0x15420] =	vst v5;
	v4 =	vmax.f32 v4, $0.0e+00;
	v2 =	vadd.f32 v2, v7  }
0xc5: {  	[tilespmem:s18+$0x15430] =	vst v4;
	v3 =	vmax.f32 v3, $0.0e+00;
	v1 =	vadd.f32 v1, v6  }
0xc6: {  	[tilespmem:s18+$0x15440] =	vst v3;
	v2 =	vmax.f32 v2, $0.0e+00;
	v0 =	vadd.f32 v0, v10  }
0xc7: {  	[tilespmem:s18+$0x15450] =	vst v2;
	v1 =	vmax.f32 v1, $0.0e+00  }
0xc8: {  	[tilespmem:s18+$0x15460] =	vst v1;
	v0 =	vmax.f32 v0, $0.0e+00  }
0xc9: {  	[tilespmem:s18+$0x15470] =	vst v0  }
0xca: {  	[spmem:s3] =	stream.indirect.scatter.add.f32 [tilespmem:s16], [sflag:$0xA], $0x80, s23, s0, $0xb8;
	[tilespmem:$0x1E000] =	vst v63  }
0xcb: {  	_ =	swait.ge [sflag:s15], $0x1400  }
0xcc: {  	[sflag:s15] =	ssyncset.done $0x0  }
0xcd: {  	s10 =	simm.s32 $0x0;
	s20 =	rddreg [dreg:$0x14];
	[sflag:s15] =	ssyncadd.s32 $0xFFFFEC00  }
0xce: {  	[tilespmem:s24], [sflag:$0x1] =	stream.linear.gather [hbm4b:s20+s10], $0x28, $0x38;
	[tilespmem:$0x1E000] =	vst v63  }
0xcf: {  	s19 =	simm.s32 $0x13E00;
	s4 =	rddreg [dreg:$0x15]  }
0xd0: {  	[tilespmem:s19], [sflag:$0x1] =	stream.linear.gather [hbm4b:s4+s10], $0x28, $0x38;
	[tilespmem:$0x1E000] =	vst v63  }
0xd1: {  	s18 =	rddreg [dreg:$0x16];
	s19 =	simm.s32 $0x19000  }
0xd2: {  	[tilespmem:s19], [sflag:$0x5] =	stream.strided.gather [hbm4b:s18+s21], $0x1400, s22, s21, $0x38;
	[tilespmem:$0x1E000] =	vst v63  }
0xd3: {  	_ =	swait.ge [sflag:s5], $0x28  }
0xd4: {  	[sflag:s5] =	ssyncset.done $0x0  }
0xd5: {  	[sflag:s5] =	ssyncadd.s32 $0xFFFFFFD8  }
0xd6: {  	_ =	swait.ge [sflag:s5], $0x28  }
0xd7: {  	[sflag:s5] =	ssyncset.done $0x0  }
0xd8: {  	s20 =	simm.s32 $0x17C00;
	s4 =	simm.s32 $0x13D80;
	[sflag:s5] =	ssyncadd.s32 $0xFFFFFFD8  }
0xd9: {  	[tilespmem:s20], [sflag:$0x8] =	stream.indirect.gather [hbm4b:s1+s0], $0x80, s4, s0, $0xb8;
	[tilespmem:$0x1E000] =	vst v63  }
0xda: {  	_ =	swait.ge [sflag:s13], $0x1400  }
0xdb: {  	[sflag:s13] =	ssyncset.done $0x0  }
0xdc: {  	[sflag:s13] =	ssyncadd.s32 $0xFFFFEC00  }
0xdd: {  	_ =	swait.ge [sflag:s13], $0x1400  }
0xde: {  	[sflag:s13] =	ssyncset.done $0x0  }
0xdf: {  	s18 =	simm.s32 $0x0;
	[sflag:s13] =	ssyncadd.s32 $0xFFFFEC00  }
0xe0: {  	v6 =	vld [tilespmem:s18+$0x1B800]  }
0xe1: {  	v11 =	vld [tilespmem:s18+$0x1B810]  }
0xe2: {  	v5 =	vld [tilespmem:s18+$0x1B820]  }
0xe3: {  	v4 =	vld [tilespmem:s18+$0x1B830]  }
0xe4: {  	v3 =	vld [tilespmem:s18+$0x1B840]  }
0xe5: {  	v2 =	vld [tilespmem:s18+$0x1B850]  }
0xe6: {  	v1 =	vld [tilespmem:s18+$0x1B860]  }
0xe7: {  	v0 =	vld [tilespmem:s18+$0x1B870]  }
0xe8: {  	v12 =	vld [tilespmem:s18+$0x16800]  }
0xe9: {  	v13 =	vld [tilespmem:s18+$0x16810]  }
0xea: {  	v10 =	vld [tilespmem:s18+$0x16820]  }
0xeb: {  	v9 =	vld [tilespmem:s18+$0x16830]  }
0xec: {  	v8 =	vld [tilespmem:s18+$0x16840]  }
0xed: {  	v7 =	vld [tilespmem:s18+$0x16850];
	v12 =	vadd.f32 v6, v12  }
0xee: {  	s10 =	simm.s32 $0x200;
	v11 =	vadd.f32 v11, v13;
	v6 =	vld [tilespmem:s18+$0x16860]  }
.LBB2_6:
0xef: {  	s19 =	sshra.s32 s10, $0x2;
	p0 =	sne.s32 s10, $0x4E00;
	v12 =	vmax.f32 v12, $0.0e+00;
	v5 =	vadd.f32 v5, v10;
	v10 =	vld [tilespmem:s18+$0x16870]  }
0xf0: {  	v13 =	vld [tilespmem:s19+$0x1B800];
	[tilespmem:s18+$0x16800] =	vst v12;
	v11 =	vmax.f32 v11, $0.0e+00;
	v4 =	vadd.f32 v4, v9  }
0xf1: {  	v14 =	vld [tilespmem:s19+$0x1B810];
	[tilespmem:s18+$0x16810] =	vst v11;
	v9 =	vmax.f32 v5, $0.0e+00;
	v3 =	vadd.f32 v3, v8  }
0xf2: {  	v5 =	vld [tilespmem:s19+$0x1B820];
	[tilespmem:s18+$0x16820] =	vst v9;
	v8 =	vmax.f32 v4, $0.0e+00;
	v2 =	vadd.f32 v2, v7  }
0xf3: {  	v4 =	vld [tilespmem:s19+$0x1B830];
	[tilespmem:s18+$0x16830] =	vst v8;
	v7 =	vmax.f32 v3, $0.0e+00;
	v1 =	vadd.f32 v1, v6  }
0xf4: {  	v3 =	vld [tilespmem:s19+$0x1B840];
	[tilespmem:s18+$0x16840] =	vst v7;
	v6 =	vmax.f32 v2, $0.0e+00;
	v0 =	vadd.f32 v0, v10  }
0xf5: {  	v2 =	vld [tilespmem:s19+$0x1B850];
	[tilespmem:s18+$0x16850] =	vst v6;
	v6 =	vmax.f32 v1, $0.0e+00  }
0xf6: {  	v1 =	vld [tilespmem:s19+$0x1B860];
	[tilespmem:s18+$0x16860] =	vst v6;
	v6 =	vmax.f32 v0, $0.0e+00  }
0xf7: {  	v0 =	vld [tilespmem:s19+$0x1B870];
	[tilespmem:s18+$0x16870] =	vst v6;
	s18 =	smov.u32 s19  }
0xf8: {  	v6 =	vld [tilespmem:s18+$0x16800]  }
0xf9: {  	v11 =	vld [tilespmem:s18+$0x16810]  }
.Ltmp2:
0xfa: {  	v10 =	vld [tilespmem:s18+$0x16820];
	(pc) =	sbr.rel @p0 .LBB2_6-.Ltmp2, $4  }
0xfb: {  	v9 =	vld [tilespmem:s18+$0x16830]  }
0xfc: {  	v8 =	vld [tilespmem:s18+$0x16840]  }
0xfd: {  	v12 =	vadd.f32 v13, v6;
	v7 =	vld [tilespmem:s18+$0x16850]  }
0xfe: {  	s10 =	sadd.s32 $0x200, s10;
	v11 =	vadd.f32 v14, v11;
	v6 =	vld [tilespmem:s18+$0x16860]  }
0xff: {  	v12 =	vmax.f32 v12, $0.0e+00;
	v5 =	vadd.f32 v5, v10;
	v10 =	vld [tilespmem:s18+$0x16870]  }
0x100: {  	[tilespmem:s18+$0x16800] =	vst v12;
	v11 =	vmax.f32 v11, $0.0e+00;
	v4 =	vadd.f32 v4, v9  }
0x101: {  	[tilespmem:s18+$0x16810] =	vst v11;
	v5 =	vmax.f32 v5, $0.0e+00;
	v3 =	vadd.f32 v3, v8  }
0x102: {  	[tilespmem:s18+$0x16820] =	vst v5;
	v4 =	vmax.f32 v4, $0.0e+00;
	v2 =	vadd.f32 v2, v7  }
0x103: {  	[tilespmem:s18+$0x16830] =	vst v4;
	v3 =	vmax.f32 v3, $0.0e+00;
	v1 =	vadd.f32 v1, v6  }
0x104: {  	[tilespmem:s18+$0x16840] =	vst v3;
	v2 =	vmax.f32 v2, $0.0e+00;
	v0 =	vadd.f32 v0, v10  }
0x105: {  	[tilespmem:s18+$0x16850] =	vst v2;
	v1 =	vmax.f32 v1, $0.0e+00  }
0x106: {  	[tilespmem:s18+$0x16860] =	vst v1;
	v0 =	vmax.f32 v0, $0.0e+00  }
0x107: {  	s4 =	simm.s32 $0x13F00;
	s10 =	simm.s32 $0x16800;
	[tilespmem:s18+$0x16870] =	vst v0  }
0x108: {  	[spmem:s3] =	stream.indirect.scatter.add.f32 [tilespmem:s10], [sflag:$0xB], $0x80, s4, s0, $0xb8;
	[tilespmem:$0x1E000] =	vst v63  }
0x109: {  	_ =	swait.ge [sflag:s14], $0x1400  }
0x10a: {  	[sflag:s14] =	ssyncset.done $0x0  }
0x10b: {  	s10 =	simm.s32 $0x0;
	s19 =	rddreg [dreg:$0x17];
	[sflag:s14] =	ssyncadd.s32 $0xFFFFEC00  }
0x10c: {  	[tilespmem:s25], [sflag:$0x2] =	stream.linear.gather [hbm4b:s19+s10], $0x28, $0x38;
	[tilespmem:$0x1E000] =	vst v63  }
0x10d: {  	s20 =	rddreg [dreg:$0x18]  }
0x10e: {  	[tilespmem:s23], [sflag:$0x2] =	stream.linear.gather [hbm4b:s20+s10], $0x28, $0x38;
	[tilespmem:$0x1E000] =	vst v63  }
0x10f: {  	s19 =	rddreg [dreg:$0x19];
	s20 =	simm.s32 $0x1A400  }
0x110: {  	[tilespmem:s20], [sflag:$0x6] =	stream.strided.gather [hbm4b:s19+s21], $0x1400, s22, s21, $0x38;
	[tilespmem:$0x1E000] =	vst v63  }
0x111: {  	_ =	swait.ge [sflag:s31], $0x28  }
0x112: {  	[sflag:s31] =	ssyncset.done $0x0  }
0x113: {  	[sflag:s31] =	ssyncadd.s32 $0xFFFFFFD8  }
0x114: {  	_ =	swait.ge [sflag:s31], $0x28  }
0x115: {  	[sflag:s31] =	ssyncset.done $0x0  }
0x116: {  	s23 =	simm.s32 $0x14000;
	[sflag:s31] =	ssyncadd.s32 $0xFFFFFFD8  }
0x117: {  	[tilespmem:s23], [sflag:$0x5] =	stream.indirect.gather [hbm4b:s1+s0], $0x80, s24, s0, $0xb8;
	[tilespmem:$0x1E000] =	vst v63  }
0x118: {  	_ =	swait.ge [sflag:s28], $0x1400  }
0x119: {  	[sflag:s28] =	ssyncset.done $0x0  }
0x11a: {  	[sflag:s28] =	ssyncadd.s32 $0xFFFFEC00  }
0x11b: {  	_ =	swait.ge [sflag:s28], $0x1400  }
0x11c: {  	[sflag:s28] =	ssyncset.done $0x0  }
0x11d: {  	s18 =	simm.s32 $0x0;
	[sflag:s28] =	ssyncadd.s32 $0xFFFFEC00  }
0x11e: {  	v6 =	vld [tilespmem:s18+$0x1CC00]  }
0x11f: {  	v11 =	vld [tilespmem:s18+$0x1CC10]  }
0x120: {  	v5 =	vld [tilespmem:s18+$0x1CC20]  }
0x121: {  	v4 =	vld [tilespmem:s18+$0x1CC30]  }
0x122: {  	v3 =	vld [tilespmem:s18+$0x1CC40]  }
0x123: {  	v2 =	vld [tilespmem:s18+$0x1CC50]  }
0x124: {  	v1 =	vld [tilespmem:s18+$0x1CC60]  }
0x125: {  	v0 =	vld [tilespmem:s18+$0x1CC70]  }
0x126: {  	v12 =	vld [tilespmem:s18+$0x17C00]  }
0x127: {  	v13 =	vld [tilespmem:s18+$0x17C10]  }
0x128: {  	v10 =	vld [tilespmem:s18+$0x17C20]  }
0x129: {  	v9 =	vld [tilespmem:s18+$0x17C30]  }
0x12a: {  	v8 =	vld [tilespmem:s18+$0x17C40]  }
0x12b: {  	v7 =	vld [tilespmem:s18+$0x17C50];
	v12 =	vadd.f32 v6, v12  }
0x12c: {  	s4 =	simm.s32 $0x13E80;
	s10 =	simm.s32 $0x200;
	v11 =	vadd.f32 v11, v13;
	v6 =	vld [tilespmem:s18+$0x17C60]  }
.LBB2_8:
0x12d: {  	s19 =	sshra.s32 s10, $0x2;
	p0 =	sne.s32 s10, $0x4E00;
	v12 =	vmax.f32 v12, $0.0e+00;
	v5 =	vadd.f32 v5, v10;
	v10 =	vld [tilespmem:s18+$0x17C70]  }
0x12e: {  	v13 =	vld [tilespmem:s19+$0x1CC00];
	[tilespmem:s18+$0x17C00] =	vst v12;
	v11 =	vmax.f32 v11, $0.0e+00;
	v4 =	vadd.f32 v4, v9  }
0x12f: {  	v14 =	vld [tilespmem:s19+$0x1CC10];
	[tilespmem:s18+$0x17C10] =	vst v11;
	v9 =	vmax.f32 v5, $0.0e+00;
	v3 =	vadd.f32 v3, v8  }
0x130: {  	v5 =	vld [tilespmem:s19+$0x1CC20];
	[tilespmem:s18+$0x17C20] =	vst v9;
	v8 =	vmax.f32 v4, $0.0e+00;
	v2 =	vadd.f32 v2, v7  }
0x131: {  	v4 =	vld [tilespmem:s19+$0x1CC30];
	[tilespmem:s18+$0x17C30] =	vst v8;
	v7 =	vmax.f32 v3, $0.0e+00;
	v1 =	vadd.f32 v1, v6  }
0x132: {  	v3 =	vld [tilespmem:s19+$0x1CC40];
	[tilespmem:s18+$0x17C40] =	vst v7;
	v6 =	vmax.f32 v2, $0.0e+00;
	v0 =	vadd.f32 v0, v10  }
0x133: {  	v2 =	vld [tilespmem:s19+$0x1CC50];
	[tilespmem:s18+$0x17C50] =	vst v6;
	v6 =	vmax.f32 v1, $0.0e+00  }
0x134: {  	v1 =	vld [tilespmem:s19+$0x1CC60];
	[tilespmem:s18+$0x17C60] =	vst v6;
	v6 =	vmax.f32 v0, $0.0e+00  }
0x135: {  	v0 =	vld [tilespmem:s19+$0x1CC70];
	[tilespmem:s18+$0x17C70] =	vst v6;
	s18 =	smov.u32 s19  }
0x136: {  	v6 =	vld [tilespmem:s18+$0x17C00]  }
0x137: {  	v11 =	vld [tilespmem:s18+$0x17C10]  }
.Ltmp3:
0x138: {  	v10 =	vld [tilespmem:s18+$0x17C20];
	(pc) =	sbr.rel @p0 .LBB2_8-.Ltmp3, $4  }
0x139: {  	v9 =	vld [tilespmem:s18+$0x17C30]  }
0x13a: {  	v8 =	vld [tilespmem:s18+$0x17C40]  }
0x13b: {  	v12 =	vadd.f32 v13, v6;
	v7 =	vld [tilespmem:s18+$0x17C50]  }
0x13c: {  	s10 =	sadd.s32 $0x200, s10;
	v11 =	vadd.f32 v14, v11;
	v6 =	vld [tilespmem:s18+$0x17C60]  }
0x13d: {  	v12 =	vmax.f32 v12, $0.0e+00;
	v5 =	vadd.f32 v5, v10;
	v63 =	vld [tilespmem:s18+$0x17C70]  }
0x13e: {  	[tilespmem:s18+$0x17C00] =	vst v12;
	v11 =	vmax.f32 v11, $0.0e+00;
	v4 =	vadd.f32 v4, v9  }
0x13f: {  	[tilespmem:s18+$0x17C10] =	vst v11;
	v5 =	vmax.f32 v5, $0.0e+00;
	v3 =	vadd.f32 v3, v8  }
0x140: {  	[tilespmem:s18+$0x17C20] =	vst v5;
	v4 =	vmax.f32 v4, $0.0e+00;
	v2 =	vadd.f32 v2, v7  }
0x141: {  	[tilespmem:s18+$0x17C30] =	vst v4;
	v3 =	vmax.f32 v3, $0.0e+00;
	v1 =	vadd.f32 v1, v6  }
0x142: {  	[tilespmem:s18+$0x17C40] =	vst v3;
	v2 =	vmax.f32 v2, $0.0e+00;
	v0 =	vadd.f32 v0, v63  }
0x143: {  	[tilespmem:s18+$0x17C50] =	vst v2;
	v1 =	vmax.f32 v1, $0.0e+00  }
0x144: {  	[tilespmem:s18+$0x17C60] =	vst v1;
	v0 =	vmax.f32 v0, $0.0e+00  }
0x145: {  	s10 =	simm.s32 $0x13F80;
	s20 =	simm.s32 $0x17C00;
	[tilespmem:s18+$0x17C70] =	vst v0  }
0x146: {  	[spmem:s3] =	stream.indirect.scatter.add.f32 [tilespmem:s20], [sflag:$0xC], $0x80, s10, s0, $0xb8;
	[tilespmem:$0x1E000] =	vst v63  }
0x147: {  	_ =	swait.ge [sflag:s29], $0x1400  }
0x148: {  	s19 =	simm.s32 $0x13D00;
	[sflag:s29] =	ssyncset.done $0x0  }
0x149: {  	s18 =	simm.s32 $0x0;
	s23 =	rddreg [dreg:$0x1a];
	[sflag:s29] =	ssyncadd.s32 $0xFFFFEC00  }
0x14a: {  	[tilespmem:s19], [sflag:$0x3] =	stream.linear.gather [hbm4b:s23+s18], $0x28, $0x38;
	[tilespmem:$0x1E000] =	vst v63  }
0x14b: {  	s20 =	rddreg [dreg:$0x1b];
	s23 =	simm.s32 $0x13F00  }
0x14c: {  	[tilespmem:s23], [sflag:$0x3] =	stream.linear.gather [hbm4b:s20+s18], $0x28, $0x38;
	[tilespmem:$0x1E000] =	vst v63  }
0x14d: {  	s20 =	rddreg [dreg:$0x1c];
	s23 =	simm.s32 $0x1B800  }
0x14e: {  	[tilespmem:s23], [sflag:$0x7] =	stream.strided.gather [hbm4b:s20+s21], $0x1400, s22, s21, $0x38;
	[tilespmem:$0x1E000] =	vst v63  }
.LBB2_10:
0x14f: {  	_ =	swait.ge [sflag:s8], $0x28  }
0x150: {  	[sflag:s8] =	ssyncset.done $0x0  }
0x151: {  	[sflag:s8] =	ssyncadd.s32 $0xFFFFFFD8  }
0x152: {  	_ =	swait.ge [sflag:s8], $0x28  }
0x153: {  	[sflag:s8] =	ssyncset.done $0x0  }
0x154: {  	[sflag:s8] =	ssyncadd.s32 $0xFFFFFFD8  }
0x155: {  	[tilespmem:s16], [sflag:$0x6] =	stream.indirect.gather [hbm4b:s1+s0], $0x80, s25, s0, $0xb8;
	[tilespmem:$0x1E000] =	vst v63  }
0x156: {  	_ =	swait.ge [sflag:s17], $0x1400  }
0x157: {  	[sflag:s17] =	ssyncset.done $0x0  }
0x158: {  	[sflag:s17] =	ssyncadd.s32 $0xFFFFEC00  }
0x159: {  	_ =	swait.ge [sflag:s17], $0x1400  }
0x15a: {  	[sflag:s17] =	ssyncset.done $0x0  }
0x15b: {  	s23 =	simm.s32 $0x0;
	[sflag:s17] =	ssyncadd.s32 $0xFFFFEC00  }
0x15c: {  	v6 =	vld [tilespmem:s23+$0x19000]  }
0x15d: {  	v11 =	vld [tilespmem:s23+$0x19010]  }
0x15e: {  	v5 =	vld [tilespmem:s23+$0x19020]  }
0x15f: {  	v4 =	vld [tilespmem:s23+$0x19030]  }
0x160: {  	v3 =	vld [tilespmem:s23+$0x19040]  }
0x161: {  	v2 =	vld [tilespmem:s23+$0x19050]  }
0x162: {  	v1 =	vld [tilespmem:s23+$0x19060]  }
0x163: {  	v0 =	vld [tilespmem:s23+$0x19070]  }
0x164: {  	v12 =	vld [tilespmem:s23+$0x14000]  }
0x165: {  	v13 =	vld [tilespmem:s23+$0x14010]  }
0x166: {  	v10 =	vld [tilespmem:s23+$0x14020]  }
0x167: {  	v9 =	vld [tilespmem:s23+$0x14030]  }
0x168: {  	v8 =	vld [tilespmem:s23+$0x14040]  }
0x169: {  	v7 =	vld [tilespmem:s23+$0x14050];
	v12 =	vadd.f32 v6, v12  }
0x16a: {  	s10 =	simm.s32 $0x200;
	v11 =	vadd.f32 v11, v13;
	v6 =	vld [tilespmem:s23+$0x14060]  }
.LBB2_11:
0x16b: {  	s19 =	sshra.s32 s10, $0x2;
	p0 =	sne.s32 s10, $0x4E00;
	v12 =	vmax.f32 v12, $0.0e+00;
	v5 =	vadd.f32 v5, v10;
	v10 =	vld [tilespmem:s23+$0x14070]  }
0x16c: {  	v13 =	vld [tilespmem:s19+$0x19000];
	[tilespmem:s23+$0x14000] =	vst v12;
	v11 =	vmax.f32 v11, $0.0e+00;
	v4 =	vadd.f32 v4, v9  }
0x16d: {  	v14 =	vld [tilespmem:s19+$0x19010];
	[tilespmem:s23+$0x14010] =	vst v11;
	v9 =	vmax.f32 v5, $0.0e+00;
	v3 =	vadd.f32 v3, v8  }
0x16e: {  	v5 =	vld [tilespmem:s19+$0x19020];
	[tilespmem:s23+$0x14020] =	vst v9;
	v8 =	vmax.f32 v4, $0.0e+00;
	v2 =	vadd.f32 v2, v7  }
0x16f: {  	v4 =	vld [tilespmem:s19+$0x19030];
	[tilespmem:s23+$0x14030] =	vst v8;
	v7 =	vmax.f32 v3, $0.0e+00;
	v1 =	vadd.f32 v1, v6  }
0x170: {  	v3 =	vld [tilespmem:s19+$0x19040];
	[tilespmem:s23+$0x14040] =	vst v7;
	v6 =	vmax.f32 v2, $0.0e+00;
	v0 =	vadd.f32 v0, v10  }
0x171: {  	v2 =	vld [tilespmem:s19+$0x19050];
	[tilespmem:s23+$0x14050] =	vst v6;
	v6 =	vmax.f32 v1, $0.0e+00  }
0x172: {  	v1 =	vld [tilespmem:s19+$0x19060];
	[tilespmem:s23+$0x14060] =	vst v6;
	v6 =	vmax.f32 v0, $0.0e+00  }
0x173: {  	v0 =	vld [tilespmem:s19+$0x19070];
	[tilespmem:s23+$0x14070] =	vst v6;
	s23 =	smov.u32 s19  }
0x174: {  	v6 =	vld [tilespmem:s23+$0x14000]  }
0x175: {  	v11 =	vld [tilespmem:s23+$0x14010]  }
.Ltmp4:
0x176: {  	v10 =	vld [tilespmem:s23+$0x14020];
	(pc) =	sbr.rel @p0 .LBB2_11-.Ltmp4, $4  }
0x177: {  	v9 =	vld [tilespmem:s23+$0x14030]  }
0x178: {  	v8 =	vld [tilespmem:s23+$0x14040]  }
0x179: {  	v12 =	vadd.f32 v13, v6;
	v7 =	vld [tilespmem:s23+$0x14050]  }
0x17a: {  	s10 =	sadd.s32 $0x200, s10;
	v11 =	vadd.f32 v14, v11;
	v6 =	vld [tilespmem:s23+$0x14060]  }
0x17b: {  	v12 =	vmax.f32 v12, $0.0e+00;
	v5 =	vadd.f32 v5, v10;
	v10 =	vld [tilespmem:s23+$0x14070]  }
0x17c: {  	[tilespmem:s23+$0x14000] =	vst v12;
	v11 =	vmax.f32 v11, $0.0e+00;
	v4 =	vadd.f32 v4, v9  }
0x17d: {  	[tilespmem:s23+$0x14010] =	vst v11;
	v5 =	vmax.f32 v5, $0.0e+00;
	v3 =	vadd.f32 v3, v8  }
0x17e: {  	[tilespmem:s23+$0x14020] =	vst v5;
	v4 =	vmax.f32 v4, $0.0e+00;
	v2 =	vadd.f32 v2, v7  }
0x17f: {  	[tilespmem:s23+$0x14030] =	vst v4;
	v3 =	vmax.f32 v3, $0.0e+00;
	v1 =	vadd.f32 v1, v6  }
0x180: {  	[tilespmem:s23+$0x14040] =	vst v3;
	v2 =	vmax.f32 v2, $0.0e+00;
	v0 =	vadd.f32 v0, v10  }
0x181: {  	[tilespmem:s23+$0x14050] =	vst v2;
	v1 =	vmax.f32 v1, $0.0e+00  }
0x182: {  	[tilespmem:s23+$0x14060] =	vst v1;
	v0 =	vmax.f32 v0, $0.0e+00  }
0x183: {  	s10 =	simm.s32 $0x13E00;
	s19 =	simm.s32 $0x14000;
	[tilespmem:s23+$0x14070] =	vst v0;
	s23 =	smul.u32 $0xA0, s18  }
0x184: {  	[spmem:s3] =	stream.indirect.scatter.add.f32 [tilespmem:s19], [sflag:$0x9], $0x80, s10, s0, $0xb8;
	[tilespmem:$0x1E000] =	vst v63  }
0x185: {  	s19 =	rddreg [dreg:$0x1d]  }
0x186: {  	s10 =	sadd.s32 s23, s19  }
0x187: {  	_ =	swait.ge [sflag:s11], $0x1400;
	s20 =	sadd.s32 s9, s10  }
0x188: {  	s25 =	simm.s32 $0x13D80;
	[sflag:s11] =	ssyncset.done $0x0;
	s19 =	sshrl.u32 s20, $0x3  }
0x189: {  	[sflag:s11] =	ssyncadd.s32 $0xFFFFEC00;
	s20 =	simm.s32 $0x0;
	s19 =	sadd.s32 s6, s19  }
0x18a: {  	[tilespmem:s25], [sflag:$0x4] =	stream.linear.gather [hbm4b:s19+s20], $0x28, $0x38;
	[tilespmem:$0x1E000] =	vst v63  }
0x18b: {  	s25 =	sshrl.u32 s10, $0x3;
	s10 =	sshll.u32 s10, $0x8  }
0x18c: {  	s19 =	sadd.s32 s7, s25;
	s25 =	simm.s32 $0x13F80;
	s10 =	sor.u32 s12, s10  }
0x18d: {  	[tilespmem:s25], [sflag:$0x4] =	stream.linear.gather [hbm4b:s19+s20], $0x28, $0x38;
	[tilespmem:$0x1E000] =	vst v63  }
0x18e: {  	s10 =	sshrl.u32 s10, $0x3  }
0x18f: {  	s25 =	simm.s32 $0x1CC00;
	s10 =	sadd.s32 s2, s10  }
0x190: {  	[tilespmem:s25], [sflag:$0x8] =	stream.strided.gather [hbm4b:s10+s21], $0x1400, s22, s21, $0x38;
	[tilespmem:$0x1E000] =	vst v63  }
0x191: {  	_ =	swait.ge [sflag:s30], $0x28  }
0x192: {  	[sflag:s30] =	ssyncset.done $0x0  }
0x193: {  	[sflag:s30] =	ssyncadd.s32 $0xFFFFFFD8  }
0x194: {  	_ =	swait.ge [sflag:s30], $0x28  }
0x195: {  	[sflag:s30] =	ssyncset.done $0x0  }
0x196: {  	s20 =	simm.s32 $0x13D00;
	s25 =	simm.s32 $0x16800;
	[sflag:s30] =	ssyncadd.s32 $0xFFFFFFD8  }
0x197: {  	[tilespmem:s25], [sflag:$0x7] =	stream.indirect.gather [hbm4b:s1+s0], $0x80, s20, s0, $0xb8;
	[tilespmem:$0x1E000] =	vst v63  }
0x198: {  	_ =	swait.ge [sflag:s26], $0x1400  }
0x199: {  	[sflag:s26] =	ssyncset.done $0x0  }
0x19a: {  	[sflag:s26] =	ssyncadd.s32 $0xFFFFEC00  }
0x19b: {  	_ =	swait.ge [sflag:s26], $0x1400  }
0x19c: {  	[sflag:s26] =	ssyncset.done $0x0  }
0x19d: {  	s10 =	simm.s32 $0x0;
	[sflag:s26] =	ssyncadd.s32 $0xFFFFEC00  }
0x19e: {  	v6 =	vld [tilespmem:s10+$0x1A400]  }
0x19f: {  	v11 =	vld [tilespmem:s10+$0x1A410]  }
0x1a0: {  	v5 =	vld [tilespmem:s10+$0x1A420]  }
0x1a1: {  	v4 =	vld [tilespmem:s10+$0x1A430]  }
0x1a2: {  	v3 =	vld [tilespmem:s10+$0x1A440]  }
0x1a3: {  	v2 =	vld [tilespmem:s10+$0x1A450]  }
0x1a4: {  	v1 =	vld [tilespmem:s10+$0x1A460]  }
0x1a5: {  	v0 =	vld [tilespmem:s10+$0x1A470]  }
0x1a6: {  	v12 =	vld [tilespmem:s10+$0x15400]  }
0x1a7: {  	v13 =	vld [tilespmem:s10+$0x15410]  }
0x1a8: {  	v10 =	vld [tilespmem:s10+$0x15420]  }
0x1a9: {  	v9 =	vld [tilespmem:s10+$0x15430]  }
0x1aa: {  	v8 =	vld [tilespmem:s10+$0x15440]  }
0x1ab: {  	v7 =	vld [tilespmem:s10+$0x15450];
	v12 =	vadd.f32 v6, v12  }
0x1ac: {  	s19 =	simm.s32 $0x200;
	v11 =	vadd.f32 v11, v13;
	v6 =	vld [tilespmem:s10+$0x15460]  }
.LBB2_13:
0x1ad: {  	s20 =	sshra.s32 s19, $0x2;
	p0 =	sne.s32 s19, $0x4E00;
	v12 =	vmax.f32 v12, $0.0e+00;
	v5 =	vadd.f32 v5, v10;
	v10 =	vld [tilespmem:s10+$0x15470]  }
0x1ae: {  	v13 =	vld [tilespmem:s20+$0x1A400];
	[tilespmem:s10+$0x15400] =	vst v12;
	v11 =	vmax.f32 v11, $0.0e+00;
	v4 =	vadd.f32 v4, v9  }
0x1af: {  	v14 =	vld [tilespmem:s20+$0x1A410];
	[tilespmem:s10+$0x15410] =	vst v11;
	v9 =	vmax.f32 v5, $0.0e+00;
	v3 =	vadd.f32 v3, v8  }
0x1b0: {  	v5 =	vld [tilespmem:s20+$0x1A420];
	[tilespmem:s10+$0x15420] =	vst v9;
	v8 =	vmax.f32 v4, $0.0e+00;
	v2 =	vadd.f32 v2, v7  }
0x1b1: {  	v4 =	vld [tilespmem:s20+$0x1A430];
	[tilespmem:s10+$0x15430] =	vst v8;
	v7 =	vmax.f32 v3, $0.0e+00;
	v1 =	vadd.f32 v1, v6  }
0x1b2: {  	v3 =	vld [tilespmem:s20+$0x1A440];
	[tilespmem:s10+$0x15440] =	vst v7;
	v6 =	vmax.f32 v2, $0.0e+00;
	v0 =	vadd.f32 v0, v10  }
0x1b3: {  	v2 =	vld [tilespmem:s20+$0x1A450];
	[tilespmem:s10+$0x15450] =	vst v6;
	v6 =	vmax.f32 v1, $0.0e+00  }
0x1b4: {  	v1 =	vld [tilespmem:s20+$0x1A460];
	[tilespmem:s10+$0x15460] =	vst v6;
	v6 =	vmax.f32 v0, $0.0e+00  }
0x1b5: {  	v0 =	vld [tilespmem:s20+$0x1A470];
	[tilespmem:s10+$0x15470] =	vst v6;
	s10 =	smov.u32 s20  }
0x1b6: {  	v6 =	vld [tilespmem:s10+$0x15400]  }
0x1b7: {  	v11 =	vld [tilespmem:s10+$0x15410]  }
.Ltmp5:
0x1b8: {  	v10 =	vld [tilespmem:s10+$0x15420];
	(pc) =	sbr.rel @p0 .LBB2_13-.Ltmp5, $4  }
0x1b9: {  	v9 =	vld [tilespmem:s10+$0x15430]  }
0x1ba: {  	v8 =	vld [tilespmem:s10+$0x15440]  }
0x1bb: {  	v12 =	vadd.f32 v13, v6;
	v7 =	vld [tilespmem:s10+$0x15450]  }
0x1bc: {  	s19 =	sadd.s32 $0x200, s19;
	v11 =	vadd.f32 v14, v11;
	v6 =	vld [tilespmem:s10+$0x15460]  }
0x1bd: {  	v12 =	vmax.f32 v12, $0.0e+00;
	v5 =	vadd.f32 v5, v10;
	v10 =	vld [tilespmem:s10+$0x15470]  }
0x1be: {  	[tilespmem:s10+$0x15400] =	vst v12;
	v11 =	vmax.f32 v11, $0.0e+00;
	v4 =	vadd.f32 v4, v9  }
0x1bf: {  	[tilespmem:s10+$0x15410] =	vst v11;
	v5 =	vmax.f32 v5, $0.0e+00;
	v3 =	vadd.f32 v3, v8  }
0x1c0: {  	[tilespmem:s10+$0x15420] =	vst v5;
	v4 =	vmax.f32 v4, $0.0e+00;
	v2 =	vadd.f32 v2, v7  }
0x1c1: {  	[tilespmem:s10+$0x15430] =	vst v4;
	v3 =	vmax.f32 v3, $0.0e+00;
	v1 =	vadd.f32 v1, v6  }
0x1c2: {  	[tilespmem:s10+$0x15440] =	vst v3;
	v2 =	vmax.f32 v2, $0.0e+00;
	v0 =	vadd.f32 v0, v10  }
0x1c3: {  	[tilespmem:s10+$0x15450] =	vst v2;
	v1 =	vmax.f32 v1, $0.0e+00  }
0x1c4: {  	s20 =	rddreg [dreg:$0x1e];
	[tilespmem:s10+$0x15460] =	vst v1;
	v0 =	vmax.f32 v0, $0.0e+00  }
0x1c5: {  	[tilespmem:s10+$0x15470] =	vst v0;
	s10 =	sadd.s32 s23, s20;
	s20 =	simm.s32 $0x0  }
0x1c6: {  	[spmem:s3] =	stream.indirect.scatter.add.f32 [tilespmem:s16], [sflag:$0xA], $0x80, s4, s0, $0xb8;
	[tilespmem:$0x1E000] =	vst v63  }
0x1c7: {  	s19 =	sadd.s32 s9, s10;
	s25 =	sshrl.u32 s10, $0x3;
	_ =	swait.ge [sflag:s15], $0x1400  }
0x1c8: {  	s10 =	sshll.u32 s10, $0x8;
	s19 =	sshrl.u32 s19, $0x3;
	[sflag:s15] =	ssyncset.done $0x0  }
0x1c9: {  	s10 =	sor.u32 s12, s10;
	s19 =	sadd.s32 s6, s19;
	[sflag:s15] =	ssyncadd.s32 $0xFFFFEC00  }
0x1ca: {  	[tilespmem:s24], [sflag:$0x1] =	stream.linear.gather [hbm4b:s19+s20], $0x28, $0x38;
	[tilespmem:$0x1E000] =	vst v63  }
0x1cb: {  	s10 =	sshrl.u32 s10, $0x3;
	s19 =	sadd.s32 s7, s25;
	s25 =	simm.s32 $0x13E00  }
0x1cc: {  	[tilespmem:s25], [sflag:$0x1] =	stream.linear.gather [hbm4b:s19+s20], $0x28, $0x38;
	[tilespmem:$0x1E000] =	vst v63  }
0x1cd: {  	s10 =	sadd.s32 s2, s10;
	s25 =	simm.s32 $0x19000  }
0x1ce: {  	[tilespmem:s25], [sflag:$0x5] =	stream.strided.gather [hbm4b:s10+s21], $0x1400, s22, s21, $0x38;
	[tilespmem:$0x1E000] =	vst v63  }
0x1cf: {  	_ =	swait.ge [sflag:s5], $0x28  }
0x1d0: {  	[sflag:s5] =	ssyncset.done $0x0  }
0x1d1: {  	[sflag:s5] =	ssyncadd.s32 $0xFFFFFFD8  }
0x1d2: {  	_ =	swait.ge [sflag:s5], $0x28  }
0x1d3: {  	[sflag:s5] =	ssyncset.done $0x0  }
0x1d4: {  	s20 =	simm.s32 $0x13D80;
	s25 =	simm.s32 $0x17C00;
	[sflag:s5] =	ssyncadd.s32 $0xFFFFFFD8  }
0x1d5: {  	[tilespmem:s25], [sflag:$0x8] =	stream.indirect.gather [hbm4b:s1+s0], $0x80, s20, s0, $0xb8;
	[tilespmem:$0x1E000] =	vst v63  }
0x1d6: {  	_ =	swait.ge [sflag:s13], $0x1400  }
0x1d7: {  	[sflag:s13] =	ssyncset.done $0x0  }
0x1d8: {  	[sflag:s13] =	ssyncadd.s32 $0xFFFFEC00  }
0x1d9: {  	_ =	swait.ge [sflag:s13], $0x1400  }
0x1da: {  	[sflag:s13] =	ssyncset.done $0x0  }
0x1db: {  	s10 =	simm.s32 $0x0;
	[sflag:s13] =	ssyncadd.s32 $0xFFFFEC00  }
0x1dc: {  	v6 =	vld [tilespmem:s10+$0x1B800]  }
0x1dd: {  	v11 =	vld [tilespmem:s10+$0x1B810]  }
0x1de: {  	v5 =	vld [tilespmem:s10+$0x1B820]  }
0x1df: {  	v4 =	vld [tilespmem:s10+$0x1B830]  }
0x1e0: {  	v3 =	vld [tilespmem:s10+$0x1B840]  }
0x1e1: {  	v2 =	vld [tilespmem:s10+$0x1B850]  }
0x1e2: {  	v1 =	vld [tilespmem:s10+$0x1B860]  }
0x1e3: {  	v0 =	vld [tilespmem:s10+$0x1B870]  }
0x1e4: {  	v12 =	vld [tilespmem:s10+$0x16800]  }
0x1e5: {  	v13 =	vld [tilespmem:s10+$0x16810]  }
0x1e6: {  	v10 =	vld [tilespmem:s10+$0x16820]  }
0x1e7: {  	v9 =	vld [tilespmem:s10+$0x16830]  }
0x1e8: {  	v8 =	vld [tilespmem:s10+$0x16840]  }
0x1e9: {  	v7 =	vld [tilespmem:s10+$0x16850];
	v12 =	vadd.f32 v6, v12  }
0x1ea: {  	s19 =	simm.s32 $0x200;
	v11 =	vadd.f32 v11, v13;
	v6 =	vld [tilespmem:s10+$0x16860]  }
.LBB2_15:
0x1eb: {  	s20 =	sshra.s32 s19, $0x2;
	p0 =	sne.s32 s19, $0x4E00;
	v12 =	vmax.f32 v12, $0.0e+00;
	v5 =	vadd.f32 v5, v10;
	v10 =	vld [tilespmem:s10+$0x16870]  }
0x1ec: {  	v13 =	vld [tilespmem:s20+$0x1B800];
	[tilespmem:s10+$0x16800] =	vst v12;
	v11 =	vmax.f32 v11, $0.0e+00;
	v4 =	vadd.f32 v4, v9  }
0x1ed: {  	v14 =	vld [tilespmem:s20+$0x1B810];
	[tilespmem:s10+$0x16810] =	vst v11;
	v9 =	vmax.f32 v5, $0.0e+00;
	v3 =	vadd.f32 v3, v8  }
0x1ee: {  	v5 =	vld [tilespmem:s20+$0x1B820];
	[tilespmem:s10+$0x16820] =	vst v9;
	v8 =	vmax.f32 v4, $0.0e+00;
	v2 =	vadd.f32 v2, v7  }
0x1ef: {  	v4 =	vld [tilespmem:s20+$0x1B830];
	[tilespmem:s10+$0x16830] =	vst v8;
	v7 =	vmax.f32 v3, $0.0e+00;
	v1 =	vadd.f32 v1, v6  }
0x1f0: {  	v3 =	vld [tilespmem:s20+$0x1B840];
	[tilespmem:s10+$0x16840] =	vst v7;
	v6 =	vmax.f32 v2, $0.0e+00;
	v0 =	vadd.f32 v0, v10  }
0x1f1: {  	v2 =	vld [tilespmem:s20+$0x1B850];
	[tilespmem:s10+$0x16850] =	vst v6;
	v6 =	vmax.f32 v1, $0.0e+00  }
0x1f2: {  	v1 =	vld [tilespmem:s20+$0x1B860];
	[tilespmem:s10+$0x16860] =	vst v6;
	v6 =	vmax.f32 v0, $0.0e+00  }
0x1f3: {  	v0 =	vld [tilespmem:s20+$0x1B870];
	[tilespmem:s10+$0x16870] =	vst v6;
	s10 =	smov.u32 s20  }
0x1f4: {  	v6 =	vld [tilespmem:s10+$0x16800]  }
0x1f5: {  	v11 =	vld [tilespmem:s10+$0x16810]  }
.Ltmp6:
0x1f6: {  	v10 =	vld [tilespmem:s10+$0x16820];
	(pc) =	sbr.rel @p0 .LBB2_15-.Ltmp6, $4  }
0x1f7: {  	v9 =	vld [tilespmem:s10+$0x16830]  }
0x1f8: {  	v8 =	vld [tilespmem:s10+$0x16840]  }
0x1f9: {  	v12 =	vadd.f32 v13, v6;
	v7 =	vld [tilespmem:s10+$0x16850]  }
0x1fa: {  	s19 =	sadd.s32 $0x200, s19;
	v11 =	vadd.f32 v14, v11;
	v6 =	vld [tilespmem:s10+$0x16860]  }
0x1fb: {  	v12 =	vmax.f32 v12, $0.0e+00;
	v5 =	vadd.f32 v5, v10;
	v10 =	vld [tilespmem:s10+$0x16870]  }
0x1fc: {  	[tilespmem:s10+$0x16800] =	vst v12;
	v11 =	vmax.f32 v11, $0.0e+00;
	v4 =	vadd.f32 v4, v9  }
0x1fd: {  	[tilespmem:s10+$0x16810] =	vst v11;
	v5 =	vmax.f32 v5, $0.0e+00;
	v3 =	vadd.f32 v3, v8  }
0x1fe: {  	[tilespmem:s10+$0x16820] =	vst v5;
	v4 =	vmax.f32 v4, $0.0e+00;
	v2 =	vadd.f32 v2, v7  }
0x1ff: {  	[tilespmem:s10+$0x16830] =	vst v4;
	v3 =	vmax.f32 v3, $0.0e+00;
	v1 =	vadd.f32 v1, v6  }
0x200: {  	[tilespmem:s10+$0x16840] =	vst v3;
	v2 =	vmax.f32 v2, $0.0e+00;
	v0 =	vadd.f32 v0, v10  }
0x201: {  	[tilespmem:s10+$0x16850] =	vst v2;
	v1 =	vmax.f32 v1, $0.0e+00  }
0x202: {  	s20 =	rddreg [dreg:$0x1f];
	[tilespmem:s10+$0x16860] =	vst v1;
	v0 =	vmax.f32 v0, $0.0e+00  }
0x203: {  	s25 =	simm.s32 $0x13F00;
	s19 =	simm.s32 $0x16800;
	[tilespmem:s10+$0x16870] =	vst v0;
	s10 =	sadd.s32 s23, s20  }
0x204: {  	[spmem:s3] =	stream.indirect.scatter.add.f32 [tilespmem:s19], [sflag:$0xB], $0x80, s25, s0, $0xb8;
	[tilespmem:$0x1E000] =	vst v63  }
0x205: {  	s25 =	sadd.s32 s9, s10;
	_ =	swait.ge [sflag:s14], $0x1400  }
0x206: {  	s20 =	simm.s32 $0x0;
	s19 =	sshrl.u32 s25, $0x3;
	[sflag:s14] =	ssyncset.done $0x0  }
0x207: {  	s25 =	simm.s32 $0x13C80;
	s19 =	sadd.s32 s6, s19;
	[sflag:s14] =	ssyncadd.s32 $0xFFFFEC00  }
0x208: {  	[tilespmem:s25], [sflag:$0x2] =	stream.linear.gather [hbm4b:s19+s20], $0x28, $0x38;
	[tilespmem:$0x1E000] =	vst v63  }
0x209: {  	s19 =	sshrl.u32 s10, $0x3;
	s10 =	sshll.u32 s10, $0x8  }
0x20a: {  	s19 =	sadd.s32 s7, s19;
	s10 =	sor.u32 s12, s10  }
0x20b: {  	[tilespmem:s4], [sflag:$0x2] =	stream.linear.gather [hbm4b:s19+s20], $0x28, $0x38;
	[tilespmem:$0x1E000] =	vst v63  }
0x20c: {  	s10 =	sshrl.u32 s10, $0x3  }
0x20d: {  	s20 =	simm.s32 $0x1A400;
	s10 =	sadd.s32 s2, s10  }
0x20e: {  	[tilespmem:s20], [sflag:$0x6] =	stream.strided.gather [hbm4b:s10+s21], $0x1400, s22, s21, $0x38;
	[tilespmem:$0x1E000] =	vst v63  }
0x20f: {  	_ =	swait.ge [sflag:s31], $0x28  }
0x210: {  	[sflag:s31] =	ssyncset.done $0x0  }
0x211: {  	[sflag:s31] =	ssyncadd.s32 $0xFFFFFFD8  }
0x212: {  	_ =	swait.ge [sflag:s31], $0x28  }
0x213: {  	[sflag:s31] =	ssyncset.done $0x0  }
0x214: {  	s20 =	simm.s32 $0x14000;
	[sflag:s31] =	ssyncadd.s32 $0xFFFFFFD8  }
0x215: {  	[tilespmem:s20], [sflag:$0x5] =	stream.indirect.gather [hbm4b:s1+s0], $0x80, s24, s0, $0xb8;
	[tilespmem:$0x1E000] =	vst v63  }
0x216: {  	_ =	swait.ge [sflag:s28], $0x1400  }
0x217: {  	[sflag:s28] =	ssyncset.done $0x0  }
0x218: {  	[sflag:s28] =	ssyncadd.s32 $0xFFFFEC00  }
0x219: {  	_ =	swait.ge [sflag:s28], $0x1400  }
0x21a: {  	[sflag:s28] =	ssyncset.done $0x0  }
0x21b: {  	s10 =	simm.s32 $0x0;
	[sflag:s28] =	ssyncadd.s32 $0xFFFFEC00  }
0x21c: {  	v6 =	vld [tilespmem:s10+$0x1CC00]  }
0x21d: {  	v11 =	vld [tilespmem:s10+$0x1CC10]  }
0x21e: {  	v5 =	vld [tilespmem:s10+$0x1CC20]  }
0x21f: {  	v4 =	vld [tilespmem:s10+$0x1CC30]  }
0x220: {  	v3 =	vld [tilespmem:s10+$0x1CC40]  }
0x221: {  	v2 =	vld [tilespmem:s10+$0x1CC50]  }
0x222: {  	v1 =	vld [tilespmem:s10+$0x1CC60]  }
0x223: {  	v0 =	vld [tilespmem:s10+$0x1CC70]  }
0x224: {  	v12 =	vld [tilespmem:s10+$0x17C00]  }
0x225: {  	v13 =	vld [tilespmem:s10+$0x17C10]  }
0x226: {  	v10 =	vld [tilespmem:s10+$0x17C20]  }
0x227: {  	v9 =	vld [tilespmem:s10+$0x17C30]  }
0x228: {  	v8 =	vld [tilespmem:s10+$0x17C40]  }
0x229: {  	v7 =	vld [tilespmem:s10+$0x17C50];
	v12 =	vadd.f32 v6, v12  }
0x22a: {  	s19 =	simm.s32 $0x200;
	v11 =	vadd.f32 v11, v13;
	v6 =	vld [tilespmem:s10+$0x17C60]  }
.LBB2_17:
0x22b: {  	s20 =	sshra.s32 s19, $0x2;
	p0 =	sne.s32 s19, $0x4E00;
	v12 =	vmax.f32 v12, $0.0e+00;
	v5 =	vadd.f32 v5, v10;
	v10 =	vld [tilespmem:s10+$0x17C70]  }
0x22c: {  	v13 =	vld [tilespmem:s20+$0x1CC00];
	[tilespmem:s10+$0x17C00] =	vst v12;
	v11 =	vmax.f32 v11, $0.0e+00;
	v4 =	vadd.f32 v4, v9  }
0x22d: {  	v14 =	vld [tilespmem:s20+$0x1CC10];
	[tilespmem:s10+$0x17C10] =	vst v11;
	v9 =	vmax.f32 v5, $0.0e+00;
	v3 =	vadd.f32 v3, v8  }
0x22e: {  	v5 =	vld [tilespmem:s20+$0x1CC20];
	[tilespmem:s10+$0x17C20] =	vst v9;
	v8 =	vmax.f32 v4, $0.0e+00;
	v2 =	vadd.f32 v2, v7  }
0x22f: {  	v4 =	vld [tilespmem:s20+$0x1CC30];
	[tilespmem:s10+$0x17C30] =	vst v8;
	v7 =	vmax.f32 v3, $0.0e+00;
	v1 =	vadd.f32 v1, v6  }
0x230: {  	v3 =	vld [tilespmem:s20+$0x1CC40];
	[tilespmem:s10+$0x17C40] =	vst v7;
	v6 =	vmax.f32 v2, $0.0e+00;
	v0 =	vadd.f32 v0, v10  }
0x231: {  	v2 =	vld [tilespmem:s20+$0x1CC50];
	[tilespmem:s10+$0x17C50] =	vst v6;
	v6 =	vmax.f32 v1, $0.0e+00  }
0x232: {  	v1 =	vld [tilespmem:s20+$0x1CC60];
	[tilespmem:s10+$0x17C60] =	vst v6;
	v6 =	vmax.f32 v0, $0.0e+00  }
0x233: {  	v0 =	vld [tilespmem:s20+$0x1CC70];
	[tilespmem:s10+$0x17C70] =	vst v6;
	s10 =	smov.u32 s20  }
0x234: {  	v6 =	vld [tilespmem:s10+$0x17C00]  }
0x235: {  	v11 =	vld [tilespmem:s10+$0x17C10]  }
.Ltmp7:
0x236: {  	v10 =	vld [tilespmem:s10+$0x17C20];
	(pc) =	sbr.rel @p0 .LBB2_17-.Ltmp7, $4  }
0x237: {  	v9 =	vld [tilespmem:s10+$0x17C30]  }
0x238: {  	v8 =	vld [tilespmem:s10+$0x17C40]  }
0x239: {  	v12 =	vadd.f32 v13, v6;
	v7 =	vld [tilespmem:s10+$0x17C50]  }
0x23a: {  	s19 =	sadd.s32 $0x200, s19;
	v11 =	vadd.f32 v14, v11;
	v6 =	vld [tilespmem:s10+$0x17C60]  }
0x23b: {  	v12 =	vmax.f32 v12, $0.0e+00;
	v5 =	vadd.f32 v5, v10;
	v63 =	vld [tilespmem:s10+$0x17C70]  }
0x23c: {  	[tilespmem:s10+$0x17C00] =	vst v12;
	v11 =	vmax.f32 v11, $0.0e+00;
	v4 =	vadd.f32 v4, v9  }
0x23d: {  	[tilespmem:s10+$0x17C10] =	vst v11;
	v5 =	vmax.f32 v5, $0.0e+00;
	v3 =	vadd.f32 v3, v8  }
0x23e: {  	[tilespmem:s10+$0x17C20] =	vst v5;
	v4 =	vmax.f32 v4, $0.0e+00;
	v2 =	vadd.f32 v2, v7  }
0x23f: {  	[tilespmem:s10+$0x17C30] =	vst v4;
	v3 =	vmax.f32 v3, $0.0e+00;
	v1 =	vadd.f32 v1, v6  }
0x240: {  	[tilespmem:s10+$0x17C40] =	vst v3;
	v2 =	vmax.f32 v2, $0.0e+00;
	v0 =	vadd.f32 v0, v63  }
0x241: {  	[tilespmem:s10+$0x17C50] =	vst v2;
	v1 =	vmax.f32 v1, $0.0e+00  }
0x242: {  	p0 =	seq.s32 s18, $0x3C;
	[tilespmem:s10+$0x17C60] =	vst v1;
	v0 =	vmax.f32 v0, $0.0e+00  }
.Ltmp8:
0x243: {  	s20 =	simm.s32 $0x13F80;
	s19 =	simm.s32 $0x17C00;
	[tilespmem:s10+$0x17C70] =	vst v0;
	(pc) =	sbr.rel @p0 .LBB2_20-.Ltmp8, $4  }
0x244: {  	[spmem:s3] =	stream.indirect.scatter.add.f32 [tilespmem:s19], [sflag:$0xC], $0x80, s20, s0, $0xb8;
	[tilespmem:$0x1E000] =	vst v63  }
0x245: {  	_ =	swait.ge [sflag:s29], $0x1400  }
0x246: {  	[sflag:s29] =	ssyncset.done $0x0  }
0x247: {  	[sflag:s29] =	ssyncadd.s32 $0xFFFFEC00  }
0x248: {  	s10 =	sld [smem:$0x7FB];
	_ =	sdelay $0x2  }
0x249: {  	s10 =	sadd.s32 s23, s10  }
0x24a: {  	s19 =	sadd.s32 s9, s10  }
0x24b: {  	s19 =	sshrl.u32 s19, $0x3  }
0x24c: {  	s20 =	simm.s32 $0x0;
	s23 =	simm.s32 $0x13D00;
	s19 =	sadd.s32 s6, s19  }
0x24d: {  	[tilespmem:s23], [sflag:$0x3] =	stream.linear.gather [hbm4b:s19+s20], $0x28, $0x38;
	[tilespmem:$0x1E000] =	vst v63  }
0x24e: {  	s23 =	sshrl.u32 s10, $0x3  }
0x24f: {  	s10 =	sshll.u32 s10, $0x8;
	s19 =	sadd.s32 s7, s23  }
.Ltmp9:
0x250: {  	s23 =	simm.s32 $0x13F00;
	s10 =	sor.u32 s12, s10;
	(pc) =	sbr.rel .LBB2_10-.Ltmp9, $4  }
0x251: {  	[tilespmem:s23], [sflag:$0x3] =	stream.linear.gather [hbm4b:s19+s20], $0x28, $0x38;
	[tilespmem:$0x1E000] =	vst v63  }
0x252: {  	s10 =	sshrl.u32 s10, $0x3  }
0x253: {  	s18 =	sadd.s32 $0x1, s18;
	s23 =	simm.s32 $0x1B800;
	s10 =	sadd.s32 s2, s10  }
0x254: {  	[tilespmem:s23], [sflag:$0x7] =	stream.strided.gather [hbm4b:s10+s21], $0x1400, s22, s21, $0x38;
	[tilespmem:$0x1E000] =	vst v63  }
.LBB2_20:
0x255: {  	_ =	swait.ge [sflag:s8], $0x28  }
0x256: {  	[sflag:s8] =	ssyncset.done $0x0  }
0x257: {  	[sflag:s8] =	ssyncadd.s32 $0xFFFFFFD8  }
0x258: {  	_ =	swait.ge [sflag:s8], $0x28  }
0x259: {  	[sflag:s8] =	ssyncset.done $0x0  }
0x25a: {  	[sflag:s8] =	ssyncadd.s32 $0xFFFFFFD8  }
0x25b: {  	[tilespmem:s16], [sflag:$0x6] =	stream.indirect.gather [hbm4b:s1+s0], $0x80, s25, s0, $0xb8;
	[tilespmem:$0x1E000] =	vst v63  }
0x25c: {  	_ =	swait.ge [sflag:s17], $0x1400  }
0x25d: {  	[sflag:s17] =	ssyncset.done $0x0  }
0x25e: {  	[sflag:s17] =	ssyncadd.s32 $0xFFFFEC00  }
0x25f: {  	_ =	swait.ge [sflag:s17], $0x1400  }
0x260: {  	[sflag:s17] =	ssyncset.done $0x0  }
0x261: {  	s10 =	simm.s32 $0x0;
	[sflag:s17] =	ssyncadd.s32 $0xFFFFEC00  }
0x262: {  	v6 =	vld [tilespmem:s10+$0x19000]  }
0x263: {  	v11 =	vld [tilespmem:s10+$0x19010]  }
0x264: {  	v5 =	vld [tilespmem:s10+$0x19020]  }
0x265: {  	v4 =	vld [tilespmem:s10+$0x19030]  }
0x266: {  	v3 =	vld [tilespmem:s10+$0x19040]  }
0x267: {  	v2 =	vld [tilespmem:s10+$0x19050]  }
0x268: {  	v1 =	vld [tilespmem:s10+$0x19060]  }
0x269: {  	v0 =	vld [tilespmem:s10+$0x19070]  }
0x26a: {  	v12 =	vld [tilespmem:s10+$0x14000]  }
0x26b: {  	v13 =	vld [tilespmem:s10+$0x14010]  }
0x26c: {  	v10 =	vld [tilespmem:s10+$0x14020]  }
0x26d: {  	v9 =	vld [tilespmem:s10+$0x14030]  }
0x26e: {  	v8 =	vld [tilespmem:s10+$0x14040]  }
0x26f: {  	v7 =	vld [tilespmem:s10+$0x14050];
	v12 =	vadd.f32 v6, v12  }
0x270: {  	s18 =	simm.s32 $0x200;
	s23 =	simm.s32 $0x13E80;
	v11 =	vadd.f32 v11, v13;
	v6 =	vld [tilespmem:s10+$0x14060]  }
.LBB2_21:
0x271: {  	s19 =	sshra.s32 s18, $0x2;
	p0 =	sne.s32 s18, $0x4E00;
	v12 =	vmax.f32 v12, $0.0e+00;
	v5 =	vadd.f32 v5, v10;
	v10 =	vld [tilespmem:s10+$0x14070]  }
0x272: {  	v13 =	vld [tilespmem:s19+$0x19000];
	[tilespmem:s10+$0x14000] =	vst v12;
	v11 =	vmax.f32 v11, $0.0e+00;
	v4 =	vadd.f32 v4, v9  }
0x273: {  	v14 =	vld [tilespmem:s19+$0x19010];
	[tilespmem:s10+$0x14010] =	vst v11;
	v9 =	vmax.f32 v5, $0.0e+00;
	v3 =	vadd.f32 v3, v8  }
0x274: {  	v5 =	vld [tilespmem:s19+$0x19020];
	[tilespmem:s10+$0x14020] =	vst v9;
	v8 =	vmax.f32 v4, $0.0e+00;
	v2 =	vadd.f32 v2, v7  }
0x275: {  	v4 =	vld [tilespmem:s19+$0x19030];
	[tilespmem:s10+$0x14030] =	vst v8;
	v7 =	vmax.f32 v3, $0.0e+00;
	v1 =	vadd.f32 v1, v6  }
0x276: {  	v3 =	vld [tilespmem:s19+$0x19040];
	[tilespmem:s10+$0x14040] =	vst v7;
	v6 =	vmax.f32 v2, $0.0e+00;
	v0 =	vadd.f32 v0, v10  }
0x277: {  	v2 =	vld [tilespmem:s19+$0x19050];
	[tilespmem:s10+$0x14050] =	vst v6;
	v6 =	vmax.f32 v1, $0.0e+00  }
0x278: {  	v1 =	vld [tilespmem:s19+$0x19060];
	[tilespmem:s10+$0x14060] =	vst v6;
	v6 =	vmax.f32 v0, $0.0e+00  }
0x279: {  	v0 =	vld [tilespmem:s19+$0x19070];
	[tilespmem:s10+$0x14070] =	vst v6;
	s10 =	smov.u32 s19  }
0x27a: {  	v6 =	vld [tilespmem:s10+$0x14000]  }
0x27b: {  	v11 =	vld [tilespmem:s10+$0x14010]  }
.Ltmp10:
0x27c: {  	v10 =	vld [tilespmem:s10+$0x14020];
	(pc) =	sbr.rel @p0 .LBB2_21-.Ltmp10, $4  }
0x27d: {  	v9 =	vld [tilespmem:s10+$0x14030]  }
0x27e: {  	v8 =	vld [tilespmem:s10+$0x14040]  }
0x27f: {  	v12 =	vadd.f32 v13, v6;
	v7 =	vld [tilespmem:s10+$0x14050]  }
0x280: {  	s18 =	sadd.s32 $0x200, s18;
	v11 =	vadd.f32 v14, v11;
	v6 =	vld [tilespmem:s10+$0x14060]  }
0x281: {  	v12 =	vmax.f32 v12, $0.0e+00;
	v5 =	vadd.f32 v5, v10;
	v10 =	vld [tilespmem:s10+$0x14070]  }
0x282: {  	[tilespmem:s10+$0x14000] =	vst v12;
	v11 =	vmax.f32 v11, $0.0e+00;
	v4 =	vadd.f32 v4, v9  }
0x283: {  	[tilespmem:s10+$0x14010] =	vst v11;
	v5 =	vmax.f32 v5, $0.0e+00;
	v3 =	vadd.f32 v3, v8  }
0x284: {  	[tilespmem:s10+$0x14020] =	vst v5;
	v4 =	vmax.f32 v4, $0.0e+00;
	v2 =	vadd.f32 v2, v7  }
0x285: {  	[tilespmem:s10+$0x14030] =	vst v4;
	v3 =	vmax.f32 v3, $0.0e+00;
	v1 =	vadd.f32 v1, v6  }
0x286: {  	[tilespmem:s10+$0x14040] =	vst v3;
	v2 =	vmax.f32 v2, $0.0e+00;
	v0 =	vadd.f32 v0, v10  }
0x287: {  	[tilespmem:s10+$0x14050] =	vst v2;
	v1 =	vmax.f32 v1, $0.0e+00  }
0x288: {  	[tilespmem:s10+$0x14060] =	vst v1;
	v0 =	vmax.f32 v0, $0.0e+00  }
0x289: {  	s20 =	simm.s32 $0x13E00;
	s4 =	simm.s32 $0x14000;
	[tilespmem:s10+$0x14070] =	vst v0  }
0x28a: {  	[spmem:s3] =	stream.indirect.scatter.add.f32 [tilespmem:s4], [sflag:$0x9], $0x80, s20, s0, $0xb8;
	[tilespmem:$0x1E000] =	vst v63  }
0x28b: {  	_ =	swait.ge [sflag:s11], $0x1400  }
0x28c: {  	[sflag:s11] =	ssyncset.done $0x0  }
0x28d: {  	[sflag:s11] =	ssyncadd.s32 $0xFFFFEC00  }
0x28e: {  	_ =	swait.ge [sflag:s26], $0x1400  }
0x28f: {  	[sflag:s26] =	ssyncset.done $0x0  }
0x290: {  	[sflag:s26] =	ssyncadd.s32 $0xFFFFEC00  }
0x291: {  	_ =	swait.ge [sflag:s26], $0x1400  }
0x292: {  	[sflag:s26] =	ssyncset.done $0x0  }
0x293: {  	s10 =	simm.s32 $0x0;
	[sflag:s26] =	ssyncadd.s32 $0xFFFFEC00  }
0x294: {  	v6 =	vld [tilespmem:s10+$0x1A400]  }
0x295: {  	v11 =	vld [tilespmem:s10+$0x1A410]  }
0x296: {  	v5 =	vld [tilespmem:s10+$0x1A420]  }
0x297: {  	v4 =	vld [tilespmem:s10+$0x1A430]  }
0x298: {  	v3 =	vld [tilespmem:s10+$0x1A440]  }
0x299: {  	v2 =	vld [tilespmem:s10+$0x1A450]  }
0x29a: {  	v1 =	vld [tilespmem:s10+$0x1A460]  }
0x29b: {  	v0 =	vld [tilespmem:s10+$0x1A470]  }
0x29c: {  	v12 =	vld [tilespmem:s10+$0x15400]  }
0x29d: {  	v13 =	vld [tilespmem:s10+$0x15410]  }
0x29e: {  	v10 =	vld [tilespmem:s10+$0x15420]  }
0x29f: {  	v9 =	vld [tilespmem:s10+$0x15430]  }
0x2a0: {  	v8 =	vld [tilespmem:s10+$0x15440]  }
0x2a1: {  	v7 =	vld [tilespmem:s10+$0x15450];
	v12 =	vadd.f32 v6, v12  }
0x2a2: {  	s18 =	simm.s32 $0x200;
	v11 =	vadd.f32 v11, v13;
	v6 =	vld [tilespmem:s10+$0x15460]  }
.LBB2_23:
0x2a3: {  	s19 =	sshra.s32 s18, $0x2;
	p0 =	sne.s32 s18, $0x4E00;
	v12 =	vmax.f32 v12, $0.0e+00;
	v5 =	vadd.f32 v5, v10;
	v10 =	vld [tilespmem:s10+$0x15470]  }
0x2a4: {  	v13 =	vld [tilespmem:s19+$0x1A400];
	[tilespmem:s10+$0x15400] =	vst v12;
	v11 =	vmax.f32 v11, $0.0e+00;
	v4 =	vadd.f32 v4, v9  }
0x2a5: {  	v14 =	vld [tilespmem:s19+$0x1A410];
	[tilespmem:s10+$0x15410] =	vst v11;
	v9 =	vmax.f32 v5, $0.0e+00;
	v3 =	vadd.f32 v3, v8  }
0x2a6: {  	v5 =	vld [tilespmem:s19+$0x1A420];
	[tilespmem:s10+$0x15420] =	vst v9;
	v8 =	vmax.f32 v4, $0.0e+00;
	v2 =	vadd.f32 v2, v7  }
0x2a7: {  	v4 =	vld [tilespmem:s19+$0x1A430];
	[tilespmem:s10+$0x15430] =	vst v8;
	v7 =	vmax.f32 v3, $0.0e+00;
	v1 =	vadd.f32 v1, v6  }
0x2a8: {  	v3 =	vld [tilespmem:s19+$0x1A440];
	[tilespmem:s10+$0x15440] =	vst v7;
	v6 =	vmax.f32 v2, $0.0e+00;
	v0 =	vadd.f32 v0, v10  }
0x2a9: {  	v2 =	vld [tilespmem:s19+$0x1A450];
	[tilespmem:s10+$0x15450] =	vst v6;
	v6 =	vmax.f32 v1, $0.0e+00  }
0x2aa: {  	v1 =	vld [tilespmem:s19+$0x1A460];
	[tilespmem:s10+$0x15460] =	vst v6;
	v6 =	vmax.f32 v0, $0.0e+00  }
0x2ab: {  	v0 =	vld [tilespmem:s19+$0x1A470];
	[tilespmem:s10+$0x15470] =	vst v6;
	s10 =	smov.u32 s19  }
0x2ac: {  	v6 =	vld [tilespmem:s10+$0x15400]  }
0x2ad: {  	v11 =	vld [tilespmem:s10+$0x15410]  }
.Ltmp11:
0x2ae: {  	v10 =	vld [tilespmem:s10+$0x15420];
	(pc) =	sbr.rel @p0 .LBB2_23-.Ltmp11, $4  }
0x2af: {  	v9 =	vld [tilespmem:s10+$0x15430]  }
0x2b0: {  	v8 =	vld [tilespmem:s10+$0x15440]  }
0x2b1: {  	v12 =	vadd.f32 v13, v6;
	v7 =	vld [tilespmem:s10+$0x15450]  }
0x2b2: {  	s18 =	sadd.s32 $0x200, s18;
	v11 =	vadd.f32 v14, v11;
	v6 =	vld [tilespmem:s10+$0x15460]  }
0x2b3: {  	v12 =	vmax.f32 v12, $0.0e+00;
	v5 =	vadd.f32 v5, v10;
	v63 =	vld [tilespmem:s10+$0x15470]  }
0x2b4: {  	[tilespmem:s10+$0x15400] =	vst v12;
	v11 =	vmax.f32 v11, $0.0e+00;
	v4 =	vadd.f32 v4, v9  }
0x2b5: {  	[tilespmem:s10+$0x15410] =	vst v11;
	v5 =	vmax.f32 v5, $0.0e+00;
	v3 =	vadd.f32 v3, v8  }
0x2b6: {  	[tilespmem:s10+$0x15420] =	vst v5;
	v4 =	vmax.f32 v4, $0.0e+00;
	v2 =	vadd.f32 v2, v7  }
0x2b7: {  	[tilespmem:s10+$0x15430] =	vst v4;
	v3 =	vmax.f32 v3, $0.0e+00;
	v1 =	vadd.f32 v1, v6  }
0x2b8: {  	[tilespmem:s10+$0x15440] =	vst v3;
	v2 =	vmax.f32 v2, $0.0e+00;
	v0 =	vadd.f32 v0, v63  }
0x2b9: {  	[tilespmem:s10+$0x15450] =	vst v2;
	v1 =	vmax.f32 v1, $0.0e+00  }
0x2ba: {  	[tilespmem:s10+$0x15460] =	vst v1;
	v0 =	vmax.f32 v0, $0.0e+00  }
0x2bb: {  	[tilespmem:s10+$0x15470] =	vst v0  }
0x2bc: {  	[spmem:s3] =	stream.indirect.scatter.add.f32 [tilespmem:s16], [sflag:$0xA], $0x80, s23, s0, $0xb8;
	[tilespmem:$0x1E000] =	vst v63  }
0x2bd: {  	_ =	swait.ge [sflag:s15], $0x1400  }
0x2be: {  	[sflag:s15] =	ssyncset.done $0x0  }
0x2bf: {  	[sflag:s15] =	ssyncadd.s32 $0xFFFFEC00  }
0x2c0: {  	_ =	swait.ge [sflag:s14], $0x1400  }
0x2c1: {  	[sflag:s14] =	ssyncset.done $0x0  }
0x2c2: {  	[sflag:s14] =	ssyncadd.s32 $0xFFFFEC00  }
0x2c3: {  	[bflag:$0x0] =	sbarrier.arrive $0xFFFF  }
0x2c4: {  	s20 =	sld [smem:$0x7FC]  }
0x2c5: {  	s4 =	sld [smem:$0x7FA];
	_ =	sdelay $0x1  }
0x2c6: {  	s19 =	simm.s32 $0xD;
	s18 =	rddreg [dreg:$0x7]  }
0x2c7: {  	[hbm:s20], [sflag:s18] =	dma.local [spmem:s4], $0x2780  }
0x2c8: {  	_ =	swait.ge [sflag:s19], $0x2780  }
0x2c9: {  	s10 =	sld [smem:$0x7F9]  }
0x2ca: {  	s20 =	sld [smem:$0x7FD];
	_ =	sdelay $0x1  }
0x2cb: {  	s4 =	sadd.s32 $0x1, s10  }
0x2cc: {  	p0 =	sne.s32 s4, s20  }
.Ltmp12:
0x2cd: {  	_ = 	snop;
	(pc) =	sbr.rel @p0 .LBB2_1-.Ltmp12, $3  }
0x2ce: {  	_ =	sdelay $0x1  }
0x2cf: {  	[sflag:s19] =	ssyncset.done $0x0  }
0x2d0: {  	[sflag:s19] =	ssyncadd.s32 $0xFFFFD880  }
0x2d1: {  	_ =	sfence.sel $0x180000  }
0x2d2: {  	[bflag:$0x0] =	sbarrier.arrive $0xFFFF  }
0x2d3: {  	_ =	strace $0x90000047  }
0x2d4: {  	s0 =	stileid.u32;
	[bflag:$0x2] =	sbarrier.arrive $0xFFFF  }
0x2d5: {  	p0 =	sne.s32 s0, $0x0;
	s0 =	rddreg [dreg:$0x4]  }
0x2d6: {  	s0 =	sadd.s32 @!p0 $0x100000, s0  }
0x2d7: {  	[sflag:s0] =	ssyncadd.tile.s32 @!p0 $0x1;
	_ =	shalt  }
.Lfunc_end2:
_tile_overlayer_lowered:
.L_overlay_start_2:
0x2d8: {  	(tag) =	ssettag $0x2  }
0x2d9: {  	s0 =	rddreg [dreg:$0x0];
	s2 =	stileid.u32  }
0x2da: {  	s1 =	rddreg [dreg:$0x1];
	p0 =	sne.s32 s2, $0x0  }
0x2db: {  	s3 =	rddreg [dreg:$0x2];
	[bflag:$0x3] =	sbarrier.arrive $0xFFFF;
	s2 =	simm.s32 @!p0 $0x1C0D  }
0x2dc: {  	[timem:s3], [sflag:s2] =	dma.local @!p0 [hbm:s0], s1  }
0x2dd: {  	s0 =	simm.s32 @!p0 $0xD  }
0x2de: {  	_ =	swait.ge @!p0 [sflag:s0], s1  }
0x2df: {  	s1 =	ssub.s32 @!p0 $0x0, s1;
	[sflag:s0] =	ssyncset.done @!p0 $0x0  }
0x2e0: {  	[sflag:s0] =	ssyncadd.s32 @!p0 s1  }
0x2e1: {  	[bflag:$0x3] =	sbarrier.arrive $0xFFFF  }
0x2e2: {  	_ =	shalt  }

</sc_bundles>
